<compile_context>
chip_gen: v7x
topology: tpu7x:2x2x1
jax: 0.10.2.dev20260603
libtpu: 0.0.44.dev20260713+nightly
codegen_flags: <defaults>
</compile_context>

<pallas_src>
import dataclasses
import functools

import jax
import jax.numpy as jnp
from jax import lax
from jax.experimental import pallas as pl
from jax.experimental.pallas import tpu as pltpu
from jax.experimental.pallas import tpu_sc as plsc

LATENT = 32
LANES = 16
NUM_CORES = 2
NUM_SUBCORES = 16
NUM_WORKERS = NUM_CORES * NUM_SUBCORES
SUB = 2
NSUB = LANES // SUB
RING = 4
DIST = 3
DCLS = LANES // SUB


def _scores_sc(uidx, iidx, ut_t, it_t, w_flat, bias16):
    batch = uidx.shape[0]
    b_per_w = batch // NUM_WORKERS
    n_groups = b_per_w // LANES

    mesh = plsc.VectorSubcoreMesh(core_axis_name="c", subcore_axis_name="s")
    cparams = pltpu.CompilerParams()
    if "needs_layout_passes" in pltpu.CompilerParams.__dataclass_fields__:
        cparams = dataclasses.replace(cparams, needs_layout_passes=False)

    @functools.partial(
        pl.kernel,
        mesh=mesh,
        compiler_params=cparams,
        out_type=jax.ShapeDtypeStruct((batch,), jnp.float32),
        scratch_types=[
            pltpu.VMEM((b_per_w,), jnp.int32),
            pltpu.VMEM((b_per_w,), jnp.int32),
            pltpu.VMEM((RING, SUB, LATENT, 128), jnp.float32),
            pltpu.VMEM((RING, SUB, LATENT, 128), jnp.float32),
            pltpu.VMEM((b_per_w * LANES // SUB,), jnp.float32),
            pltpu.VMEM((b_per_w,), jnp.float32),
            pltpu.VMEM((LATENT,), jnp.float32),
            pltpu.VMEM((LANES,), jnp.float32),
        ] + [pltpu.SemaphoreType.DMA] * (2 * RING),
    )
    def k(uidx_hbm, iidx_hbm, ut_hbm, it_hbm, w_hbm, b_hbm, out_hbm,
          uidx_v, iidx_v, ublk, iblk, acc_v, scores_v, w_v, b_v, *sems):
        wid = lax.axis_index("s") * NUM_CORES + lax.axis_index("c")
        base = wid * b_per_w

        pltpu.sync_copy(uidx_hbm.at[pl.ds(base, b_per_w)], uidx_v)
        pltpu.sync_copy(iidx_hbm.at[pl.ds(base, b_per_w)], iidx_v)
        pltpu.sync_copy(w_hbm, w_v)
        pltpu.sync_copy(b_hbm, b_v)

        semu = sems[:RING]
        semi = sems[RING:]
        iota = lax.iota(jnp.int32, LANES)
        jsel = iota // DCLS
        ddsel = iota % DCLS
        bvec = b_v[...]
        wseg = [plsc.load_gather(w_v, [ddsel + dg * DCLS])
                for dg in range(LATENT // DCLS)]

        def issue(gg, scn, pp):
            uvec = uidx_v[pl.ds(gg * LANES, LANES)]
            ivec = iidx_v[pl.ds(gg * LANES, LANES)]
            uoffs = (uvec >> 7) << 7
            ioffs = (ivec >> 7) << 7
            for j in range(SUB):
                lane = scn * SUB + j
                uo = pl.multiple_of(uoffs[lane], 128)
                io = pl.multiple_of(ioffs[lane], 128)
                pltpu.async_copy(ut_hbm.at[:, pl.ds(uo, 128)],
                                 ublk.at[pp, j], semu[pp])
                pltpu.async_copy(it_hbm.at[:, pl.ds(io, 128)],
                                 iblk.at[pp, j], semi[pp])

        def drain(pp):
            for j in range(SUB):
                pltpu.make_async_copy(ut_hbm.at[:, pl.ds(0, 128)],
                                      ublk.at[pp, j], semu[pp]).wait()
                pltpu.make_async_copy(it_hbm.at[:, pl.ds(0, 128)],
                                      iblk.at[pp, j], semi[pp]).wait()

        for n in range(DIST):
            issue(n // NSUB, n % NSUB, n % RING)

        @pl.loop(0, n_groups)
        def _(g):
            for sc in range(NSUB):
                par = sc % RING
                tgt_sc = (sc + DIST) % NSUB
                tgt_pp = (sc + DIST) % RING
                if (sc + DIST) // NSUB:
                    @pl.when(g < n_groups - 1)
                    def _():
                        issue(g + 1, tgt_sc, tgt_pp)
                else:
                    issue(g, tgt_sc, tgt_pp)
                drain(par)
                cpos = g * LANES + sc * SUB + jsel
                lmu = plsc.load_gather(uidx_v, [cpos]) & 127
                lmi = plsc.load_gather(iidx_v, [cpos]) & 127
                pvec = jnp.full((LANES,), par, jnp.int32)
                acc = jnp.zeros((LANES,), jnp.float32)
                for dg in range(LATENT // DCLS):
                    dvec = ddsel + dg * DCLS
                    gu = plsc.load_gather(ublk, [pvec, jsel, dvec, lmu])
                    gv = plsc.load_gather(iblk, [pvec, jsel, dvec, lmi])
                    acc = acc + gu * gv * wseg[dg]
                acc_v[pl.ds((g * NSUB + sc) * LANES, LANES)] = acc

        qsel = (iota // SUB) * LANES + (iota % SUB) * DCLS

        @pl.loop(0, n_groups)
        def _(og):
            idx0 = og * (NSUB * LANES) + qsel
            s = bvec
            for dd in range(DCLS):
                s = s + plsc.load_gather(acc_v, [idx0 + dd])
            scores_v[pl.ds(og * LANES, LANES)] = s

        pltpu.sync_copy(scores_v, out_hbm.at[pl.ds(base, b_per_w)])

    return k(uidx, iidx, ut_t, it_t, w_flat, bias16)


def kernel(user_indices, item_indices, user_table, item_table, affine_W,
           affine_b):
    uidx = user_indices.astype(jnp.int32)
    iidx = item_indices.astype(jnp.int32)
    w_flat = affine_W.reshape(LATENT).astype(jnp.float32)
    bias16 = jnp.broadcast_to(affine_b.astype(jnp.float32), (LANES,))
    scores = _scores_sc(uidx, iidx, user_table.T, item_table.T, w_flat,
                        bias16)
    return scores.reshape(user_indices.shape[0], 1)

# --- scband reference (transcript-rebuilt; emitter-appended) ---
"""Pipeline reference for scband-gmf-31894427140831 (READ-ONLY COPY).

The authoritative reference and input builder live on the scoring server;
editing this copy changes nothing except your own understanding.
"""

import jax, jax.numpy as jnp
import numpy as np

NUM_USERS = 1000000
NUM_ITEMS = 1000000
LATENT_DIM = 32
BATCH = 16384

def setup_inputs(seed: int = 0) -> dict:
    key = jax.random.key(seed)
    k1, k2, k3, k4, k5, k6 = jax.random.split(key, 6)
    user_indices = jax.random.randint(k1, (BATCH,), 0, NUM_USERS, dtype=jnp.int64 if jax.config.jax_enable_x64 else jnp.int32)
    item_indices = jax.random.randint(k2, (BATCH,), 0, NUM_ITEMS, dtype=jnp.int64 if jax.config.jax_enable_x64 else jnp.int32)
    user_table = jax.random.normal(k3, (NUM_USERS, LATENT_DIM), dtype=jnp.float32)
    item_table = jax.random.normal(k4, (NUM_ITEMS, LATENT_DIM), dtype=jnp.float32)
    # Linear(latent_dim -> 1), torch default init: U(-1/sqrt(fan_in), 1/sqrt(fan_in))
    bound = 1.0 / np.sqrt(LATENT_DIM)
    affine_W = jax.random.uniform(k5, (LATENT_DIM, 1), dtype=jnp.float32, minval=-bound, maxval=bound)
    affine_b = jax.random.uniform(k6, (1,), dtype=jnp.float32, minval=-bound, maxval=bound)
    return {
        "user_indices": user_indices,
        "item_indices": item_indices,
        "user_table": user_table,
        "item_table": item_table,
        "affine_W": affine_W,
        "affine_b": affine_b,
    }

def reference(user_indices, item_indices, user_table, item_table, affine_W, affine_b):
    user_embedding = jnp.take(user_table, user_indices, axis=0)
    item_embedding = jnp.take(item_table, item_indices, axis=0)
    element_product = user_embedding * item_embedding
    scores = element_product @ affine_W + affine_b
    return scores

if __name__ == "__main__":
    import jax
    _d = setup_inputs()
    print(jax.jit(kernel)(*tuple(_d.values())))

</pallas_src>

<mosaic_0001>
#map = affine_map<(d0, d1) -> (0)>
#map1 = affine_map<(d0, d1) -> (0, 0)>
module attributes {stable_mosaic.version = 14 : i64} {
  func.func @k(%arg0: i32, %arg1: i32, %arg2: memref<16384xi32, #tpu.memory_space<hbm>>, %arg3: memref<16384xi32, #tpu.memory_space<hbm>>, %arg4: memref<32x1000000xf32, #tpu.memory_space<hbm>>, %arg5: memref<32x1000000xf32, #tpu.memory_space<hbm>>, %arg6: memref<32xf32, #tpu.memory_space<hbm>>, %arg7: memref<16xf32, #tpu.memory_space<hbm>>, %arg8: memref<16384xf32, #tpu.memory_space<hbm>>, %arg9: memref<512xi32, #tpu.memory_space<vmem>>, %arg10: memref<512xi32, #tpu.memory_space<vmem>>, %arg11: memref<4x2x32x128xf32, #tpu.memory_space<vmem>>, %arg12: memref<4x2x32x128xf32, #tpu.memory_space<vmem>>, %arg13: memref<4096xf32, #tpu.memory_space<vmem>>, %arg14: memref<512xf32, #tpu.memory_space<vmem>>, %arg15: memref<32xf32, #tpu.memory_space<vmem>>, %arg16: memref<16xf32, #tpu.memory_space<vmem>>, %arg17: memref<!tpu.dma_semaphore, #tpu.memory_space<semaphore_mem>>, %arg18: memref<!tpu.dma_semaphore, #tpu.memory_space<semaphore_mem>>, %arg19: memref<!tpu.dma_semaphore, #tpu.memory_space<semaphore_mem>>, %arg20: memref<!tpu.dma_semaphore, #tpu.memory_space<semaphore_mem>>, %arg21: memref<!tpu.dma_semaphore, #tpu.memory_space<semaphore_mem>>, %arg22: memref<!tpu.dma_semaphore, #tpu.memory_space<semaphore_mem>>, %arg23: memref<!tpu.dma_semaphore, #tpu.memory_space<semaphore_mem>>, %arg24: memref<!tpu.dma_semaphore, #tpu.memory_space<semaphore_mem>>) attributes {dimension_semantics = [#tpu.dimension_semantics<core_parallel>, #tpu.dimension_semantics<subcore_parallel>], iteration_bounds = array<i64: 2, 16>, scalar_prefetch = 0 : i64, scratch_operands = 16 : i64, tpu.core_type = #tpu.core_type<sc_vector_subcore>, window_params = [{transform_indices = #map}, {transform_indices = #map}, {transform_indices = #map1}, {transform_indices = #map1}, {transform_indices = #map}, {transform_indices = #map}, {transform_indices = #map}]} {
    %mul3A = arith.constant 2 : i32
    %mul3A_0 = arith.muli %arg1, %mul3A : i32
    %add3A = arith.addi %mul3A_0, %arg0 : i32
    %mul3A_1 = arith.constant 512 : i32
    %mul3A_2 = arith.muli %add3A, %mul3A_1 : i32
    "tpu.region"() ({
      %run_scoped3A = tpu.sem_alloc : memref<!tpu.dma_semaphore, #tpu.memory_space<semaphore_mem>>
      %dma_start3A_377 = tpu.memref_slice %arg2[%mul3A_2] : memref<16384xi32, #tpu.memory_space<hbm>> -> memref<512xi32, #tpu.memory_space<hbm>>
      %dma_start3A_378 = tpu.memref_slice %arg2[%mul3A_2] : memref<16384xi32, #tpu.memory_space<hbm>> -> memref<512xi32, #tpu.memory_space<hbm>>
      tpu.enqueue_dma source(%dma_start3A_378 : memref<512xi32, #tpu.memory_space<hbm>>) target(%arg9 : memref<512xi32, #tpu.memory_space<vmem>>) target_semaphore(%run_scoped3A : memref<!tpu.dma_semaphore, #tpu.memory_space<semaphore_mem>>)
      %dma_wait3A = tpu.memref_slice %arg2[%mul3A_2] : memref<16384xi32, #tpu.memory_space<hbm>> -> memref<512xi32, #tpu.memory_space<hbm>>
      %dma_wait3A_379 = tpu.memref_slice %arg2[%mul3A_2] : memref<16384xi32, #tpu.memory_space<hbm>> -> memref<512xi32, #tpu.memory_space<hbm>>
      tpu.wait_dma2 semaphore(%run_scoped3A : memref<!tpu.dma_semaphore, #tpu.memory_space<semaphore_mem>>) src(%dma_wait3A_379 : memref<512xi32, #tpu.memory_space<hbm>>) dst(%arg9 : memref<512xi32, #tpu.memory_space<vmem>>)
      tpu.yield
    }) : () -> ()
    "tpu.region"() ({
      %run_scoped3A = tpu.sem_alloc : memref<!tpu.dma_semaphore, #tpu.memory_space<semaphore_mem>>
      %dma_start3A_377 = tpu.memref_slice %arg3[%mul3A_2] : memref<16384xi32, #tpu.memory_space<hbm>> -> memref<512xi32, #tpu.memory_space<hbm>>
      %dma_start3A_378 = tpu.memref_slice %arg3[%mul3A_2] : memref<16384xi32, #tpu.memory_space<hbm>> -> memref<512xi32, #tpu.memory_space<hbm>>
      tpu.enqueue_dma source(%dma_start3A_378 : memref<512xi32, #tpu.memory_space<hbm>>) target(%arg10 : memref<512xi32, #tpu.memory_space<vmem>>) target_semaphore(%run_scoped3A : memref<!tpu.dma_semaphore, #tpu.memory_space<semaphore_mem>>)
      %dma_wait3A = tpu.memref_slice %arg3[%mul3A_2] : memref<16384xi32, #tpu.memory_space<hbm>> -> memref<512xi32, #tpu.memory_space<hbm>>
      %dma_wait3A_379 = tpu.memref_slice %arg3[%mul3A_2] : memref<16384xi32, #tpu.memory_space<hbm>> -> memref<512xi32, #tpu.memory_space<hbm>>
      tpu.wait_dma2 semaphore(%run_scoped3A : memref<!tpu.dma_semaphore, #tpu.memory_space<semaphore_mem>>) src(%dma_wait3A_379 : memref<512xi32, #tpu.memory_space<hbm>>) dst(%arg10 : memref<512xi32, #tpu.memory_space<vmem>>)
      tpu.yield
    }) : () -> ()
    "tpu.region"() ({
      %run_scoped3A = tpu.sem_alloc : memref<!tpu.dma_semaphore, #tpu.memory_space<semaphore_mem>>
      tpu.enqueue_dma source(%arg6 : memref<32xf32, #tpu.memory_space<hbm>>) target(%arg15 : memref<32xf32, #tpu.memory_space<vmem>>) target_semaphore(%run_scoped3A : memref<!tpu.dma_semaphore, #tpu.memory_space<semaphore_mem>>)
      tpu.wait_dma2 semaphore(%run_scoped3A : memref<!tpu.dma_semaphore, #tpu.memory_space<semaphore_mem>>) src(%arg6 : memref<32xf32, #tpu.memory_space<hbm>>) dst(%arg15 : memref<32xf32, #tpu.memory_space<vmem>>)
      tpu.yield
    }) : () -> ()
    "tpu.region"() ({
      %run_scoped3A = tpu.sem_alloc : memref<!tpu.dma_semaphore, #tpu.memory_space<semaphore_mem>>
      tpu.enqueue_dma source(%arg7 : memref<16xf32, #tpu.memory_space<hbm>>) target(%arg16 : memref<16xf32, #tpu.memory_space<vmem>>) target_semaphore(%run_scoped3A : memref<!tpu.dma_semaphore, #tpu.memory_space<semaphore_mem>>)
      tpu.wait_dma2 semaphore(%run_scoped3A : memref<!tpu.dma_semaphore, #tpu.memory_space<semaphore_mem>>) src(%arg7 : memref<16xf32, #tpu.memory_space<hbm>>) dst(%arg16 : memref<16xf32, #tpu.memory_space<vmem>>)
      tpu.yield
    }) : () -> ()
    %iota3A = tpu.iota {dimensions = array<i32: 0>} : vector<16xi32>
    %jit3A = arith.constant 8 : i32
    %div3A = vector.broadcast %jit3A : i32 to vector<16xi32>
    %div3A_3 = arith.divsi %iota3A, %div3A : vector<16xi32>
    %sign3A = arith.constant 0 : i32
    %sign3A_4 = vector.broadcast %sign3A : i32 to vector<16xi32>
    %sign3A_5 = arith.cmpi sgt, %iota3A, %sign3A_4 : vector<16xi32>
    %sign3A_6 = arith.extui %sign3A_5 : vector<16xi1> to vector<16xi32>
    %sign3A_7 = arith.constant 0 : i32
    %sign3A_8 = vector.broadcast %sign3A_7 : i32 to vector<16xi32>
    %sign3A_9 = arith.cmpi slt, %iota3A, %sign3A_8 : vector<16xi32>
    %sign3A_10 = arith.extui %sign3A_9 : vector<16xi1> to vector<16xi32>
    %sign3A_11 = arith.subi %sign3A_6, %sign3A_10 : vector<16xi32>
    %sign3A_12 = arith.constant 0 : i32
    %sign3A_13 = arith.cmpi sgt, %jit3A, %sign3A_12 : i32
    %sign3A_14 = arith.extui %sign3A_13 : i1 to i32
    %sign3A_15 = arith.constant 0 : i32
    %sign3A_16 = arith.cmpi slt, %jit3A, %sign3A_15 : i32
    %sign3A_17 = arith.extui %sign3A_16 : i1 to i32
    %sign3A_18 = arith.subi %sign3A_14, %sign3A_17 : i32
    %ne3A = vector.broadcast %sign3A_18 : i32 to vector<16xi32>
    %ne3A_19 = arith.cmpi ne, %sign3A_11, %ne3A : vector<16xi32>
    %rem3A = vector.broadcast %jit3A : i32 to vector<16xi32>
    %rem3A_20 = arith.remsi %iota3A, %rem3A : vector<16xi32>
    %ne3A_21 = arith.constant 0 : i32
    %ne3A_22 = vector.broadcast %ne3A_21 : i32 to vector<16xi32>
    %ne3A_23 = arith.cmpi ne, %rem3A_20, %ne3A_22 : vector<16xi32>
    %and3A = arith.andi %ne3A_19, %ne3A_23 : vector<16xi1>
    %sub3A = arith.constant 1 : i32
    %sub3A_24 = vector.broadcast %sub3A : i32 to vector<16xi32>
    %sub3A_25 = arith.subi %div3A_3, %sub3A_24 : vector<16xi32>
    %select_n3A = arith.select %and3A, %sub3A_25, %div3A_3 : vector<16xi1>, vector<16xi32>
    %jit3A_26 = arith.constant 8 : i32
    %eq3A = arith.constant 0 : i32
    %eq3A_27 = arith.cmpi eq, %jit3A_26, %eq3A : i32
    %jit3A_28 = arith.constant 1 : i32
    %select_n3A_29 = arith.select %eq3A_27, %jit3A_28, %jit3A_26 : i32
    %rem3A_30 = vector.broadcast %select_n3A_29 : i32 to vector<16xi32>
    %rem3A_31 = arith.remsi %iota3A, %rem3A_30 : vector<16xi32>
    %ne3A_32 = arith.constant 0 : i32
    %ne3A_33 = vector.broadcast %ne3A_32 : i32 to vector<16xi32>
    %ne3A_34 = arith.cmpi ne, %rem3A_31, %ne3A_33 : vector<16xi32>
    %lt3A = arith.constant 0 : i32
    %lt3A_35 = vector.broadcast %lt3A : i32 to vector<16xi32>
    %lt3A_36 = arith.cmpi slt, %rem3A_31, %lt3A_35 : vector<16xi32>
    %lt3A_37 = arith.constant 0 : i32
    %lt3A_38 = arith.cmpi slt, %select_n3A_29, %lt3A_37 : i32
    %ne3A_39 = vector.broadcast %lt3A_38 : i1 to vector<16xi1>
    %ne3A_40 = vector.broadcast %ne3A_39 : vector<16xi1> to vector<16xi1>
    %ne3A_41 = arith.xori %lt3A_36, %ne3A_40 : vector<16xi1>
    %and3A_42 = arith.andi %ne3A_41, %ne3A_34 : vector<16xi1>
    %add3A_43 = vector.broadcast %select_n3A_29 : i32 to vector<16xi32>
    %add3A_44 = arith.addi %rem3A_31, %add3A_43 : vector<16xi32>
    %select_n3A_45 = arith.select %and3A_42, %add3A_44, %rem3A_31 : vector<16xi1>, vector<16xi32>
    %get3A = arith.constant 0 : index
    %get3A_46 = tpu.vector_load %arg16[%get3A] {strides = array<i32>} : memref<16xf32, #tpu.memory_space<vmem>>, vector<16xf32>,
    %add3A_47 = arith.constant 0 : i32
    %add3A_48 = vector.broadcast %add3A_47 : i32 to vector<16xi32>
    %add3A_49 = arith.addi %select_n3A_45, %add3A_48 : vector<16xi32>
    %gather3A = tpu.vector_load_idx %arg15[%add3A_49] : memref<32xf32, #tpu.memory_space<vmem>>[vector<16xi32>], vector<16xf32>,
    %add3A_50 = arith.constant 8 : i32
    %add3A_51 = vector.broadcast %add3A_50 : i32 to vector<16xi32>
    %add3A_52 = arith.addi %select_n3A_45, %add3A_51 : vector<16xi32>
    %gather3A_53 = tpu.vector_load_idx %arg15[%add3A_52] : memref<32xf32, #tpu.memory_space<vmem>>[vector<16xi32>], vector<16xf32>,
    %add3A_54 = arith.constant 16 : i32
    %add3A_55 = vector.broadcast %add3A_54 : i32 to vector<16xi32>
    %add3A_56 = arith.addi %select_n3A_45, %add3A_55 : vector<16xi32>
    %gather3A_57 = tpu.vector_load_idx %arg15[%add3A_56] : memref<32xf32, #tpu.memory_space<vmem>>[vector<16xi32>], vector<16xf32>,
    %add3A_58 = arith.constant 24 : i32
    %add3A_59 = vector.broadcast %add3A_58 : i32 to vector<16xi32>
    %add3A_60 = arith.addi %select_n3A_45, %add3A_59 : vector<16xi32>
    %gather3A_61 = tpu.vector_load_idx %arg15[%add3A_60] : memref<32xf32, #tpu.memory_space<vmem>>[vector<16xi32>], vector<16xf32>,
    %get3A_62 = arith.constant 0 : index
    %get3A_63 = tpu.vector_load %arg9[%get3A_62] {strides = array<i32>} : memref<512xi32, #tpu.memory_space<vmem>>, vector<16xi32>,
    %get3A_64 = arith.constant 0 : index
    %get3A_65 = tpu.vector_load %arg10[%get3A_64] {strides = array<i32>} : memref<512xi32, #tpu.memory_space<vmem>>, vector<16xi32>,
    %shift_right_arithmetic3A = arith.constant 7 : i32
    %shift_right_arithmetic3A_66 = vector.broadcast %shift_right_arithmetic3A : i32 to vector<16xi32>
    %shift_right_arithmetic3A_67 = arith.shrsi %get3A_63, %shift_right_arithmetic3A_66 : vector<16xi32>
    %shift_left3A = arith.constant 7 : i32
    %shift_left3A_68 = vector.broadcast %shift_left3A : i32 to vector<16xi32>
    %shift_left3A_69 = arith.shli %shift_right_arithmetic3A_67, %shift_left3A_68 : vector<16xi32>
    %shift_right_arithmetic3A_70 = arith.constant 7 : i32
    %shift_right_arithmetic3A_71 = vector.broadcast %shift_right_arithmetic3A_70 : i32 to vector<16xi32>
    %shift_right_arithmetic3A_72 = arith.shrsi %get3A_65, %shift_right_arithmetic3A_71 : vector<16xi32>
    %shift_left3A_73 = arith.constant 7 : i32
    %shift_left3A_74 = vector.broadcast %shift_left3A_73 : i32 to vector<16xi32>
    %shift_left3A_75 = arith.shli %shift_right_arithmetic3A_72, %shift_left3A_74 : vector<16xi32>
    %slice3A = vector.extract_strided_slice %shift_left3A_69 {offsets = [0], sizes = [1], strides = [1]} : vector<16xi32> to vector<1xi32>
    %squeeze3A = vector.extract %slice3A[0] : i32 from vector<1xi32>
    %multiple_of3A = tpu.assume_multiple %squeeze3A, 128 : i32
    %slice3A_76 = vector.extract_strided_slice %shift_left3A_75 {offsets = [0], sizes = [1], strides = [1]} : vector<16xi32> to vector<1xi32>
    %squeeze3A_77 = vector.extract %slice3A_76[0] : i32 from vector<1xi32>
    %multiple_of3A_78 = tpu.assume_multiple %squeeze3A_77, 128 : i32
    %dma_start3A = arith.constant 0 : i32
    %dma_start3A_79 = arith.constant 0 : i32
    %dma_start3A_80 = arith.constant 0 : i32
    %dma_start3A_81 = arith.constant 0 : i32
    %dma_start3A_82 = tpu.memref_slice %arg11[%dma_start3A, %dma_start3A_79, %dma_start3A_80, %dma_start3A_81] : memref<4x2x32x128xf32, #tpu.memory_space<vmem>> -> memref<1x1x32x128xf32, #tpu.memory_space<vmem>>
    %dma_start3A_83 = tpu.memref_squeeze %dma_start3A_82 : memref<1x1x32x128xf32, #tpu.memory_space<vmem>> -> memref<32x128xf32, #tpu.memory_space<vmem>>
    %dma_start3A_84 = arith.constant 0 : i32
    %dma_start3A_85 = tpu.memref_slice %arg4[%dma_start3A_84, %multiple_of3A] : memref<32x1000000xf32, #tpu.memory_space<hbm>> -> memref<32x128xf32, #tpu.memory_space<hbm>>
    %dma_start3A_86 = arith.constant 0 : i32
    %dma_start3A_87 = arith.constant 0 : i32
    %dma_start3A_88 = tpu.memref_slice %arg11[%dma_start3A, %dma_start3A_79, %dma_start3A_86, %dma_start3A_87] : memref<4x2x32x128xf32, #tpu.memory_space<vmem>> -> memref<1x1x32x128xf32, #tpu.memory_space<vmem>>
    %dma_start3A_89 = tpu.memref_squeeze %dma_start3A_88 : memref<1x1x32x128xf32, #tpu.memory_space<vmem>> -> memref<32x128xf32, #tpu.memory_space<vmem>>
    %dma_start3A_90 = arith.constant 0 : i32
    %dma_start3A_91 = tpu.memref_slice %arg4[%dma_start3A_90, %multiple_of3A] : memref<32x1000000xf32, #tpu.memory_space<hbm>> -> memref<32x128xf32, #tpu.memory_space<hbm>>
    tpu.enqueue_dma source(%dma_start3A_91 : memref<32x128xf32, #tpu.memory_space<hbm>>) target(%dma_start3A_89 : memref<32x128xf32, #tpu.memory_space<vmem>>) target_semaphore(%arg17 : memref<!tpu.dma_semaphore, #tpu.memory_space<semaphore_mem>>)
    %dma_start3A_92 = arith.constant 0 : i32
    %dma_start3A_93 = arith.constant 0 : i32
    %dma_start3A_94 = arith.constant 0 : i32
    %dma_start3A_95 = arith.constant 0 : i32
    %dma_start3A_96 = tpu.memref_slice %arg12[%dma_start3A_92, %dma_start3A_93, %dma_start3A_94, %dma_start3A_95] : memref<4x2x32x128xf32, #tpu.memory_space<vmem>> -> memref<1x1x32x128xf32, #tpu.memory_space<vmem>>
    %dma_start3A_97 = tpu.memref_squeeze %dma_start3A_96 : memref<1x1x32x128xf32, #tpu.memory_space<vmem>> -> memref<32x128xf32, #tpu.memory_space<vmem>>
    %dma_start3A_98 = arith.constant 0 : i32
    %dma_start3A_99 = tpu.memref_slice %arg5[%dma_start3A_98, %multiple_of3A_78] : memref<32x1000000xf32, #tpu.memory_space<hbm>> -> memref<32x128xf32, #tpu.memory_space<hbm>>
    %dma_start3A_100 = arith.constant 0 : i32
    %dma_start3A_101 = arith.constant 0 : i32
    %dma_start3A_102 = tpu.memref_slice %arg12[%dma_start3A_92, %dma_start3A_93, %dma_start3A_100, %dma_start3A_101] : memref<4x2x32x128xf32, #tpu.memory_space<vmem>> -> memref<1x1x32x128xf32, #tpu.memory_space<vmem>>
    %dma_start3A_103 = tpu.memref_squeeze %dma_start3A_102 : memref<1x1x32x128xf32, #tpu.memory_space<vmem>> -> memref<32x128xf32, #tpu.memory_space<vmem>>
    %dma_start3A_104 = arith.constant 0 : i32
    %dma_start3A_105 = tpu.memref_slice %arg5[%dma_start3A_104, %multiple_of3A_78] : memref<32x1000000xf32, #tpu.memory_space<hbm>> -> memref<32x128xf32, #tpu.memory_space<hbm>>
    tpu.enqueue_dma source(%dma_start3A_105 : memref<32x128xf32, #tpu.memory_space<hbm>>) target(%dma_start3A_103 : memref<32x128xf32, #tpu.memory_space<vmem>>) target_semaphore(%arg21 : memref<!tpu.dma_semaphore, #tpu.memory_space<semaphore_mem>>)
    %slice3A_106 = vector.extract_strided_slice %shift_left3A_69 {offsets = [1], sizes = [1], strides = [1]} : vector<16xi32> to vector<1xi32>
    %squeeze3A_107 = vector.extract %slice3A_106[0] : i32 from vector<1xi32>
    %multiple_of3A_108 = tpu.assume_multiple %squeeze3A_107, 128 : i32
    %slice3A_109 = vector.extract_strided_slice %shift_left3A_75 {offsets = [1], sizes = [1], strides = [1]} : vector<16xi32> to vector<1xi32>
    %squeeze3A_110 = vector.extract %slice3A_109[0] : i32 from vector<1xi32>
    %multiple_of3A_111 = tpu.assume_multiple %squeeze3A_110, 128 : i32
    %dma_start3A_112 = arith.constant 0 : i32
    %dma_start3A_113 = arith.constant 1 : i32
    %dma_start3A_114 = arith.constant 0 : i32
    %dma_start3A_115 = arith.constant 0 : i32
    %dma_start3A_116 = tpu.memref_slice %arg11[%dma_start3A_112, %dma_start3A_113, %dma_start3A_114, %dma_start3A_115] : memref<4x2x32x128xf32, #tpu.memory_space<vmem>> -> memref<1x1x32x128xf32, #tpu.memory_space<vmem>>
    %dma_start3A_117 = tpu.memref_squeeze %dma_start3A_116 : memref<1x1x32x128xf32, #tpu.memory_space<vmem>> -> memref<32x128xf32, #tpu.memory_space<vmem>>
    %dma_start3A_118 = arith.constant 0 : i32
    %dma_start3A_119 = tpu.memref_slice %arg4[%dma_start3A_118, %multiple_of3A_108] : memref<32x1000000xf32, #tpu.memory_space<hbm>> -> memref<32x128xf32, #tpu.memory_space<hbm>>
    %dma_start3A_120 = arith.constant 0 : i32
    %dma_start3A_121 = arith.constant 0 : i32
    %dma_start3A_122 = tpu.memref_slice %arg11[%dma_start3A_112, %dma_start3A_113, %dma_start3A_120, %dma_start3A_121] : memref<4x2x32x128xf32, #tpu.memory_space<vmem>> -> memref<1x1x32x128xf32, #tpu.memory_space<vmem>>
    %dma_start3A_123 = tpu.memref_squeeze %dma_start3A_122 : memref<1x1x32x128xf32, #tpu.memory_space<vmem>> -> memref<32x128xf32, #tpu.memory_space<vmem>>
    %dma_start3A_124 = arith.constant 0 : i32
    %dma_start3A_125 = tpu.memref_slice %arg4[%dma_start3A_124, %multiple_of3A_108] : memref<32x1000000xf32, #tpu.memory_space<hbm>> -> memref<32x128xf32, #tpu.memory_space<hbm>>
    tpu.enqueue_dma source(%dma_start3A_125 : memref<32x128xf32, #tpu.memory_space<hbm>>) target(%dma_start3A_123 : memref<32x128xf32, #tpu.memory_space<vmem>>) target_semaphore(%arg17 : memref<!tpu.dma_semaphore, #tpu.memory_space<semaphore_mem>>)
    %dma_start3A_126 = arith.constant 0 : i32
    %dma_start3A_127 = arith.constant 1 : i32
    %dma_start3A_128 = arith.constant 0 : i32
    %dma_start3A_129 = arith.constant 0 : i32
    %dma_start3A_130 = tpu.memref_slice %arg12[%dma_start3A_126, %dma_start3A_127, %dma_start3A_128, %dma_start3A_129] : memref<4x2x32x128xf32, #tpu.memory_space<vmem>> -> memref<1x1x32x128xf32, #tpu.memory_space<vmem>>
    %dma_start3A_131 = tpu.memref_squeeze %dma_start3A_130 : memref<1x1x32x128xf32, #tpu.memory_space<vmem>> -> memref<32x128xf32, #tpu.memory_space<vmem>>
    %dma_start3A_132 = arith.constant 0 : i32
    %dma_start3A_133 = tpu.memref_slice %arg5[%dma_start3A_132, %multiple_of3A_111] : memref<32x1000000xf32, #tpu.memory_space<hbm>> -> memref<32x128xf32, #tpu.memory_space<hbm>>
    %dma_start3A_134 = arith.constant 0 : i32
    %dma_start3A_135 = arith.constant 0 : i32
    %dma_start3A_136 = tpu.memref_slice %arg12[%dma_start3A_126, %dma_start3A_127, %dma_start3A_134, %dma_start3A_135] : memref<4x2x32x128xf32, #tpu.memory_space<vmem>> -> memref<1x1x32x128xf32, #tpu.memory_space<vmem>>
    %dma_start3A_137 = tpu.memref_squeeze %dma_start3A_136 : memref<1x1x32x128xf32, #tpu.memory_space<vmem>> -> memref<32x128xf32, #tpu.memory_space<vmem>>
    %dma_start3A_138 = arith.constant 0 : i32
    %dma_start3A_139 = tpu.memref_slice %arg5[%dma_start3A_138, %multiple_of3A_111] : memref<32x1000000xf32, #tpu.memory_space<hbm>> -> memref<32x128xf32, #tpu.memory_space<hbm>>
    tpu.enqueue_dma source(%dma_start3A_139 : memref<32x128xf32, #tpu.memory_space<hbm>>) target(%dma_start3A_137 : memref<32x128xf32, #tpu.memory_space<vmem>>) target_semaphore(%arg21 : memref<!tpu.dma_semaphore, #tpu.memory_space<semaphore_mem>>)
    %get3A_140 = arith.constant 0 : index
    %get3A_141 = tpu.vector_load %arg9[%get3A_140] {strides = array<i32>} : memref<512xi32, #tpu.memory_space<vmem>>, vector<16xi32>,
    %get3A_142 = arith.constant 0 : index
    %get3A_143 = tpu.vector_load %arg10[%get3A_142] {strides = array<i32>} : memref<512xi32, #tpu.memory_space<vmem>>, vector<16xi32>,
    %shift_right_arithmetic3A_144 = arith.constant 7 : i32
    %shift_right_arithmetic3A_145 = vector.broadcast %shift_right_arithmetic3A_144 : i32 to vector<16xi32>
    %shift_right_arithmetic3A_146 = arith.shrsi %get3A_141, %shift_right_arithmetic3A_145 : vector<16xi32>
    %shift_left3A_147 = arith.constant 7 : i32
    %shift_left3A_148 = vector.broadcast %shift_left3A_147 : i32 to vector<16xi32>
    %shift_left3A_149 = arith.shli %shift_right_arithmetic3A_146, %shift_left3A_148 : vector<16xi32>
    %shift_right_arithmetic3A_150 = arith.constant 7 : i32
    %shift_right_arithmetic3A_151 = vector.broadcast %shift_right_arithmetic3A_150 : i32 to vector<16xi32>
    %shift_right_arithmetic3A_152 = arith.shrsi %get3A_143, %shift_right_arithmetic3A_151 : vector<16xi32>
    %shift_left3A_153 = arith.constant 7 : i32
    %shift_left3A_154 = vector.broadcast %shift_left3A_153 : i32 to vector<16xi32>
    %shift_left3A_155 = arith.shli %shift_right_arithmetic3A_152, %shift_left3A_154 : vector<16xi32>
    %slice3A_156 = vector.extract_strided_slice %shift_left3A_149 {offsets = [2], sizes = [1], strides = [1]} : vector<16xi32> to vector<1xi32>
    %squeeze3A_157 = vector.extract %slice3A_156[0] : i32 from vector<1xi32>
    %multiple_of3A_158 = tpu.assume_multiple %squeeze3A_157, 128 : i32
    %slice3A_159 = vector.extract_strided_slice %shift_left3A_155 {offsets = [2], sizes = [1], strides = [1]} : vector<16xi32> to vector<1xi32>
    %squeeze3A_160 = vector.extract %slice3A_159[0] : i32 from vector<1xi32>
    %multiple_of3A_161 = tpu.assume_multiple %squeeze3A_160, 128 : i32
    %dma_start3A_162 = arith.constant 1 : i32
    %dma_start3A_163 = arith.constant 0 : i32
    %dma_start3A_164 = arith.constant 0 : i32
    %dma_start3A_165 = arith.constant 0 : i32
    %dma_start3A_166 = tpu.memref_slice %arg11[%dma_start3A_162, %dma_start3A_163, %dma_start3A_164, %dma_start3A_165] : memref<4x2x32x128xf32, #tpu.memory_space<vmem>> -> memref<1x1x32x128xf32, #tpu.memory_space<vmem>>
    %dma_start3A_167 = tpu.memref_squeeze %dma_start3A_166 : memref<1x1x32x128xf32, #tpu.memory_space<vmem>> -> memref<32x128xf32, #tpu.memory_space<vmem>>
    %dma_start3A_168 = arith.constant 0 : i32
    %dma_start3A_169 = tpu.memref_slice %arg4[%dma_start3A_168, %multiple_of3A_158] : memref<32x1000000xf32, #tpu.memory_space<hbm>> -> memref<32x128xf32, #tpu.memory_space<hbm>>
    %dma_start3A_170 = arith.constant 0 : i32
    %dma_start3A_171 = arith.constant 0 : i32
    %dma_start3A_172 = tpu.memref_slice %arg11[%dma_start3A_162, %dma_start3A_163, %dma_start3A_170, %dma_start3A_171] : memref<4x2x32x128xf32, #tpu.memory_space<vmem>> -> memref<1x1x32x128xf32, #tpu.memory_space<vmem>>
    %dma_start3A_173 = tpu.memref_squeeze %dma_start3A_172 : memref<1x1x32x128xf32, #tpu.memory_space<vmem>> -> memref<32x128xf32, #tpu.memory_space<vmem>>
    %dma_start3A_174 = arith.constant 0 : i32
    %dma_start3A_175 = tpu.memref_slice %arg4[%dma_start3A_174, %multiple_of3A_158] : memref<32x1000000xf32, #tpu.memory_space<hbm>> -> memref<32x128xf32, #tpu.memory_space<hbm>>
    tpu.enqueue_dma source(%dma_start3A_175 : memref<32x128xf32, #tpu.memory_space<hbm>>) target(%dma_start3A_173 : memref<32x128xf32, #tpu.memory_space<vmem>>) target_semaphore(%arg18 : memref<!tpu.dma_semaphore, #tpu.memory_space<semaphore_mem>>)
    %dma_start3A_176 = arith.constant 1 : i32
    %dma_start3A_177 = arith.constant 0 : i32
    %dma_start3A_178 = arith.constant 0 : i32
    %dma_start3A_179 = arith.constant 0 : i32
    %dma_start3A_180 = tpu.memref_slice %arg12[%dma_start3A_176, %dma_start3A_177, %dma_start3A_178, %dma_start3A_179] : memref<4x2x32x128xf32, #tpu.memory_space<vmem>> -> memref<1x1x32x128xf32, #tpu.memory_space<vmem>>
    %dma_start3A_181 = tpu.memref_squeeze %dma_start3A_180 : memref<1x1x32x128xf32, #tpu.memory_space<vmem>> -> memref<32x128xf32, #tpu.memory_space<vmem>>
    %dma_start3A_182 = arith.constant 0 : i32
    %dma_start3A_183 = tpu.memref_slice %arg5[%dma_start3A_182, %multiple_of3A_161] : memref<32x1000000xf32, #tpu.memory_space<hbm>> -> memref<32x128xf32, #tpu.memory_space<hbm>>
    %dma_start3A_184 = arith.constant 0 : i32
    %dma_start3A_185 = arith.constant 0 : i32
    %dma_start3A_186 = tpu.memref_slice %arg12[%dma_start3A_176, %dma_start3A_177, %dma_start3A_184, %dma_start3A_185] : memref<4x2x32x128xf32, #tpu.memory_space<vmem>> -> memref<1x1x32x128xf32, #tpu.memory_space<vmem>>
    %dma_start3A_187 = tpu.memref_squeeze %dma_start3A_186 : memref<1x1x32x128xf32, #tpu.memory_space<vmem>> -> memref<32x128xf32, #tpu.memory_space<vmem>>
    %dma_start3A_188 = arith.constant 0 : i32
    %dma_start3A_189 = tpu.memref_slice %arg5[%dma_start3A_188, %multiple_of3A_161] : memref<32x1000000xf32, #tpu.memory_space<hbm>> -> memref<32x128xf32, #tpu.memory_space<hbm>>
    tpu.enqueue_dma source(%dma_start3A_189 : memref<32x128xf32, #tpu.memory_space<hbm>>) target(%dma_start3A_187 : memref<32x128xf32, #tpu.memory_space<vmem>>) target_semaphore(%arg22 : memref<!tpu.dma_semaphore, #tpu.memory_space<semaphore_mem>>)
    %slice3A_190 = vector.extract_strided_slice %shift_left3A_149 {offsets = [3], sizes = [1], strides = [1]} : vector<16xi32> to vector<1xi32>
    %squeeze3A_191 = vector.extract %slice3A_190[0] : i32 from vector<1xi32>
    %multiple_of3A_192 = tpu.assume_multiple %squeeze3A_191, 128 : i32
    %slice3A_193 = vector.extract_strided_slice %shift_left3A_155 {offsets = [3], sizes = [1], strides = [1]} : vector<16xi32> to vector<1xi32>
    %squeeze3A_194 = vector.extract %slice3A_193[0] : i32 from vector<1xi32>
    %multiple_of3A_195 = tpu.assume_multiple %squeeze3A_194, 128 : i32
    %dma_start3A_196 = arith.constant 1 : i32
    %dma_start3A_197 = arith.constant 1 : i32
    %dma_start3A_198 = arith.constant 0 : i32
    %dma_start3A_199 = arith.constant 0 : i32
    %dma_start3A_200 = tpu.memref_slice %arg11[%dma_start3A_196, %dma_start3A_197, %dma_start3A_198, %dma_start3A_199] : memref<4x2x32x128xf32, #tpu.memory_space<vmem>> -> memref<1x1x32x128xf32, #tpu.memory_space<vmem>>
    %dma_start3A_201 = tpu.memref_squeeze %dma_start3A_200 : memref<1x1x32x128xf32, #tpu.memory_space<vmem>> -> memref<32x128xf32, #tpu.memory_space<vmem>>
    %dma_start3A_202 = arith.constant 0 : i32
    %dma_start3A_203 = tpu.memref_slice %arg4[%dma_start3A_202, %multiple_of3A_192] : memref<32x1000000xf32, #tpu.memory_space<hbm>> -> memref<32x128xf32, #tpu.memory_space<hbm>>
    %dma_start3A_204 = arith.constant 0 : i32
    %dma_start3A_205 = arith.constant 0 : i32
    %dma_start3A_206 = tpu.memref_slice %arg11[%dma_start3A_196, %dma_start3A_197, %dma_start3A_204, %dma_start3A_205] : memref<4x2x32x128xf32, #tpu.memory_space<vmem>> -> memref<1x1x32x128xf32, #tpu.memory_space<vmem>>
    %dma_start3A_207 = tpu.memref_squeeze %dma_start3A_206 : memref<1x1x32x128xf32, #tpu.memory_space<vmem>> -> memref<32x128xf32, #tpu.memory_space<vmem>>
    %dma_start3A_208 = arith.constant 0 : i32
    %dma_start3A_209 = tpu.memref_slice %arg4[%dma_start3A_208, %multiple_of3A_192] : memref<32x1000000xf32, #tpu.memory_space<hbm>> -> memref<32x128xf32, #tpu.memory_space<hbm>>
    tpu.enqueue_dma source(%dma_start3A_209 : memref<32x128xf32, #tpu.memory_space<hbm>>) target(%dma_start3A_207 : memref<32x128xf32, #tpu.memory_space<vmem>>) target_semaphore(%arg18 : memref<!tpu.dma_semaphore, #tpu.memory_space<semaphore_mem>>)
    %dma_start3A_210 = arith.constant 1 : i32
    %dma_start3A_211 = arith.constant 1 : i32
    %dma_start3A_212 = arith.constant 0 : i32
    %dma_start3A_213 = arith.constant 0 : i32
    %dma_start3A_214 = tpu.memref_slice %arg12[%dma_start3A_210, %dma_start3A_211, %dma_start3A_212, %dma_start3A_213] : memref<4x2x32x128xf32, #tpu.memory_space<vmem>> -> memref<1x1x32x128xf32, #tpu.memory_space<vmem>>
    %dma_start3A_215 = tpu.memref_squeeze %dma_start3A_214 : memref<1x1x32x128xf32, #tpu.memory_space<vmem>> -> memref<32x128xf32, #tpu.memory_space<vmem>>
    %dma_start3A_216 = arith.constant 0 : i32
    %dma_start3A_217 = tpu.memref_slice %arg5[%dma_start3A_216, %multiple_of3A_195] : memref<32x1000000xf32, #tpu.memory_space<hbm>> -> memref<32x128xf32, #tpu.memory_space<hbm>>
    %dma_start3A_218 = arith.constant 0 : i32
    %dma_start3A_219 = arith.constant 0 : i32
    %dma_start3A_220 = tpu.memref_slice %arg12[%dma_start3A_210, %dma_start3A_211, %dma_start3A_218, %dma_start3A_219] : memref<4x2x32x128xf32, #tpu.memory_space<vmem>> -> memref<1x1x32x128xf32, #tpu.memory_space<vmem>>
    %dma_start3A_221 = tpu.memref_squeeze %dma_start3A_220 : memref<1x1x32x128xf32, #tpu.memory_space<vmem>> -> memref<32x128xf32, #tpu.memory_space<vmem>>
    %dma_start3A_222 = arith.constant 0 : i32
    %dma_start3A_223 = tpu.memref_slice %arg5[%dma_start3A_222, %multiple_of3A_195] : memref<32x1000000xf32, #tpu.memory_space<hbm>> -> memref<32x128xf32, #tpu.memory_space<hbm>>
    tpu.enqueue_dma source(%dma_start3A_223 : memref<32x128xf32, #tpu.memory_space<hbm>>) target(%dma_start3A_221 : memref<32x128xf32, #tpu.memory_space<vmem>>) target_semaphore(%arg22 : memref<!tpu.dma_semaphore, #tpu.memory_space<semaphore_mem>>)
    %get3A_224 = arith.constant 0 : index
    %get3A_225 = tpu.vector_load %arg9[%get3A_224] {strides = array<i32>} : memref<512xi32, #tpu.memory_space<vmem>>, vector<16xi32>,
    %get3A_226 = arith.constant 0 : index
    %get3A_227 = tpu.vector_load %arg10[%get3A_226] {strides = array<i32>} : memref<512xi32, #tpu.memory_space<vmem>>, vector<16xi32>,
    %shift_right_arithmetic3A_228 = arith.constant 7 : i32
    %shift_right_arithmetic3A_229 = vector.broadcast %shift_right_arithmetic3A_228 : i32 to vector<16xi32>
    %shift_right_arithmetic3A_230 = arith.shrsi %get3A_225, %shift_right_arithmetic3A_229 : vector<16xi32>
    %shift_left3A_231 = arith.constant 7 : i32
    %shift_left3A_232 = vector.broadcast %shift_left3A_231 : i32 to vector<16xi32>
    %shift_left3A_233 = arith.shli %shift_right_arithmetic3A_230, %shift_left3A_232 : vector<16xi32>
    %shift_right_arithmetic3A_234 = arith.constant 7 : i32
    %shift_right_arithmetic3A_235 = vector.broadcast %shift_right_arithmetic3A_234 : i32 to vector<16xi32>
    %shift_right_arithmetic3A_236 = arith.shrsi %get3A_227, %shift_right_arithmetic3A_235 : vector<16xi32>
    %shift_left3A_237 = arith.constant 7 : i32
    %shift_left3A_238 = vector.broadcast %shift_left3A_237 : i32 to vector<16xi32>
    %shift_left3A_239 = arith.shli %shift_right_arithmetic3A_236, %shift_left3A_238 : vector<16xi32>
    %slice3A_240 = vector.extract_strided_slice %shift_left3A_233 {offsets = [4], sizes = [1], strides = [1]} : vector<16xi32> to vector<1xi32>
    %squeeze3A_241 = vector.extract %slice3A_240[0] : i32 from vector<1xi32>
    %multiple_of3A_242 = tpu.assume_multiple %squeeze3A_241, 128 : i32
    %slice3A_243 = vector.extract_strided_slice %shift_left3A_239 {offsets = [4], sizes = [1], strides = [1]} : vector<16xi32> to vector<1xi32>
    %squeeze3A_244 = vector.extract %slice3A_243[0] : i32 from vector<1xi32>
    %multiple_of3A_245 = tpu.assume_multiple %squeeze3A_244, 128 : i32
    %dma_start3A_246 = arith.constant 2 : i32
    %dma_start3A_247 = arith.constant 0 : i32
    %dma_start3A_248 = arith.constant 0 : i32
    %dma_start3A_249 = arith.constant 0 : i32
    %dma_start3A_250 = tpu.memref_slice %arg11[%dma_start3A_246, %dma_start3A_247, %dma_start3A_248, %dma_start3A_249] : memref<4x2x32x128xf32, #tpu.memory_space<vmem>> -> memref<1x1x32x128xf32, #tpu.memory_space<vmem>>
    %dma_start3A_251 = tpu.memref_squeeze %dma_start3A_250 : memref<1x1x32x128xf32, #tpu.memory_space<vmem>> -> memref<32x128xf32, #tpu.memory_space<vmem>>
    %dma_start3A_252 = arith.constant 0 : i32
    %dma_start3A_253 = tpu.memref_slice %arg4[%dma_start3A_252, %multiple_of3A_242] : memref<32x1000000xf32, #tpu.memory_space<hbm>> -> memref<32x128xf32, #tpu.memory_space<hbm>>
    %dma_start3A_254 = arith.constant 0 : i32
    %dma_start3A_255 = arith.constant 0 : i32
    %dma_start3A_256 = tpu.memref_slice %arg11[%dma_start3A_246, %dma_start3A_247, %dma_start3A_254, %dma_start3A_255] : memref<4x2x32x128xf32, #tpu.memory_space<vmem>> -> memref<1x1x32x128xf32, #tpu.memory_space<vmem>>
    %dma_start3A_257 = tpu.memref_squeeze %dma_start3A_256 : memref<1x1x32x128xf32, #tpu.memory_space<vmem>> -> memref<32x128xf32, #tpu.memory_space<vmem>>
    %dma_start3A_258 = arith.constant 0 : i32
    %dma_start3A_259 = tpu.memref_slice %arg4[%dma_start3A_258, %multiple_of3A_242] : memref<32x1000000xf32, #tpu.memory_space<hbm>> -> memref<32x128xf32, #tpu.memory_space<hbm>>
    tpu.enqueue_dma source(%dma_start3A_259 : memref<32x128xf32, #tpu.memory_space<hbm>>) target(%dma_start3A_257 : memref<32x128xf32, #tpu.memory_space<vmem>>) target_semaphore(%arg19 : memref<!tpu.dma_semaphore, #tpu.memory_space<semaphore_mem>>)
    %dma_start3A_260 = arith.constant 2 : i32
    %dma_start3A_261 = arith.constant 0 : i32
    %dma_start3A_262 = arith.constant 0 : i32
    %dma_start3A_263 = arith.constant 0 : i32
    %dma_start3A_264 = tpu.memref_slice %arg12[%dma_start3A_260, %dma_start3A_261, %dma_start3A_262, %dma_start3A_263] : memref<4x2x32x128xf32, #tpu.memory_space<vmem>> -> memref<1x1x32x128xf32, #tpu.memory_space<vmem>>
    %dma_start3A_265 = tpu.memref_squeeze %dma_start3A_264 : memref<1x1x32x128xf32, #tpu.memory_space<vmem>> -> memref<32x128xf32, #tpu.memory_space<vmem>>
    %dma_start3A_266 = arith.constant 0 : i32
    %dma_start3A_267 = tpu.memref_slice %arg5[%dma_start3A_266, %multiple_of3A_245] : memref<32x1000000xf32, #tpu.memory_space<hbm>> -> memref<32x128xf32, #tpu.memory_space<hbm>>
    %dma_start3A_268 = arith.constant 0 : i32
    %dma_start3A_269 = arith.constant 0 : i32
    %dma_start3A_270 = tpu.memref_slice %arg12[%dma_start3A_260, %dma_start3A_261, %dma_start3A_268, %dma_start3A_269] : memref<4x2x32x128xf32, #tpu.memory_space<vmem>> -> memref<1x1x32x128xf32, #tpu.memory_space<vmem>>
    %dma_start3A_271 = tpu.memref_squeeze %dma_start3A_270 : memref<1x1x32x128xf32, #tpu.memory_space<vmem>> -> memref<32x128xf32, #tpu.memory_space<vmem>>
    %dma_start3A_272 = arith.constant 0 : i32
    %dma_start3A_273 = tpu.memref_slice %arg5[%dma_start3A_272, %multiple_of3A_245] : memref<32x1000000xf32, #tpu.memory_space<hbm>> -> memref<32x128xf32, #tpu.memory_space<hbm>>
    tpu.enqueue_dma source(%dma_start3A_273 : memref<32x128xf32, #tpu.memory_space<hbm>>) target(%dma_start3A_271 : memref<32x128xf32, #tpu.memory_space<vmem>>) target_semaphore(%arg23 : memref<!tpu.dma_semaphore, #tpu.memory_space<semaphore_mem>>)
    %slice3A_274 = vector.extract_strided_slice %shift_left3A_233 {offsets = [5], sizes = [1], strides = [1]} : vector<16xi32> to vector<1xi32>
    %squeeze3A_275 = vector.extract %slice3A_274[0] : i32 from vector<1xi32>
    %multiple_of3A_276 = tpu.assume_multiple %squeeze3A_275, 128 : i32
    %slice3A_277 = vector.extract_strided_slice %shift_left3A_239 {offsets = [5], sizes = [1], strides = [1]} : vector<16xi32> to vector<1xi32>
    %squeeze3A_278 = vector.extract %slice3A_277[0] : i32 from vector<1xi32>
    %multiple_of3A_279 = tpu.assume_multiple %squeeze3A_278, 128 : i32
    %dma_start3A_280 = arith.constant 2 : i32
    %dma_start3A_281 = arith.constant 1 : i32
    %dma_start3A_282 = arith.constant 0 : i32
    %dma_start3A_283 = arith.constant 0 : i32
    %dma_start3A_284 = tpu.memref_slice %arg11[%dma_start3A_280, %dma_start3A_281, %dma_start3A_282, %dma_start3A_283] : memref<4x2x32x128xf32, #tpu.memory_space<vmem>> -> memref<1x1x32x128xf32, #tpu.memory_space<vmem>>
    %dma_start3A_285 = tpu.memref_squeeze %dma_start3A_284 : memref<1x1x32x128xf32, #tpu.memory_space<vmem>> -> memref<32x128xf32, #tpu.memory_space<vmem>>
    %dma_start3A_286 = arith.constant 0 : i32
    %dma_start3A_287 = tpu.memref_slice %arg4[%dma_start3A_286, %multiple_of3A_276] : memref<32x1000000xf32, #tpu.memory_space<hbm>> -> memref<32x128xf32, #tpu.memory_space<hbm>>
    %dma_start3A_288 = arith.constant 0 : i32
    %dma_start3A_289 = arith.constant 0 : i32
    %dma_start3A_290 = tpu.memref_slice %arg11[%dma_start3A_280, %dma_start3A_281, %dma_start3A_288, %dma_start3A_289] : memref<4x2x32x128xf32, #tpu.memory_space<vmem>> -> memref<1x1x32x128xf32, #tpu.memory_space<vmem>>
    %dma_start3A_291 = tpu.memref_squeeze %dma_start3A_290 : memref<1x1x32x128xf32, #tpu.memory_space<vmem>> -> memref<32x128xf32, #tpu.memory_space<vmem>>
    %dma_start3A_292 = arith.constant 0 : i32
    %dma_start3A_293 = tpu.memref_slice %arg4[%dma_start3A_292, %multiple_of3A_276] : memref<32x1000000xf32, #tpu.memory_space<hbm>> -> memref<32x128xf32, #tpu.memory_space<hbm>>
    tpu.enqueue_dma source(%dma_start3A_293 : memref<32x128xf32, #tpu.memory_space<hbm>>) target(%dma_start3A_291 : memref<32x128xf32, #tpu.memory_space<vmem>>) target_semaphore(%arg19 : memref<!tpu.dma_semaphore, #tpu.memory_space<semaphore_mem>>)
    %dma_start3A_294 = arith.constant 2 : i32
    %dma_start3A_295 = arith.constant 1 : i32
    %dma_start3A_296 = arith.constant 0 : i32
    %dma_start3A_297 = arith.constant 0 : i32
    %dma_start3A_298 = tpu.memref_slice %arg12[%dma_start3A_294, %dma_start3A_295, %dma_start3A_296, %dma_start3A_297] : memref<4x2x32x128xf32, #tpu.memory_space<vmem>> -> memref<1x1x32x128xf32, #tpu.memory_space<vmem>>
    %dma_start3A_299 = tpu.memref_squeeze %dma_start3A_298 : memref<1x1x32x128xf32, #tpu.memory_space<vmem>> -> memref<32x128xf32, #tpu.memory_space<vmem>>
    %dma_start3A_300 = arith.constant 0 : i32
    %dma_start3A_301 = tpu.memref_slice %arg5[%dma_start3A_300, %multiple_of3A_279] : memref<32x1000000xf32, #tpu.memory_space<hbm>> -> memref<32x128xf32, #tpu.memory_space<hbm>>
    %dma_start3A_302 = arith.constant 0 : i32
    %dma_start3A_303 = arith.constant 0 : i32
    %dma_start3A_304 = tpu.memref_slice %arg12[%dma_start3A_294, %dma_start3A_295, %dma_start3A_302, %dma_start3A_303] : memref<4x2x32x128xf32, #tpu.memory_space<vmem>> -> memref<1x1x32x128xf32, #tpu.memory_space<vmem>>
    %dma_start3A_305 = tpu.memref_squeeze %dma_start3A_304 : memref<1x1x32x128xf32, #tpu.memory_space<vmem>> -> memref<32x128xf32, #tpu.memory_space<vmem>>
    %dma_start3A_306 = arith.constant 0 : i32
    %dma_start3A_307 = tpu.memref_slice %arg5[%dma_start3A_306, %multiple_of3A_279] : memref<32x1000000xf32, #tpu.memory_space<hbm>> -> memref<32x128xf32, #tpu.memory_space<hbm>>
    tpu.enqueue_dma source(%dma_start3A_307 : memref<32x128xf32, #tpu.memory_space<hbm>>) target(%dma_start3A_305 : memref<32x128xf32, #tpu.memory_space<vmem>>) target_semaphore(%arg23 : memref<!tpu.dma_semaphore, #tpu.memory_space<semaphore_mem>>)
    %scan3A = arith.constant 0 : i32
    %scan3A_308 = arith.constant 32 : i32
    %scan3A_309 = arith.addi %scan3A, %scan3A_308 : i32
    %scan3A_310 = arith.constant 1 : i32
    scf.for %scan3A_377 = %scan3A to %scan3A_309 step %scan3A_310  : i32 {
      %mul3A_378 = arith.constant 1 : i32
      %mul3A_379 = arith.muli %scan3A_377, %mul3A_378 : i32
      %add3A_380 = arith.constant 0 : i32
      %add3A_381 = arith.addi %add3A_380, %mul3A_379 : i32
      %mul3A_382 = arith.constant 16 : i32
      %mul3A_383 = arith.muli %add3A_381, %mul3A_382 : i32
      %get3A_384 = arith.index_cast %mul3A_383 : i32 to index
      %get3A_385 = tpu.vector_load %arg9[%get3A_384] {strides = array<i32>} : memref<512xi32, #tpu.memory_space<vmem>>, vector<16xi32>,
      %mul3A_386 = arith.constant 16 : i32
      %mul3A_387 = arith.muli %add3A_381, %mul3A_386 : i32
      %get3A_388 = arith.index_cast %mul3A_387 : i32 to index
      %get3A_389 = tpu.vector_load %arg10[%get3A_388] {strides = array<i32>} : memref<512xi32, #tpu.memory_space<vmem>>, vector<16xi32>,
      %shift_right_arithmetic3A_390 = arith.constant 7 : i32
      %shift_right_arithmetic3A_391 = vector.broadcast %shift_right_arithmetic3A_390 : i32 to vector<16xi32>
      %shift_right_arithmetic3A_392 = arith.shrsi %get3A_385, %shift_right_arithmetic3A_391 : vector<16xi32>
      %shift_left3A_393 = arith.constant 7 : i32
      %shift_left3A_394 = vector.broadcast %shift_left3A_393 : i32 to vector<16xi32>
      %shift_left3A_395 = arith.shli %shift_right_arithmetic3A_392, %shift_left3A_394 : vector<16xi32>
      %shift_right_arithmetic3A_396 = arith.constant 7 : i32
      %shift_right_arithmetic3A_397 = vector.broadcast %shift_right_arithmetic3A_396 : i32 to vector<16xi32>
      %shift_right_arithmetic3A_398 = arith.shrsi %get3A_389, %shift_right_arithmetic3A_397 : vector<16xi32>
      %shift_left3A_399 = arith.constant 7 : i32
      %shift_left3A_400 = vector.broadcast %shift_left3A_399 : i32 to vector<16xi32>
      %shift_left3A_401 = arith.shli %shift_right_arithmetic3A_398, %shift_left3A_400 : vector<16xi32>
      %slice3A_402 = vector.extract_strided_slice %shift_left3A_395 {offsets = [6], sizes = [1], strides = [1]} : vector<16xi32> to vector<1xi32>
      %squeeze3A_403 = vector.extract %slice3A_402[0] : i32 from vector<1xi32>
      %multiple_of3A_404 = tpu.assume_multiple %squeeze3A_403, 128 : i32
      %slice3A_405 = vector.extract_strided_slice %shift_left3A_401 {offsets = [6], sizes = [1], strides = [1]} : vector<16xi32> to vector<1xi32>
      %squeeze3A_406 = vector.extract %slice3A_405[0] : i32 from vector<1xi32>
      %multiple_of3A_407 = tpu.assume_multiple %squeeze3A_406, 128 : i32
      %dma_start3A_408 = arith.constant 3 : i32
      %dma_start3A_409 = arith.constant 0 : i32
      %dma_start3A_410 = arith.constant 0 : i32
      %dma_start3A_411 = arith.constant 0 : i32
      %dma_start3A_412 = tpu.memref_slice %arg11[%dma_start3A_408, %dma_start3A_409, %dma_start3A_410, %dma_start3A_411] : memref<4x2x32x128xf32, #tpu.memory_space<vmem>> -> memref<1x1x32x128xf32, #tpu.memory_space<vmem>>
      %dma_start3A_413 = tpu.memref_squeeze %dma_start3A_412 : memref<1x1x32x128xf32, #tpu.memory_space<vmem>> -> memref<32x128xf32, #tpu.memory_space<vmem>>
      %dma_start3A_414 = arith.constant 0 : i32
      %dma_start3A_415 = tpu.memref_slice %arg4[%dma_start3A_414, %multiple_of3A_404] : memref<32x1000000xf32, #tpu.memory_space<hbm>> -> memref<32x128xf32, #tpu.memory_space<hbm>>
      %dma_start3A_416 = arith.constant 0 : i32
      %dma_start3A_417 = arith.constant 0 : i32
      %dma_start3A_418 = tpu.memref_slice %arg11[%dma_start3A_408, %dma_start3A_409, %dma_start3A_416, %dma_start3A_417] : memref<4x2x32x128xf32, #tpu.memory_space<vmem>> -> memref<1x1x32x128xf32, #tpu.memory_space<vmem>>
      %dma_start3A_419 = tpu.memref_squeeze %dma_start3A_418 : memref<1x1x32x128xf32, #tpu.memory_space<vmem>> -> memref<32x128xf32, #tpu.memory_space<vmem>>
      %dma_start3A_420 = arith.constant 0 : i32
      %dma_start3A_421 = tpu.memref_slice %arg4[%dma_start3A_420, %multiple_of3A_404] : memref<32x1000000xf32, #tpu.memory_space<hbm>> -> memref<32x128xf32, #tpu.memory_space<hbm>>
      tpu.enqueue_dma source(%dma_start3A_421 : memref<32x128xf32, #tpu.memory_space<hbm>>) target(%dma_start3A_419 : memref<32x128xf32, #tpu.memory_space<vmem>>) target_semaphore(%arg20 : memref<!tpu.dma_semaphore, #tpu.memory_space<semaphore_mem>>)
      %dma_start3A_422 = arith.constant 3 : i32
      %dma_start3A_423 = arith.constant 0 : i32
      %dma_start3A_424 = arith.constant 0 : i32
      %dma_start3A_425 = arith.constant 0 : i32
      %dma_start3A_426 = tpu.memref_slice %arg12[%dma_start3A_422, %dma_start3A_423, %dma_start3A_424, %dma_start3A_425] : memref<4x2x32x128xf32, #tpu.memory_space<vmem>> -> memref<1x1x32x128xf32, #tpu.memory_space<vmem>>
      %dma_start3A_427 = tpu.memref_squeeze %dma_start3A_426 : memref<1x1x32x128xf32, #tpu.memory_space<vmem>> -> memref<32x128xf32, #tpu.memory_space<vmem>>
      %dma_start3A_428 = arith.constant 0 : i32
      %dma_start3A_429 = tpu.memref_slice %arg5[%dma_start3A_428, %multiple_of3A_407] : memref<32x1000000xf32, #tpu.memory_space<hbm>> -> memref<32x128xf32, #tpu.memory_space<hbm>>
      %dma_start3A_430 = arith.constant 0 : i32
      %dma_start3A_431 = arith.constant 0 : i32
      %dma_start3A_432 = tpu.memref_slice %arg12[%dma_start3A_422, %dma_start3A_423, %dma_start3A_430, %dma_start3A_431] : memref<4x2x32x128xf32, #tpu.memory_space<vmem>> -> memref<1x1x32x128xf32, #tpu.memory_space<vmem>>
      %dma_start3A_433 = tpu.memref_squeeze %dma_start3A_432 : memref<1x1x32x128xf32, #tpu.memory_space<vmem>> -> memref<32x128xf32, #tpu.memory_space<vmem>>
      %dma_start3A_434 = arith.constant 0 : i32
      %dma_start3A_435 = tpu.memref_slice %arg5[%dma_start3A_434, %multiple_of3A_407] : memref<32x1000000xf32, #tpu.memory_space<hbm>> -> memref<32x128xf32, #tpu.memory_space<hbm>>
      tpu.enqueue_dma source(%dma_start3A_435 : memref<32x128xf32, #tpu.memory_space<hbm>>) target(%dma_start3A_433 : memref<32x128xf32, #tpu.memory_space<vmem>>) target_semaphore(%arg24 : memref<!tpu.dma_semaphore, #tpu.memory_space<semaphore_mem>>)
      %slice3A_436 = vector.extract_strided_slice %shift_left3A_395 {offsets = [7], sizes = [1], strides = [1]} : vector<16xi32> to vector<1xi32>
      %squeeze3A_437 = vector.extract %slice3A_436[0] : i32 from vector<1xi32>
      %multiple_of3A_438 = tpu.assume_multiple %squeeze3A_437, 128 : i32
      %slice3A_439 = vector.extract_strided_slice %shift_left3A_401 {offsets = [7], sizes = [1], strides = [1]} : vector<16xi32> to vector<1xi32>
      %squeeze3A_440 = vector.extract %slice3A_439[0] : i32 from vector<1xi32>
      %multiple_of3A_441 = tpu.assume_multiple %squeeze3A_440, 128 : i32
      %dma_start3A_442 = arith.constant 3 : i32
      %dma_start3A_443 = arith.constant 1 : i32
      %dma_start3A_444 = arith.constant 0 : i32
      %dma_start3A_445 = arith.constant 0 : i32
      %dma_start3A_446 = tpu.memref_slice %arg11[%dma_start3A_442, %dma_start3A_443, %dma_start3A_444, %dma_start3A_445] : memref<4x2x32x128xf32, #tpu.memory_space<vmem>> -> memref<1x1x32x128xf32, #tpu.memory_space<vmem>>
      %dma_start3A_447 = tpu.memref_squeeze %dma_start3A_446 : memref<1x1x32x128xf32, #tpu.memory_space<vmem>> -> memref<32x128xf32, #tpu.memory_space<vmem>>
      %dma_start3A_448 = arith.constant 0 : i32
      %dma_start3A_449 = tpu.memref_slice %arg4[%dma_start3A_448, %multiple_of3A_438] : memref<32x1000000xf32, #tpu.memory_space<hbm>> -> memref<32x128xf32, #tpu.memory_space<hbm>>
      %dma_start3A_450 = arith.constant 0 : i32
      %dma_start3A_451 = arith.constant 0 : i32
      %dma_start3A_452 = tpu.memref_slice %arg11[%dma_start3A_442, %dma_start3A_443, %dma_start3A_450, %dma_start3A_451] : memref<4x2x32x128xf32, #tpu.memory_space<vmem>> -> memref<1x1x32x128xf32, #tpu.memory_space<vmem>>
      %dma_start3A_453 = tpu.memref_squeeze %dma_start3A_452 : memref<1x1x32x128xf32, #tpu.memory_space<vmem>> -> memref<32x128xf32, #tpu.memory_space<vmem>>
      %dma_start3A_454 = arith.constant 0 : i32
      %dma_start3A_455 = tpu.memref_slice %arg4[%dma_start3A_454, %multiple_of3A_438] : memref<32x1000000xf32, #tpu.memory_space<hbm>> -> memref<32x128xf32, #tpu.memory_space<hbm>>
      tpu.enqueue_dma source(%dma_start3A_455 : memref<32x128xf32, #tpu.memory_space<hbm>>) target(%dma_start3A_453 : memref<32x128xf32, #tpu.memory_space<vmem>>) target_semaphore(%arg20 : memref<!tpu.dma_semaphore, #tpu.memory_space<semaphore_mem>>)
      %dma_start3A_456 = arith.constant 3 : i32
      %dma_start3A_457 = arith.constant 1 : i32
      %dma_start3A_458 = arith.constant 0 : i32
      %dma_start3A_459 = arith.constant 0 : i32
      %dma_start3A_460 = tpu.memref_slice %arg12[%dma_start3A_456, %dma_start3A_457, %dma_start3A_458, %dma_start3A_459] : memref<4x2x32x128xf32, #tpu.memory_space<vmem>> -> memref<1x1x32x128xf32, #tpu.memory_space<vmem>>
      %dma_start3A_461 = tpu.memref_squeeze %dma_start3A_460 : memref<1x1x32x128xf32, #tpu.memory_space<vmem>> -> memref<32x128xf32, #tpu.memory_space<vmem>>
      %dma_start3A_462 = arith.constant 0 : i32
      %dma_start3A_463 = tpu.memref_slice %arg5[%dma_start3A_462, %multiple_of3A_441] : memref<32x1000000xf32, #tpu.memory_space<hbm>> -> memref<32x128xf32, #tpu.memory_space<hbm>>
      %dma_start3A_464 = arith.constant 0 : i32
      %dma_start3A_465 = arith.constant 0 : i32
      %dma_start3A_466 = tpu.memref_slice %arg12[%dma_start3A_456, %dma_start3A_457, %dma_start3A_464, %dma_start3A_465] : memref<4x2x32x128xf32, #tpu.memory_space<vmem>> -> memref<1x1x32x128xf32, #tpu.memory_space<vmem>>
      %dma_start3A_467 = tpu.memref_squeeze %dma_start3A_466 : memref<1x1x32x128xf32, #tpu.memory_space<vmem>> -> memref<32x128xf32, #tpu.memory_space<vmem>>
      %dma_start3A_468 = arith.constant 0 : i32
      %dma_start3A_469 = tpu.memref_slice %arg5[%dma_start3A_468, %multiple_of3A_441] : memref<32x1000000xf32, #tpu.memory_space<hbm>> -> memref<32x128xf32, #tpu.memory_space<hbm>>
      tpu.enqueue_dma source(%dma_start3A_469 : memref<32x128xf32, #tpu.memory_space<hbm>>) target(%dma_start3A_467 : memref<32x128xf32, #tpu.memory_space<vmem>>) target_semaphore(%arg24 : memref<!tpu.dma_semaphore, #tpu.memory_space<semaphore_mem>>)
      %dma_wait3A = arith.constant 0 : i32
      %dma_wait3A_470 = arith.constant 0 : i32
      %dma_wait3A_471 = arith.constant 0 : i32
      %dma_wait3A_472 = arith.constant 0 : i32
      %dma_wait3A_473 = tpu.memref_slice %arg11[%dma_wait3A, %dma_wait3A_470, %dma_wait3A_471, %dma_wait3A_472] : memref<4x2x32x128xf32, #tpu.memory_space<vmem>> -> memref<1x1x32x128xf32, #tpu.memory_space<vmem>>
      %dma_wait3A_474 = tpu.memref_squeeze %dma_wait3A_473 : memref<1x1x32x128xf32, #tpu.memory_space<vmem>> -> memref<32x128xf32, #tpu.memory_space<vmem>>
      %dma_wait3A_475 = arith.constant 0 : i32
      %dma_wait3A_476 = arith.constant 0 : i32
      %dma_wait3A_477 = tpu.memref_slice %arg4[%dma_wait3A_475, %dma_wait3A_476] : memref<32x1000000xf32, #tpu.memory_space<hbm>> -> memref<32x128xf32, #tpu.memory_space<hbm>>
      %dma_wait3A_478 = arith.constant 0 : i32
      %dma_wait3A_479 = arith.constant 0 : i32
      %dma_wait3A_480 = tpu.memref_slice %arg11[%dma_wait3A, %dma_wait3A_470, %dma_wait3A_478, %dma_wait3A_479] : memref<4x2x32x128xf32, #tpu.memory_space<vmem>> -> memref<1x1x32x128xf32, #tpu.memory_space<vmem>>
      %dma_wait3A_481 = tpu.memref_squeeze %dma_wait3A_480 : memref<1x1x32x128xf32, #tpu.memory_space<vmem>> -> memref<32x128xf32, #tpu.memory_space<vmem>>
      %dma_wait3A_482 = arith.constant 0 : i32
      %dma_wait3A_483 = arith.constant 0 : i32
      %dma_wait3A_484 = tpu.memref_slice %arg4[%dma_wait3A_482, %dma_wait3A_483] : memref<32x1000000xf32, #tpu.memory_space<hbm>> -> memref<32x128xf32, #tpu.memory_space<hbm>>
      tpu.wait_dma2 semaphore(%arg17 : memref<!tpu.dma_semaphore, #tpu.memory_space<semaphore_mem>>) src(%dma_wait3A_484 : memref<32x128xf32, #tpu.memory_space<hbm>>) dst(%dma_wait3A_481 : memref<32x128xf32, #tpu.memory_space<vmem>>)
      %dma_wait3A_485 = arith.constant 0 : i32
      %dma_wait3A_486 = arith.constant 0 : i32
      %dma_wait3A_487 = arith.constant 0 : i32
      %dma_wait3A_488 = arith.constant 0 : i32
      %dma_wait3A_489 = tpu.memref_slice %arg12[%dma_wait3A_485, %dma_wait3A_486, %dma_wait3A_487, %dma_wait3A_488] : memref<4x2x32x128xf32, #tpu.memory_space<vmem>> -> memref<1x1x32x128xf32, #tpu.memory_space<vmem>>
      %dma_wait3A_490 = tpu.memref_squeeze %dma_wait3A_489 : memref<1x1x32x128xf32, #tpu.memory_space<vmem>> -> memref<32x128xf32, #tpu.memory_space<vmem>>
      %dma_wait3A_491 = arith.constant 0 : i32
      %dma_wait3A_492 = arith.constant 0 : i32
      %dma_wait3A_493 = tpu.memref_slice %arg5[%dma_wait3A_491, %dma_wait3A_492] : memref<32x1000000xf32, #tpu.memory_space<hbm>> -> memref<32x128xf32, #tpu.memory_space<hbm>>
      %dma_wait3A_494 = arith.constant 0 : i32
      %dma_wait3A_495 = arith.constant 0 : i32
      %dma_wait3A_496 = tpu.memref_slice %arg12[%dma_wait3A_485, %dma_wait3A_486, %dma_wait3A_494, %dma_wait3A_495] : memref<4x2x32x128xf32, #tpu.memory_space<vmem>> -> memref<1x1x32x128xf32, #tpu.memory_space<vmem>>
      %dma_wait3A_497 = tpu.memref_squeeze %dma_wait3A_496 : memref<1x1x32x128xf32, #tpu.memory_space<vmem>> -> memref<32x128xf32, #tpu.memory_space<vmem>>
      %dma_wait3A_498 = arith.constant 0 : i32
      %dma_wait3A_499 = arith.constant 0 : i32
      %dma_wait3A_500 = tpu.memref_slice %arg5[%dma_wait3A_498, %dma_wait3A_499] : memref<32x1000000xf32, #tpu.memory_space<hbm>> -> memref<32x128xf32, #tpu.memory_space<hbm>>
      tpu.wait_dma2 semaphore(%arg21 : memref<!tpu.dma_semaphore, #tpu.memory_space<semaphore_mem>>) src(%dma_wait3A_500 : memref<32x128xf32, #tpu.memory_space<hbm>>) dst(%dma_wait3A_497 : memref<32x128xf32, #tpu.memory_space<vmem>>)
      %dma_wait3A_501 = arith.constant 0 : i32
      %dma_wait3A_502 = arith.constant 1 : i32
      %dma_wait3A_503 = arith.constant 0 : i32
      %dma_wait3A_504 = arith.constant 0 : i32
      %dma_wait3A_505 = tpu.memref_slice %arg11[%dma_wait3A_501, %dma_wait3A_502, %dma_wait3A_503, %dma_wait3A_504] : memref<4x2x32x128xf32, #tpu.memory_space<vmem>> -> memref<1x1x32x128xf32, #tpu.memory_space<vmem>>
      %dma_wait3A_506 = tpu.memref_squeeze %dma_wait3A_505 : memref<1x1x32x128xf32, #tpu.memory_space<vmem>> -> memref<32x128xf32, #tpu.memory_space<vmem>>
      %dma_wait3A_507 = arith.constant 0 : i32
      %dma_wait3A_508 = arith.constant 0 : i32
      %dma_wait3A_509 = tpu.memref_slice %arg4[%dma_wait3A_507, %dma_wait3A_508] : memref<32x1000000xf32, #tpu.memory_space<hbm>> -> memref<32x128xf32, #tpu.memory_space<hbm>>
      %dma_wait3A_510 = arith.constant 0 : i32
      %dma_wait3A_511 = arith.constant 0 : i32
      %dma_wait3A_512 = tpu.memref_slice %arg11[%dma_wait3A_501, %dma_wait3A_502, %dma_wait3A_510, %dma_wait3A_511] : memref<4x2x32x128xf32, #tpu.memory_space<vmem>> -> memref<1x1x32x128xf32, #tpu.memory_space<vmem>>
      %dma_wait3A_513 = tpu.memref_squeeze %dma_wait3A_512 : memref<1x1x32x128xf32, #tpu.memory_space<vmem>> -> memref<32x128xf32, #tpu.memory_space<vmem>>
      %dma_wait3A_514 = arith.constant 0 : i32
      %dma_wait3A_515 = arith.constant 0 : i32
      %dma_wait3A_516 = tpu.memref_slice %arg4[%dma_wait3A_514, %dma_wait3A_515] : memref<32x1000000xf32, #tpu.memory_space<hbm>> -> memref<32x128xf32, #tpu.memory_space<hbm>>
      tpu.wait_dma2 semaphore(%arg17 : memref<!tpu.dma_semaphore, #tpu.memory_space<semaphore_mem>>) src(%dma_wait3A_516 : memref<32x128xf32, #tpu.memory_space<hbm>>) dst(%dma_wait3A_513 : memref<32x128xf32, #tpu.memory_space<vmem>>)
      %dma_wait3A_517 = arith.constant 0 : i32
      %dma_wait3A_518 = arith.constant 1 : i32
      %dma_wait3A_519 = arith.constant 0 : i32
      %dma_wait3A_520 = arith.constant 0 : i32
      %dma_wait3A_521 = tpu.memref_slice %arg12[%dma_wait3A_517, %dma_wait3A_518, %dma_wait3A_519, %dma_wait3A_520] : memref<4x2x32x128xf32, #tpu.memory_space<vmem>> -> memref<1x1x32x128xf32, #tpu.memory_space<vmem>>
      %dma_wait3A_522 = tpu.memref_squeeze %dma_wait3A_521 : memref<1x1x32x128xf32, #tpu.memory_space<vmem>> -> memref<32x128xf32, #tpu.memory_space<vmem>>
      %dma_wait3A_523 = arith.constant 0 : i32
      %dma_wait3A_524 = arith.constant 0 : i32
      %dma_wait3A_525 = tpu.memref_slice %arg5[%dma_wait3A_523, %dma_wait3A_524] : memref<32x1000000xf32, #tpu.memory_space<hbm>> -> memref<32x128xf32, #tpu.memory_space<hbm>>
      %dma_wait3A_526 = arith.constant 0 : i32
      %dma_wait3A_527 = arith.constant 0 : i32
      %dma_wait3A_528 = tpu.memref_slice %arg12[%dma_wait3A_517, %dma_wait3A_518, %dma_wait3A_526, %dma_wait3A_527] : memref<4x2x32x128xf32, #tpu.memory_space<vmem>> -> memref<1x1x32x128xf32, #tpu.memory_space<vmem>>
      %dma_wait3A_529 = tpu.memref_squeeze %dma_wait3A_528 : memref<1x1x32x128xf32, #tpu.memory_space<vmem>> -> memref<32x128xf32, #tpu.memory_space<vmem>>
      %dma_wait3A_530 = arith.constant 0 : i32
      %dma_wait3A_531 = arith.constant 0 : i32
      %dma_wait3A_532 = tpu.memref_slice %arg5[%dma_wait3A_530, %dma_wait3A_531] : memref<32x1000000xf32, #tpu.memory_space<hbm>> -> memref<32x128xf32, #tpu.memory_space<hbm>>
      tpu.wait_dma2 semaphore(%arg21 : memref<!tpu.dma_semaphore, #tpu.memory_space<semaphore_mem>>) src(%dma_wait3A_532 : memref<32x128xf32, #tpu.memory_space<hbm>>) dst(%dma_wait3A_529 : memref<32x128xf32, #tpu.memory_space<vmem>>)
      %mul3A_533 = arith.constant 16 : i32
      %mul3A_534 = arith.muli %add3A_381, %mul3A_533 : i32
      %add3A_535 = arith.constant 0 : i32
      %add3A_536 = arith.addi %mul3A_534, %add3A_535 : i32
      %add3A_537 = vector.broadcast %add3A_536 : i32 to vector<16xi32>
      %add3A_538 = arith.addi %add3A_537, %select_n3A : vector<16xi32>
      %gather3A_539 = tpu.vector_load_idx %arg9[%add3A_538] : memref<512xi32, #tpu.memory_space<vmem>>[vector<16xi32>], vector<16xi32>,
      %and3A_540 = arith.constant 127 : i32
      %and3A_541 = vector.broadcast %and3A_540 : i32 to vector<16xi32>
      %and3A_542 = arith.andi %gather3A_539, %and3A_541 : vector<16xi32>
      %gather3A_543 = tpu.vector_load_idx %arg10[%add3A_538] : memref<512xi32, #tpu.memory_space<vmem>>[vector<16xi32>], vector<16xi32>,
      %and3A_544 = arith.constant 127 : i32
      %and3A_545 = vector.broadcast %and3A_544 : i32 to vector<16xi32>
      %and3A_546 = arith.andi %gather3A_543, %and3A_545 : vector<16xi32>
      %broadcast_in_dim3A = arith.constant 0 : i32
      %broadcast_in_dim3A_547 = vector.broadcast %broadcast_in_dim3A : i32 to vector<16xi32>
      %broadcast_in_dim3A_548 = arith.constant 0.000000e+00 : f32
      %broadcast_in_dim3A_549 = vector.broadcast %broadcast_in_dim3A_548 : f32 to vector<16xf32>
      %add3A_550 = arith.constant 0 : i32
      %add3A_551 = vector.broadcast %add3A_550 : i32 to vector<16xi32>
      %add3A_552 = arith.addi %select_n3A_45, %add3A_551 : vector<16xi32>
      %gather3A_553 = tpu.vector_load_idx %arg11[%broadcast_in_dim3A_547, %select_n3A, %add3A_552, %and3A_542] : memref<4x2x32x128xf32, #tpu.memory_space<vmem>>[vector<16xi32>, vector<16xi32>, vector<16xi32>, vector<16xi32>], vector<16xf32>,
      %gather3A_554 = tpu.vector_load_idx %arg12[%broadcast_in_dim3A_547, %select_n3A, %add3A_552, %and3A_546] : memref<4x2x32x128xf32, #tpu.memory_space<vmem>>[vector<16xi32>, vector<16xi32>, vector<16xi32>, vector<16xi32>], vector<16xf32>,
      %mul3A_555 = arith.mulf %gather3A_553, %gather3A_554 : vector<16xf32>
      %mul3A_556 = arith.mulf %mul3A_555, %gather3A : vector<16xf32>
      %add3A_557 = arith.addf %broadcast_in_dim3A_549, %mul3A_556 : vector<16xf32>
      %add3A_558 = arith.constant 8 : i32
      %add3A_559 = vector.broadcast %add3A_558 : i32 to vector<16xi32>
      %add3A_560 = arith.addi %select_n3A_45, %add3A_559 : vector<16xi32>
      %gather3A_561 = tpu.vector_load_idx %arg11[%broadcast_in_dim3A_547, %select_n3A, %add3A_560, %and3A_542] : memref<4x2x32x128xf32, #tpu.memory_space<vmem>>[vector<16xi32>, vector<16xi32>, vector<16xi32>, vector<16xi32>], vector<16xf32>,
      %gather3A_562 = tpu.vector_load_idx %arg12[%broadcast_in_dim3A_547, %select_n3A, %add3A_560, %and3A_546] : memref<4x2x32x128xf32, #tpu.memory_space<vmem>>[vector<16xi32>, vector<16xi32>, vector<16xi32>, vector<16xi32>], vector<16xf32>,
      %mul3A_563 = arith.mulf %gather3A_561, %gather3A_562 : vector<16xf32>
      %mul3A_564 = arith.mulf %mul3A_563, %gather3A_53 : vector<16xf32>
      %add3A_565 = arith.addf %add3A_557, %mul3A_564 : vector<16xf32>
      %add3A_566 = arith.constant 16 : i32
      %add3A_567 = vector.broadcast %add3A_566 : i32 to vector<16xi32>
      %add3A_568 = arith.addi %select_n3A_45, %add3A_567 : vector<16xi32>
      %gather3A_569 = tpu.vector_load_idx %arg11[%broadcast_in_dim3A_547, %select_n3A, %add3A_568, %and3A_542] : memref<4x2x32x128xf32, #tpu.memory_space<vmem>>[vector<16xi32>, vector<16xi32>, vector<16xi32>, vector<16xi32>], vector<16xf32>,
      %gather3A_570 = tpu.vector_load_idx %arg12[%broadcast_in_dim3A_547, %select_n3A, %add3A_568, %and3A_546] : memref<4x2x32x128xf32, #tpu.memory_space<vmem>>[vector<16xi32>, vector<16xi32>, vector<16xi32>, vector<16xi32>], vector<16xf32>,
      %mul3A_571 = arith.mulf %gather3A_569, %gather3A_570 : vector<16xf32>
      %mul3A_572 = arith.mulf %mul3A_571, %gather3A_57 : vector<16xf32>
      %add3A_573 = arith.addf %add3A_565, %mul3A_572 : vector<16xf32>
      %add3A_574 = arith.constant 24 : i32
      %add3A_575 = vector.broadcast %add3A_574 : i32 to vector<16xi32>
      %add3A_576 = arith.addi %select_n3A_45, %add3A_575 : vector<16xi32>
      %gather3A_577 = tpu.vector_load_idx %arg11[%broadcast_in_dim3A_547, %select_n3A, %add3A_576, %and3A_542] : memref<4x2x32x128xf32, #tpu.memory_space<vmem>>[vector<16xi32>, vector<16xi32>, vector<16xi32>, vector<16xi32>], vector<16xf32>,
      %gather3A_578 = tpu.vector_load_idx %arg12[%broadcast_in_dim3A_547, %select_n3A, %add3A_576, %and3A_546] : memref<4x2x32x128xf32, #tpu.memory_space<vmem>>[vector<16xi32>, vector<16xi32>, vector<16xi32>, vector<16xi32>], vector<16xf32>,
      %mul3A_579 = arith.mulf %gather3A_577, %gather3A_578 : vector<16xf32>
      %mul3A_580 = arith.mulf %mul3A_579, %gather3A_61 : vector<16xf32>
      %add3A_581 = arith.addf %add3A_573, %mul3A_580 : vector<16xf32>
      %mul3A_582 = arith.constant 8 : i32
      %mul3A_583 = arith.muli %add3A_381, %mul3A_582 : i32
      %add3A_584 = arith.constant 0 : i32
      %add3A_585 = arith.addi %mul3A_583, %add3A_584 : i32
      %mul3A_586 = arith.constant 16 : i32
      %mul3A_587 = arith.muli %add3A_585, %mul3A_586 : i32
      %swap3A = arith.index_cast %mul3A_587 : i32 to index
      %swap3A_588 = tpu.vector_load %arg13[%swap3A] {strides = array<i32>} : memref<4096xf32, #tpu.memory_space<vmem>>, vector<16xf32>,
      tpu.vector_store %arg13[%swap3A], %add3A_581 {strides = array<i32>} : memref<4096xf32, #tpu.memory_space<vmem>>, vector<16xf32>,
      %mul3A_589 = arith.constant 16 : i32
      %mul3A_590 = arith.muli %add3A_381, %mul3A_589 : i32
      %get3A_591 = arith.index_cast %mul3A_590 : i32 to index
      %get3A_592 = tpu.vector_load %arg9[%get3A_591] {strides = array<i32>} : memref<512xi32, #tpu.memory_space<vmem>>, vector<16xi32>,
      %mul3A_593 = arith.constant 16 : i32
      %mul3A_594 = arith.muli %add3A_381, %mul3A_593 : i32
      %get3A_595 = arith.index_cast %mul3A_594 : i32 to index
      %get3A_596 = tpu.vector_load %arg10[%get3A_595] {strides = array<i32>} : memref<512xi32, #tpu.memory_space<vmem>>, vector<16xi32>,
      %shift_right_arithmetic3A_597 = arith.constant 7 : i32
      %shift_right_arithmetic3A_598 = vector.broadcast %shift_right_arithmetic3A_597 : i32 to vector<16xi32>
      %shift_right_arithmetic3A_599 = arith.shrsi %get3A_592, %shift_right_arithmetic3A_598 : vector<16xi32>
      %shift_left3A_600 = arith.constant 7 : i32
      %shift_left3A_601 = vector.broadcast %shift_left3A_600 : i32 to vector<16xi32>
      %shift_left3A_602 = arith.shli %shift_right_arithmetic3A_599, %shift_left3A_601 : vector<16xi32>
      %shift_right_arithmetic3A_603 = arith.constant 7 : i32
      %shift_right_arithmetic3A_604 = vector.broadcast %shift_right_arithmetic3A_603 : i32 to vector<16xi32>
      %shift_right_arithmetic3A_605 = arith.shrsi %get3A_596, %shift_right_arithmetic3A_604 : vector<16xi32>
      %shift_left3A_606 = arith.constant 7 : i32
      %shift_left3A_607 = vector.broadcast %shift_left3A_606 : i32 to vector<16xi32>
      %shift_left3A_608 = arith.shli %shift_right_arithmetic3A_605, %shift_left3A_607 : vector<16xi32>
      %slice3A_609 = vector.extract_strided_slice %shift_left3A_602 {offsets = [8], sizes = [1], strides = [1]} : vector<16xi32> to vector<1xi32>
      %squeeze3A_610 = vector.extract %slice3A_609[0] : i32 from vector<1xi32>
      %multiple_of3A_611 = tpu.assume_multiple %squeeze3A_610, 128 : i32
      %slice3A_612 = vector.extract_strided_slice %shift_left3A_608 {offsets = [8], sizes = [1], strides = [1]} : vector<16xi32> to vector<1xi32>
      %squeeze3A_613 = vector.extract %slice3A_612[0] : i32 from vector<1xi32>
      %multiple_of3A_614 = tpu.assume_multiple %squeeze3A_613, 128 : i32
      %dma_start3A_615 = arith.constant 0 : i32
      %dma_start3A_616 = arith.constant 0 : i32
      %dma_start3A_617 = arith.constant 0 : i32
      %dma_start3A_618 = arith.constant 0 : i32
      %dma_start3A_619 = tpu.memref_slice %arg11[%dma_start3A_615, %dma_start3A_616, %dma_start3A_617, %dma_start3A_618] : memref<4x2x32x128xf32, #tpu.memory_space<vmem>> -> memref<1x1x32x128xf32, #tpu.memory_space<vmem>>
      %dma_start3A_620 = tpu.memref_squeeze %dma_start3A_619 : memref<1x1x32x128xf32, #tpu.memory_space<vmem>> -> memref<32x128xf32, #tpu.memory_space<vmem>>
      %dma_start3A_621 = arith.constant 0 : i32
      %dma_start3A_622 = tpu.memref_slice %arg4[%dma_start3A_621, %multiple_of3A_611] : memref<32x1000000xf32, #tpu.memory_space<hbm>> -> memref<32x128xf32, #tpu.memory_space<hbm>>
      %dma_start3A_623 = arith.constant 0 : i32
      %dma_start3A_624 = arith.constant 0 : i32
      %dma_start3A_625 = tpu.memref_slice %arg11[%dma_start3A_615, %dma_start3A_616, %dma_start3A_623, %dma_start3A_624] : memref<4x2x32x128xf32, #tpu.memory_space<vmem>> -> memref<1x1x32x128xf32, #tpu.memory_space<vmem>>
      %dma_start3A_626 = tpu.memref_squeeze %dma_start3A_625 : memref<1x1x32x128xf32, #tpu.memory_space<vmem>> -> memref<32x128xf32, #tpu.memory_space<vmem>>
      %dma_start3A_627 = arith.constant 0 : i32
      %dma_start3A_628 = tpu.memref_slice %arg4[%dma_start3A_627, %multiple_of3A_611] : memref<32x1000000xf32, #tpu.memory_space<hbm>> -> memref<32x128xf32, #tpu.memory_space<hbm>>
      tpu.enqueue_dma source(%dma_start3A_628 : memref<32x128xf32, #tpu.memory_space<hbm>>) target(%dma_start3A_626 : memref<32x128xf32, #tpu.memory_space<vmem>>) target_semaphore(%arg17 : memref<!tpu.dma_semaphore, #tpu.memory_space<semaphore_mem>>)
      %dma_start3A_629 = arith.constant 0 : i32
      %dma_start3A_630 = arith.constant 0 : i32
      %dma_start3A_631 = arith.constant 0 : i32
      %dma_start3A_632 = arith.constant 0 : i32
      %dma_start3A_633 = tpu.memref_slice %arg12[%dma_start3A_629, %dma_start3A_630, %dma_start3A_631, %dma_start3A_632] : memref<4x2x32x128xf32, #tpu.memory_space<vmem>> -> memref<1x1x32x128xf32, #tpu.memory_space<vmem>>
      %dma_start3A_634 = tpu.memref_squeeze %dma_start3A_633 : memref<1x1x32x128xf32, #tpu.memory_space<vmem>> -> memref<32x128xf32, #tpu.memory_space<vmem>>
      %dma_start3A_635 = arith.constant 0 : i32
      %dma_start3A_636 = tpu.memref_slice %arg5[%dma_start3A_635, %multiple_of3A_614] : memref<32x1000000xf32, #tpu.memory_space<hbm>> -> memref<32x128xf32, #tpu.memory_space<hbm>>
      %dma_start3A_637 = arith.constant 0 : i32
      %dma_start3A_638 = arith.constant 0 : i32
      %dma_start3A_639 = tpu.memref_slice %arg12[%dma_start3A_629, %dma_start3A_630, %dma_start3A_637, %dma_start3A_638] : memref<4x2x32x128xf32, #tpu.memory_space<vmem>> -> memref<1x1x32x128xf32, #tpu.memory_space<vmem>>
      %dma_start3A_640 = tpu.memref_squeeze %dma_start3A_639 : memref<1x1x32x128xf32, #tpu.memory_space<vmem>> -> memref<32x128xf32, #tpu.memory_space<vmem>>
      %dma_start3A_641 = arith.constant 0 : i32
      %dma_start3A_642 = tpu.memref_slice %arg5[%dma_start3A_641, %multiple_of3A_614] : memref<32x1000000xf32, #tpu.memory_space<hbm>> -> memref<32x128xf32, #tpu.memory_space<hbm>>
      tpu.enqueue_dma source(%dma_start3A_642 : memref<32x128xf32, #tpu.memory_space<hbm>>) target(%dma_start3A_640 : memref<32x128xf32, #tpu.memory_space<vmem>>) target_semaphore(%arg21 : memref<!tpu.dma_semaphore, #tpu.memory_space<semaphore_mem>>)
      %slice3A_643 = vector.extract_strided_slice %shift_left3A_602 {offsets = [9], sizes = [1], strides = [1]} : vector<16xi32> to vector<1xi32>
      %squeeze3A_644 = vector.extract %slice3A_643[0] : i32 from vector<1xi32>
      %multiple_of3A_645 = tpu.assume_multiple %squeeze3A_644, 128 : i32
      %slice3A_646 = vector.extract_strided_slice %shift_left3A_608 {offsets = [9], sizes = [1], strides = [1]} : vector<16xi32> to vector<1xi32>
      %squeeze3A_647 = vector.extract %slice3A_646[0] : i32 from vector<1xi32>
      %multiple_of3A_648 = tpu.assume_multiple %squeeze3A_647, 128 : i32
      %dma_start3A_649 = arith.constant 0 : i32
      %dma_start3A_650 = arith.constant 1 : i32
      %dma_start3A_651 = arith.constant 0 : i32
      %dma_start3A_652 = arith.constant 0 : i32
      %dma_start3A_653 = tpu.memref_slice %arg11[%dma_start3A_649, %dma_start3A_650, %dma_start3A_651, %dma_start3A_652] : memref<4x2x32x128xf32, #tpu.memory_space<vmem>> -> memref<1x1x32x128xf32, #tpu.memory_space<vmem>>
      %dma_start3A_654 = tpu.memref_squeeze %dma_start3A_653 : memref<1x1x32x128xf32, #tpu.memory_space<vmem>> -> memref<32x128xf32, #tpu.memory_space<vmem>>
      %dma_start3A_655 = arith.constant 0 : i32
      %dma_start3A_656 = tpu.memref_slice %arg4[%dma_start3A_655, %multiple_of3A_645] : memref<32x1000000xf32, #tpu.memory_space<hbm>> -> memref<32x128xf32, #tpu.memory_space<hbm>>
      %dma_start3A_657 = arith.constant 0 : i32
      %dma_start3A_658 = arith.constant 0 : i32
      %dma_start3A_659 = tpu.memref_slice %arg11[%dma_start3A_649, %dma_start3A_650, %dma_start3A_657, %dma_start3A_658] : memref<4x2x32x128xf32, #tpu.memory_space<vmem>> -> memref<1x1x32x128xf32, #tpu.memory_space<vmem>>
      %dma_start3A_660 = tpu.memref_squeeze %dma_start3A_659 : memref<1x1x32x128xf32, #tpu.memory_space<vmem>> -> memref<32x128xf32, #tpu.memory_space<vmem>>
      %dma_start3A_661 = arith.constant 0 : i32
      %dma_start3A_662 = tpu.memref_slice %arg4[%dma_start3A_661, %multiple_of3A_645] : memref<32x1000000xf32, #tpu.memory_space<hbm>> -> memref<32x128xf32, #tpu.memory_space<hbm>>
      tpu.enqueue_dma source(%dma_start3A_662 : memref<32x128xf32, #tpu.memory_space<hbm>>) target(%dma_start3A_660 : memref<32x128xf32, #tpu.memory_space<vmem>>) target_semaphore(%arg17 : memref<!tpu.dma_semaphore, #tpu.memory_space<semaphore_mem>>)
      %dma_start3A_663 = arith.constant 0 : i32
      %dma_start3A_664 = arith.constant 1 : i32
      %dma_start3A_665 = arith.constant 0 : i32
      %dma_start3A_666 = arith.constant 0 : i32
      %dma_start3A_667 = tpu.memref_slice %arg12[%dma_start3A_663, %dma_start3A_664, %dma_start3A_665, %dma_start3A_666] : memref<4x2x32x128xf32, #tpu.memory_space<vmem>> -> memref<1x1x32x128xf32, #tpu.memory_space<vmem>>
      %dma_start3A_668 = tpu.memref_squeeze %dma_start3A_667 : memref<1x1x32x128xf32, #tpu.memory_space<vmem>> -> memref<32x128xf32, #tpu.memory_space<vmem>>
      %dma_start3A_669 = arith.constant 0 : i32
      %dma_start3A_670 = tpu.memref_slice %arg5[%dma_start3A_669, %multiple_of3A_648] : memref<32x1000000xf32, #tpu.memory_space<hbm>> -> memref<32x128xf32, #tpu.memory_space<hbm>>
      %dma_start3A_671 = arith.constant 0 : i32
      %dma_start3A_672 = arith.constant 0 : i32
      %dma_start3A_673 = tpu.memref_slice %arg12[%dma_start3A_663, %dma_start3A_664, %dma_start3A_671, %dma_start3A_672] : memref<4x2x32x128xf32, #tpu.memory_space<vmem>> -> memref<1x1x32x128xf32, #tpu.memory_space<vmem>>
      %dma_start3A_674 = tpu.memref_squeeze %dma_start3A_673 : memref<1x1x32x128xf32, #tpu.memory_space<vmem>> -> memref<32x128xf32, #tpu.memory_space<vmem>>
      %dma_start3A_675 = arith.constant 0 : i32
      %dma_start3A_676 = tpu.memref_slice %arg5[%dma_start3A_675, %multiple_of3A_648] : memref<32x1000000xf32, #tpu.memory_space<hbm>> -> memref<32x128xf32, #tpu.memory_space<hbm>>
      tpu.enqueue_dma source(%dma_start3A_676 : memref<32x128xf32, #tpu.memory_space<hbm>>) target(%dma_start3A_674 : memref<32x128xf32, #tpu.memory_space<vmem>>) target_semaphore(%arg21 : memref<!tpu.dma_semaphore, #tpu.memory_space<semaphore_mem>>)
      %dma_wait3A_677 = arith.constant 1 : i32
      %dma_wait3A_678 = arith.constant 0 : i32
      %dma_wait3A_679 = arith.constant 0 : i32
      %dma_wait3A_680 = arith.constant 0 : i32
      %dma_wait3A_681 = tpu.memref_slice %arg11[%dma_wait3A_677, %dma_wait3A_678, %dma_wait3A_679, %dma_wait3A_680] : memref<4x2x32x128xf32, #tpu.memory_space<vmem>> -> memref<1x1x32x128xf32, #tpu.memory_space<vmem>>
      %dma_wait3A_682 = tpu.memref_squeeze %dma_wait3A_681 : memref<1x1x32x128xf32, #tpu.memory_space<vmem>> -> memref<32x128xf32, #tpu.memory_space<vmem>>
      %dma_wait3A_683 = arith.constant 0 : i32
      %dma_wait3A_684 = arith.constant 0 : i32
      %dma_wait3A_685 = tpu.memref_slice %arg4[%dma_wait3A_683, %dma_wait3A_684] : memref<32x1000000xf32, #tpu.memory_space<hbm>> -> memref<32x128xf32, #tpu.memory_space<hbm>>
      %dma_wait3A_686 = arith.constant 0 : i32
      %dma_wait3A_687 = arith.constant 0 : i32
      %dma_wait3A_688 = tpu.memref_slice %arg11[%dma_wait3A_677, %dma_wait3A_678, %dma_wait3A_686, %dma_wait3A_687] : memref<4x2x32x128xf32, #tpu.memory_space<vmem>> -> memref<1x1x32x128xf32, #tpu.memory_space<vmem>>
      %dma_wait3A_689 = tpu.memref_squeeze %dma_wait3A_688 : memref<1x1x32x128xf32, #tpu.memory_space<vmem>> -> memref<32x128xf32, #tpu.memory_space<vmem>>
      %dma_wait3A_690 = arith.constant 0 : i32
      %dma_wait3A_691 = arith.constant 0 : i32
      %dma_wait3A_692 = tpu.memref_slice %arg4[%dma_wait3A_690, %dma_wait3A_691] : memref<32x1000000xf32, #tpu.memory_space<hbm>> -> memref<32x128xf32, #tpu.memory_space<hbm>>
      tpu.wait_dma2 semaphore(%arg18 : memref<!tpu.dma_semaphore, #tpu.memory_space<semaphore_mem>>) src(%dma_wait3A_692 : memref<32x128xf32, #tpu.memory_space<hbm>>) dst(%dma_wait3A_689 : memref<32x128xf32, #tpu.memory_space<vmem>>)
      %dma_wait3A_693 = arith.constant 1 : i32
      %dma_wait3A_694 = arith.constant 0 : i32
      %dma_wait3A_695 = arith.constant 0 : i32
      %dma_wait3A_696 = arith.constant 0 : i32
      %dma_wait3A_697 = tpu.memref_slice %arg12[%dma_wait3A_693, %dma_wait3A_694, %dma_wait3A_695, %dma_wait3A_696] : memref<4x2x32x128xf32, #tpu.memory_space<vmem>> -> memref<1x1x32x128xf32, #tpu.memory_space<vmem>>
      %dma_wait3A_698 = tpu.memref_squeeze %dma_wait3A_697 : memref<1x1x32x128xf32, #tpu.memory_space<vmem>> -> memref<32x128xf32, #tpu.memory_space<vmem>>
      %dma_wait3A_699 = arith.constant 0 : i32
      %dma_wait3A_700 = arith.constant 0 : i32
      %dma_wait3A_701 = tpu.memref_slice %arg5[%dma_wait3A_699, %dma_wait3A_700] : memref<32x1000000xf32, #tpu.memory_space<hbm>> -> memref<32x128xf32, #tpu.memory_space<hbm>>
      %dma_wait3A_702 = arith.constant 0 : i32
      %dma_wait3A_703 = arith.constant 0 : i32
      %dma_wait3A_704 = tpu.memref_slice %arg12[%dma_wait3A_693, %dma_wait3A_694, %dma_wait3A_702, %dma_wait3A_703] : memref<4x2x32x128xf32, #tpu.memory_space<vmem>> -> memref<1x1x32x128xf32, #tpu.memory_space<vmem>>
      %dma_wait3A_705 = tpu.memref_squeeze %dma_wait3A_704 : memref<1x1x32x128xf32, #tpu.memory_space<vmem>> -> memref<32x128xf32, #tpu.memory_space<vmem>>
      %dma_wait3A_706 = arith.constant 0 : i32
      %dma_wait3A_707 = arith.constant 0 : i32
      %dma_wait3A_708 = tpu.memref_slice %arg5[%dma_wait3A_706, %dma_wait3A_707] : memref<32x1000000xf32, #tpu.memory_space<hbm>> -> memref<32x128xf32, #tpu.memory_space<hbm>>
      tpu.wait_dma2 semaphore(%arg22 : memref<!tpu.dma_semaphore, #tpu.memory_space<semaphore_mem>>) src(%dma_wait3A_708 : memref<32x128xf32, #tpu.memory_space<hbm>>) dst(%dma_wait3A_705 : memref<32x128xf32, #tpu.memory_space<vmem>>)
      %dma_wait3A_709 = arith.constant 1 : i32
      %dma_wait3A_710 = arith.constant 1 : i32
      %dma_wait3A_711 = arith.constant 0 : i32
      %dma_wait3A_712 = arith.constant 0 : i32
      %dma_wait3A_713 = tpu.memref_slice %arg11[%dma_wait3A_709, %dma_wait3A_710, %dma_wait3A_711, %dma_wait3A_712] : memref<4x2x32x128xf32, #tpu.memory_space<vmem>> -> memref<1x1x32x128xf32, #tpu.memory_space<vmem>>
      %dma_wait3A_714 = tpu.memref_squeeze %dma_wait3A_713 : memref<1x1x32x128xf32, #tpu.memory_space<vmem>> -> memref<32x128xf32, #tpu.memory_space<vmem>>
      %dma_wait3A_715 = arith.constant 0 : i32
      %dma_wait3A_716 = arith.constant 0 : i32
      %dma_wait3A_717 = tpu.memref_slice %arg4[%dma_wait3A_715, %dma_wait3A_716] : memref<32x1000000xf32, #tpu.memory_space<hbm>> -> memref<32x128xf32, #tpu.memory_space<hbm>>
      %dma_wait3A_718 = arith.constant 0 : i32
      %dma_wait3A_719 = arith.constant 0 : i32
      %dma_wait3A_720 = tpu.memref_slice %arg11[%dma_wait3A_709, %dma_wait3A_710, %dma_wait3A_718, %dma_wait3A_719] : memref<4x2x32x128xf32, #tpu.memory_space<vmem>> -> memref<1x1x32x128xf32, #tpu.memory_space<vmem>>
      %dma_wait3A_721 = tpu.memref_squeeze %dma_wait3A_720 : memref<1x1x32x128xf32, #tpu.memory_space<vmem>> -> memref<32x128xf32, #tpu.memory_space<vmem>>
      %dma_wait3A_722 = arith.constant 0 : i32
      %dma_wait3A_723 = arith.constant 0 : i32
      %dma_wait3A_724 = tpu.memref_slice %arg4[%dma_wait3A_722, %dma_wait3A_723] : memref<32x1000000xf32, #tpu.memory_space<hbm>> -> memref<32x128xf32, #tpu.memory_space<hbm>>
      tpu.wait_dma2 semaphore(%arg18 : memref<!tpu.dma_semaphore, #tpu.memory_space<semaphore_mem>>) src(%dma_wait3A_724 : memref<32x128xf32, #tpu.memory_space<hbm>>) dst(%dma_wait3A_721 : memref<32x128xf32, #tpu.memory_space<vmem>>)
      %dma_wait3A_725 = arith.constant 1 : i32
      %dma_wait3A_726 = arith.constant 1 : i32
      %dma_wait3A_727 = arith.constant 0 : i32
      %dma_wait3A_728 = arith.constant 0 : i32
      %dma_wait3A_729 = tpu.memref_slice %arg12[%dma_wait3A_725, %dma_wait3A_726, %dma_wait3A_727, %dma_wait3A_728] : memref<4x2x32x128xf32, #tpu.memory_space<vmem>> -> memref<1x1x32x128xf32, #tpu.memory_space<vmem>>
      %dma_wait3A_730 = tpu.memref_squeeze %dma_wait3A_729 : memref<1x1x32x128xf32, #tpu.memory_space<vmem>> -> memref<32x128xf32, #tpu.memory_space<vmem>>
      %dma_wait3A_731 = arith.constant 0 : i32
      %dma_wait3A_732 = arith.constant 0 : i32
      %dma_wait3A_733 = tpu.memref_slice %arg5[%dma_wait3A_731, %dma_wait3A_732] : memref<32x1000000xf32, #tpu.memory_space<hbm>> -> memref<32x128xf32, #tpu.memory_space<hbm>>
      %dma_wait3A_734 = arith.constant 0 : i32
      %dma_wait3A_735 = arith.constant 0 : i32
      %dma_wait3A_736 = tpu.memref_slice %arg12[%dma_wait3A_725, %dma_wait3A_726, %dma_wait3A_734, %dma_wait3A_735] : memref<4x2x32x128xf32, #tpu.memory_space<vmem>> -> memref<1x1x32x128xf32, #tpu.memory_space<vmem>>
      %dma_wait3A_737 = tpu.memref_squeeze %dma_wait3A_736 : memref<1x1x32x128xf32, #tpu.memory_space<vmem>> -> memref<32x128xf32, #tpu.memory_space<vmem>>
      %dma_wait3A_738 = arith.constant 0 : i32
      %dma_wait3A_739 = arith.constant 0 : i32
      %dma_wait3A_740 = tpu.memref_slice %arg5[%dma_wait3A_738, %dma_wait3A_739] : memref<32x1000000xf32, #tpu.memory_space<hbm>> -> memref<32x128xf32, #tpu.memory_space<hbm>>
      tpu.wait_dma2 semaphore(%arg22 : memref<!tpu.dma_semaphore, #tpu.memory_space<semaphore_mem>>) src(%dma_wait3A_740 : memref<32x128xf32, #tpu.memory_space<hbm>>) dst(%dma_wait3A_737 : memref<32x128xf32, #tpu.memory_space<vmem>>)
      %mul3A_741 = arith.constant 16 : i32
      %mul3A_742 = arith.muli %add3A_381, %mul3A_741 : i32
      %add3A_743 = arith.constant 2 : i32
      %add3A_744 = arith.addi %mul3A_742, %add3A_743 : i32
      %add3A_745 = vector.broadcast %add3A_744 : i32 to vector<16xi32>
      %add3A_746 = arith.addi %add3A_745, %select_n3A : vector<16xi32>
      %gather3A_747 = tpu.vector_load_idx %arg9[%add3A_746] : memref<512xi32, #tpu.memory_space<vmem>>[vector<16xi32>], vector<16xi32>,
      %and3A_748 = arith.constant 127 : i32
      %and3A_749 = vector.broadcast %and3A_748 : i32 to vector<16xi32>
      %and3A_750 = arith.andi %gather3A_747, %and3A_749 : vector<16xi32>
      %gather3A_751 = tpu.vector_load_idx %arg10[%add3A_746] : memref<512xi32, #tpu.memory_space<vmem>>[vector<16xi32>], vector<16xi32>,
      %and3A_752 = arith.constant 127 : i32
      %and3A_753 = vector.broadcast %and3A_752 : i32 to vector<16xi32>
      %and3A_754 = arith.andi %gather3A_751, %and3A_753 : vector<16xi32>
      %broadcast_in_dim3A_755 = arith.constant 1 : i32
      %broadcast_in_dim3A_756 = vector.broadcast %broadcast_in_dim3A_755 : i32 to vector<16xi32>
      %broadcast_in_dim3A_757 = arith.constant 0.000000e+00 : f32
      %broadcast_in_dim3A_758 = vector.broadcast %broadcast_in_dim3A_757 : f32 to vector<16xf32>
      %add3A_759 = arith.constant 0 : i32
      %add3A_760 = vector.broadcast %add3A_759 : i32 to vector<16xi32>
      %add3A_761 = arith.addi %select_n3A_45, %add3A_760 : vector<16xi32>
      %gather3A_762 = tpu.vector_load_idx %arg11[%broadcast_in_dim3A_756, %select_n3A, %add3A_761, %and3A_750] : memref<4x2x32x128xf32, #tpu.memory_space<vmem>>[vector<16xi32>, vector<16xi32>, vector<16xi32>, vector<16xi32>], vector<16xf32>,
      %gather3A_763 = tpu.vector_load_idx %arg12[%broadcast_in_dim3A_756, %select_n3A, %add3A_761, %and3A_754] : memref<4x2x32x128xf32, #tpu.memory_space<vmem>>[vector<16xi32>, vector<16xi32>, vector<16xi32>, vector<16xi32>], vector<16xf32>,
      %mul3A_764 = arith.mulf %gather3A_762, %gather3A_763 : vector<16xf32>
      %mul3A_765 = arith.mulf %mul3A_764, %gather3A : vector<16xf32>
      %add3A_766 = arith.addf %broadcast_in_dim3A_758, %mul3A_765 : vector<16xf32>
      %add3A_767 = arith.constant 8 : i32
      %add3A_768 = vector.broadcast %add3A_767 : i32 to vector<16xi32>
      %add3A_769 = arith.addi %select_n3A_45, %add3A_768 : vector<16xi32>
      %gather3A_770 = tpu.vector_load_idx %arg11[%broadcast_in_dim3A_756, %select_n3A, %add3A_769, %and3A_750] : memref<4x2x32x128xf32, #tpu.memory_space<vmem>>[vector<16xi32>, vector<16xi32>, vector<16xi32>, vector<16xi32>], vector<16xf32>,
      %gather3A_771 = tpu.vector_load_idx %arg12[%broadcast_in_dim3A_756, %select_n3A, %add3A_769, %and3A_754] : memref<4x2x32x128xf32, #tpu.memory_space<vmem>>[vector<16xi32>, vector<16xi32>, vector<16xi32>, vector<16xi32>], vector<16xf32>,
      %mul3A_772 = arith.mulf %gather3A_770, %gather3A_771 : vector<16xf32>
      %mul3A_773 = arith.mulf %mul3A_772, %gather3A_53 : vector<16xf32>
      %add3A_774 = arith.addf %add3A_766, %mul3A_773 : vector<16xf32>
      %add3A_775 = arith.constant 16 : i32
      %add3A_776 = vector.broadcast %add3A_775 : i32 to vector<16xi32>
      %add3A_777 = arith.addi %select_n3A_45, %add3A_776 : vector<16xi32>
      %gather3A_778 = tpu.vector_load_idx %arg11[%broadcast_in_dim3A_756, %select_n3A, %add3A_777, %and3A_750] : memref<4x2x32x128xf32, #tpu.memory_space<vmem>>[vector<16xi32>, vector<16xi32>, vector<16xi32>, vector<16xi32>], vector<16xf32>,
      %gather3A_779 = tpu.vector_load_idx %arg12[%broadcast_in_dim3A_756, %select_n3A, %add3A_777, %and3A_754] : memref<4x2x32x128xf32, #tpu.memory_space<vmem>>[vector<16xi32>, vector<16xi32>, vector<16xi32>, vector<16xi32>], vector<16xf32>,
      %mul3A_780 = arith.mulf %gather3A_778, %gather3A_779 : vector<16xf32>
      %mul3A_781 = arith.mulf %mul3A_780, %gather3A_57 : vector<16xf32>
      %add3A_782 = arith.addf %add3A_774, %mul3A_781 : vector<16xf32>
      %add3A_783 = arith.constant 24 : i32
      %add3A_784 = vector.broadcast %add3A_783 : i32 to vector<16xi32>
      %add3A_785 = arith.addi %select_n3A_45, %add3A_784 : vector<16xi32>
      %gather3A_786 = tpu.vector_load_idx %arg11[%broadcast_in_dim3A_756, %select_n3A, %add3A_785, %and3A_750] : memref<4x2x32x128xf32, #tpu.memory_space<vmem>>[vector<16xi32>, vector<16xi32>, vector<16xi32>, vector<16xi32>], vector<16xf32>,
      %gather3A_787 = tpu.vector_load_idx %arg12[%broadcast_in_dim3A_756, %select_n3A, %add3A_785, %and3A_754] : memref<4x2x32x128xf32, #tpu.memory_space<vmem>>[vector<16xi32>, vector<16xi32>, vector<16xi32>, vector<16xi32>], vector<16xf32>,
      %mul3A_788 = arith.mulf %gather3A_786, %gather3A_787 : vector<16xf32>
      %mul3A_789 = arith.mulf %mul3A_788, %gather3A_61 : vector<16xf32>
      %add3A_790 = arith.addf %add3A_782, %mul3A_789 : vector<16xf32>
      %mul3A_791 = arith.constant 8 : i32
      %mul3A_792 = arith.muli %add3A_381, %mul3A_791 : i32
      %add3A_793 = arith.constant 1 : i32
      %add3A_794 = arith.addi %mul3A_792, %add3A_793 : i32
      %mul3A_795 = arith.constant 16 : i32
      %mul3A_796 = arith.muli %add3A_794, %mul3A_795 : i32
      %swap3A_797 = arith.index_cast %mul3A_796 : i32 to index
      %swap3A_798 = tpu.vector_load %arg13[%swap3A_797] {strides = array<i32>} : memref<4096xf32, #tpu.memory_space<vmem>>, vector<16xf32>,
      tpu.vector_store %arg13[%swap3A_797], %add3A_790 {strides = array<i32>} : memref<4096xf32, #tpu.memory_space<vmem>>, vector<16xf32>,
      %mul3A_799 = arith.constant 16 : i32
      %mul3A_800 = arith.muli %add3A_381, %mul3A_799 : i32
      %get3A_801 = arith.index_cast %mul3A_800 : i32 to index
      %get3A_802 = tpu.vector_load %arg9[%get3A_801] {strides = array<i32>} : memref<512xi32, #tpu.memory_space<vmem>>, vector<16xi32>,
      %mul3A_803 = arith.constant 16 : i32
      %mul3A_804 = arith.muli %add3A_381, %mul3A_803 : i32
      %get3A_805 = arith.index_cast %mul3A_804 : i32 to index
      %get3A_806 = tpu.vector_load %arg10[%get3A_805] {strides = array<i32>} : memref<512xi32, #tpu.memory_space<vmem>>, vector<16xi32>,
      %shift_right_arithmetic3A_807 = arith.constant 7 : i32
      %shift_right_arithmetic3A_808 = vector.broadcast %shift_right_arithmetic3A_807 : i32 to vector<16xi32>
      %shift_right_arithmetic3A_809 = arith.shrsi %get3A_802, %shift_right_arithmetic3A_808 : vector<16xi32>
      %shift_left3A_810 = arith.constant 7 : i32
      %shift_left3A_811 = vector.broadcast %shift_left3A_810 : i32 to vector<16xi32>
      %shift_left3A_812 = arith.shli %shift_right_arithmetic3A_809, %shift_left3A_811 : vector<16xi32>
      %shift_right_arithmetic3A_813 = arith.constant 7 : i32
      %shift_right_arithmetic3A_814 = vector.broadcast %shift_right_arithmetic3A_813 : i32 to vector<16xi32>
      %shift_right_arithmetic3A_815 = arith.shrsi %get3A_806, %shift_right_arithmetic3A_814 : vector<16xi32>
      %shift_left3A_816 = arith.constant 7 : i32
      %shift_left3A_817 = vector.broadcast %shift_left3A_816 : i32 to vector<16xi32>
      %shift_left3A_818 = arith.shli %shift_right_arithmetic3A_815, %shift_left3A_817 : vector<16xi32>
      %slice3A_819 = vector.extract_strided_slice %shift_left3A_812 {offsets = [10], sizes = [1], strides = [1]} : vector<16xi32> to vector<1xi32>
      %squeeze3A_820 = vector.extract %slice3A_819[0] : i32 from vector<1xi32>
      %multiple_of3A_821 = tpu.assume_multiple %squeeze3A_820, 128 : i32
      %slice3A_822 = vector.extract_strided_slice %shift_left3A_818 {offsets = [10], sizes = [1], strides = [1]} : vector<16xi32> to vector<1xi32>
      %squeeze3A_823 = vector.extract %slice3A_822[0] : i32 from vector<1xi32>
      %multiple_of3A_824 = tpu.assume_multiple %squeeze3A_823, 128 : i32
      %dma_start3A_825 = arith.constant 1 : i32
      %dma_start3A_826 = arith.constant 0 : i32
      %dma_start3A_827 = arith.constant 0 : i32
      %dma_start3A_828 = arith.constant 0 : i32
      %dma_start3A_829 = tpu.memref_slice %arg11[%dma_start3A_825, %dma_start3A_826, %dma_start3A_827, %dma_start3A_828] : memref<4x2x32x128xf32, #tpu.memory_space<vmem>> -> memref<1x1x32x128xf32, #tpu.memory_space<vmem>>
      %dma_start3A_830 = tpu.memref_squeeze %dma_start3A_829 : memref<1x1x32x128xf32, #tpu.memory_space<vmem>> -> memref<32x128xf32, #tpu.memory_space<vmem>>
      %dma_start3A_831 = arith.constant 0 : i32
      %dma_start3A_832 = tpu.memref_slice %arg4[%dma_start3A_831, %multiple_of3A_821] : memref<32x1000000xf32, #tpu.memory_space<hbm>> -> memref<32x128xf32, #tpu.memory_space<hbm>>
      %dma_start3A_833 = arith.constant 0 : i32
      %dma_start3A_834 = arith.constant 0 : i32
      %dma_start3A_835 = tpu.memref_slice %arg11[%dma_start3A_825, %dma_start3A_826, %dma_start3A_833, %dma_start3A_834] : memref<4x2x32x128xf32, #tpu.memory_space<vmem>> -> memref<1x1x32x128xf32, #tpu.memory_space<vmem>>
      %dma_start3A_836 = tpu.memref_squeeze %dma_start3A_835 : memref<1x1x32x128xf32, #tpu.memory_space<vmem>> -> memref<32x128xf32, #tpu.memory_space<vmem>>
      %dma_start3A_837 = arith.constant 0 : i32
      %dma_start3A_838 = tpu.memref_slice %arg4[%dma_start3A_837, %multiple_of3A_821] : memref<32x1000000xf32, #tpu.memory_space<hbm>> -> memref<32x128xf32, #tpu.memory_space<hbm>>
      tpu.enqueue_dma source(%dma_start3A_838 : memref<32x128xf32, #tpu.memory_space<hbm>>) target(%dma_start3A_836 : memref<32x128xf32, #tpu.memory_space<vmem>>) target_semaphore(%arg18 : memref<!tpu.dma_semaphore, #tpu.memory_space<semaphore_mem>>)
      %dma_start3A_839 = arith.constant 1 : i32
      %dma_start3A_840 = arith.constant 0 : i32
      %dma_start3A_841 = arith.constant 0 : i32
      %dma_start3A_842 = arith.constant 0 : i32
      %dma_start3A_843 = tpu.memref_slice %arg12[%dma_start3A_839, %dma_start3A_840, %dma_start3A_841, %dma_start3A_842] : memref<4x2x32x128xf32, #tpu.memory_space<vmem>> -> memref<1x1x32x128xf32, #tpu.memory_space<vmem>>
      %dma_start3A_844 = tpu.memref_squeeze %dma_start3A_843 : memref<1x1x32x128xf32, #tpu.memory_space<vmem>> -> memref<32x128xf32, #tpu.memory_space<vmem>>
      %dma_start3A_845 = arith.constant 0 : i32
      %dma_start3A_846 = tpu.memref_slice %arg5[%dma_start3A_845, %multiple_of3A_824] : memref<32x1000000xf32, #tpu.memory_space<hbm>> -> memref<32x128xf32, #tpu.memory_space<hbm>>
      %dma_start3A_847 = arith.constant 0 : i32
      %dma_start3A_848 = arith.constant 0 : i32
      %dma_start3A_849 = tpu.memref_slice %arg12[%dma_start3A_839, %dma_start3A_840, %dma_start3A_847, %dma_start3A_848] : memref<4x2x32x128xf32, #tpu.memory_space<vmem>> -> memref<1x1x32x128xf32, #tpu.memory_space<vmem>>
      %dma_start3A_850 = tpu.memref_squeeze %dma_start3A_849 : memref<1x1x32x128xf32, #tpu.memory_space<vmem>> -> memref<32x128xf32, #tpu.memory_space<vmem>>
      %dma_start3A_851 = arith.constant 0 : i32
      %dma_start3A_852 = tpu.memref_slice %arg5[%dma_start3A_851, %multiple_of3A_824] : memref<32x1000000xf32, #tpu.memory_space<hbm>> -> memref<32x128xf32, #tpu.memory_space<hbm>>
      tpu.enqueue_dma source(%dma_start3A_852 : memref<32x128xf32, #tpu.memory_space<hbm>>) target(%dma_start3A_850 : memref<32x128xf32, #tpu.memory_space<vmem>>) target_semaphore(%arg22 : memref<!tpu.dma_semaphore, #tpu.memory_space<semaphore_mem>>)
      %slice3A_853 = vector.extract_strided_slice %shift_left3A_812 {offsets = [11], sizes = [1], strides = [1]} : vector<16xi32> to vector<1xi32>
      %squeeze3A_854 = vector.extract %slice3A_853[0] : i32 from vector<1xi32>
      %multiple_of3A_855 = tpu.assume_multiple %squeeze3A_854, 128 : i32
      %slice3A_856 = vector.extract_strided_slice %shift_left3A_818 {offsets = [11], sizes = [1], strides = [1]} : vector<16xi32> to vector<1xi32>
      %squeeze3A_857 = vector.extract %slice3A_856[0] : i32 from vector<1xi32>
      %multiple_of3A_858 = tpu.assume_multiple %squeeze3A_857, 128 : i32
      %dma_start3A_859 = arith.constant 1 : i32
      %dma_start3A_860 = arith.constant 1 : i32
      %dma_start3A_861 = arith.constant 0 : i32
      %dma_start3A_862 = arith.constant 0 : i32
      %dma_start3A_863 = tpu.memref_slice %arg11[%dma_start3A_859, %dma_start3A_860, %dma_start3A_861, %dma_start3A_862] : memref<4x2x32x128xf32, #tpu.memory_space<vmem>> -> memref<1x1x32x128xf32, #tpu.memory_space<vmem>>
      %dma_start3A_864 = tpu.memref_squeeze %dma_start3A_863 : memref<1x1x32x128xf32, #tpu.memory_space<vmem>> -> memref<32x128xf32, #tpu.memory_space<vmem>>
      %dma_start3A_865 = arith.constant 0 : i32
      %dma_start3A_866 = tpu.memref_slice %arg4[%dma_start3A_865, %multiple_of3A_855] : memref<32x1000000xf32, #tpu.memory_space<hbm>> -> memref<32x128xf32, #tpu.memory_space<hbm>>
      %dma_start3A_867 = arith.constant 0 : i32
      %dma_start3A_868 = arith.constant 0 : i32
      %dma_start3A_869 = tpu.memref_slice %arg11[%dma_start3A_859, %dma_start3A_860, %dma_start3A_867, %dma_start3A_868] : memref<4x2x32x128xf32, #tpu.memory_space<vmem>> -> memref<1x1x32x128xf32, #tpu.memory_space<vmem>>
      %dma_start3A_870 = tpu.memref_squeeze %dma_start3A_869 : memref<1x1x32x128xf32, #tpu.memory_space<vmem>> -> memref<32x128xf32, #tpu.memory_space<vmem>>
      %dma_start3A_871 = arith.constant 0 : i32
      %dma_start3A_872 = tpu.memref_slice %arg4[%dma_start3A_871, %multiple_of3A_855] : memref<32x1000000xf32, #tpu.memory_space<hbm>> -> memref<32x128xf32, #tpu.memory_space<hbm>>
      tpu.enqueue_dma source(%dma_start3A_872 : memref<32x128xf32, #tpu.memory_space<hbm>>) target(%dma_start3A_870 : memref<32x128xf32, #tpu.memory_space<vmem>>) target_semaphore(%arg18 : memref<!tpu.dma_semaphore, #tpu.memory_space<semaphore_mem>>)
      %dma_start3A_873 = arith.constant 1 : i32
      %dma_start3A_874 = arith.constant 1 : i32
      %dma_start3A_875 = arith.constant 0 : i32
      %dma_start3A_876 = arith.constant 0 : i32
      %dma_start3A_877 = tpu.memref_slice %arg12[%dma_start3A_873, %dma_start3A_874, %dma_start3A_875, %dma_start3A_876] : memref<4x2x32x128xf32, #tpu.memory_space<vmem>> -> memref<1x1x32x128xf32, #tpu.memory_space<vmem>>
      %dma_start3A_878 = tpu.memref_squeeze %dma_start3A_877 : memref<1x1x32x128xf32, #tpu.memory_space<vmem>> -> memref<32x128xf32, #tpu.memory_space<vmem>>
      %dma_start3A_879 = arith.constant 0 : i32
      %dma_start3A_880 = tpu.memref_slice %arg5[%dma_start3A_879, %multiple_of3A_858] : memref<32x1000000xf32, #tpu.memory_space<hbm>> -> memref<32x128xf32, #tpu.memory_space<hbm>>
      %dma_start3A_881 = arith.constant 0 : i32
      %dma_start3A_882 = arith.constant 0 : i32
      %dma_start3A_883 = tpu.memref_slice %arg12[%dma_start3A_873, %dma_start3A_874, %dma_start3A_881, %dma_start3A_882] : memref<4x2x32x128xf32, #tpu.memory_space<vmem>> -> memref<1x1x32x128xf32, #tpu.memory_space<vmem>>
      %dma_start3A_884 = tpu.memref_squeeze %dma_start3A_883 : memref<1x1x32x128xf32, #tpu.memory_space<vmem>> -> memref<32x128xf32, #tpu.memory_space<vmem>>
      %dma_start3A_885 = arith.constant 0 : i32
      %dma_start3A_886 = tpu.memref_slice %arg5[%dma_start3A_885, %multiple_of3A_858] : memref<32x1000000xf32, #tpu.memory_space<hbm>> -> memref<32x128xf32, #tpu.memory_space<hbm>>
      tpu.enqueue_dma source(%dma_start3A_886 : memref<32x128xf32, #tpu.memory_space<hbm>>) target(%dma_start3A_884 : memref<32x128xf32, #tpu.memory_space<vmem>>) target_semaphore(%arg22 : memref<!tpu.dma_semaphore, #tpu.memory_space<semaphore_mem>>)
      %dma_wait3A_887 = arith.constant 2 : i32
      %dma_wait3A_888 = arith.constant 0 : i32
      %dma_wait3A_889 = arith.constant 0 : i32
      %dma_wait3A_890 = arith.constant 0 : i32
      %dma_wait3A_891 = tpu.memref_slice %arg11[%dma_wait3A_887, %dma_wait3A_888, %dma_wait3A_889, %dma_wait3A_890] : memref<4x2x32x128xf32, #tpu.memory_space<vmem>> -> memref<1x1x32x128xf32, #tpu.memory_space<vmem>>
      %dma_wait3A_892 = tpu.memref_squeeze %dma_wait3A_891 : memref<1x1x32x128xf32, #tpu.memory_space<vmem>> -> memref<32x128xf32, #tpu.memory_space<vmem>>
      %dma_wait3A_893 = arith.constant 0 : i32
      %dma_wait3A_894 = arith.constant 0 : i32
      %dma_wait3A_895 = tpu.memref_slice %arg4[%dma_wait3A_893, %dma_wait3A_894] : memref<32x1000000xf32, #tpu.memory_space<hbm>> -> memref<32x128xf32, #tpu.memory_space<hbm>>
      %dma_wait3A_896 = arith.constant 0 : i32
      %dma_wait3A_897 = arith.constant 0 : i32
      %dma_wait3A_898 = tpu.memref_slice %arg11[%dma_wait3A_887, %dma_wait3A_888, %dma_wait3A_896, %dma_wait3A_897] : memref<4x2x32x128xf32, #tpu.memory_space<vmem>> -> memref<1x1x32x128xf32, #tpu.memory_space<vmem>>
      %dma_wait3A_899 = tpu.memref_squeeze %dma_wait3A_898 : memref<1x1x32x128xf32, #tpu.memory_space<vmem>> -> memref<32x128xf32, #tpu.memory_space<vmem>>
      %dma_wait3A_900 = arith.constant 0 : i32
      %dma_wait3A_901 = arith.constant 0 : i32
      %dma_wait3A_902 = tpu.memref_slice %arg4[%dma_wait3A_900, %dma_wait3A_901] : memref<32x1000000xf32, #tpu.memory_space<hbm>> -> memref<32x128xf32, #tpu.memory_space<hbm>>
      tpu.wait_dma2 semaphore(%arg19 : memref<!tpu.dma_semaphore, #tpu.memory_space<semaphore_mem>>) src(%dma_wait3A_902 : memref<32x128xf32, #tpu.memory_space<hbm>>) dst(%dma_wait3A_899 : memref<32x128xf32, #tpu.memory_space<vmem>>)
      %dma_wait3A_903 = arith.constant 2 : i32
      %dma_wait3A_904 = arith.constant 0 : i32
      %dma_wait3A_905 = arith.constant 0 : i32
      %dma_wait3A_906 = arith.constant 0 : i32
      %dma_wait3A_907 = tpu.memref_slice %arg12[%dma_wait3A_903, %dma_wait3A_904, %dma_wait3A_905, %dma_wait3A_906] : memref<4x2x32x128xf32, #tpu.memory_space<vmem>> -> memref<1x1x32x128xf32, #tpu.memory_space<vmem>>
      %dma_wait3A_908 = tpu.memref_squeeze %dma_wait3A_907 : memref<1x1x32x128xf32, #tpu.memory_space<vmem>> -> memref<32x128xf32, #tpu.memory_space<vmem>>
      %dma_wait3A_909 = arith.constant 0 : i32
      %dma_wait3A_910 = arith.constant 0 : i32
      %dma_wait3A_911 = tpu.memref_slice %arg5[%dma_wait3A_909, %dma_wait3A_910] : memref<32x1000000xf32, #tpu.memory_space<hbm>> -> memref<32x128xf32, #tpu.memory_space<hbm>>
      %dma_wait3A_912 = arith.constant 0 : i32
      %dma_wait3A_913 = arith.constant 0 : i32
      %dma_wait3A_914 = tpu.memref_slice %arg12[%dma_wait3A_903, %dma_wait3A_904, %dma_wait3A_912, %dma_wait3A_913] : memref<4x2x32x128xf32, #tpu.memory_space<vmem>> -> memref<1x1x32x128xf32, #tpu.memory_space<vmem>>
      %dma_wait3A_915 = tpu.memref_squeeze %dma_wait3A_914 : memref<1x1x32x128xf32, #tpu.memory_space<vmem>> -> memref<32x128xf32, #tpu.memory_space<vmem>>
      %dma_wait3A_916 = arith.constant 0 : i32
      %dma_wait3A_917 = arith.constant 0 : i32
      %dma_wait3A_918 = tpu.memref_slice %arg5[%dma_wait3A_916, %dma_wait3A_917] : memref<32x1000000xf32, #tpu.memory_space<hbm>> -> memref<32x128xf32, #tpu.memory_space<hbm>>
      tpu.wait_dma2 semaphore(%arg23 : memref<!tpu.dma_semaphore, #tpu.memory_space<semaphore_mem>>) src(%dma_wait3A_918 : memref<32x128xf32, #tpu.memory_space<hbm>>) dst(%dma_wait3A_915 : memref<32x128xf32, #tpu.memory_space<vmem>>)
      %dma_wait3A_919 = arith.constant 2 : i32
      %dma_wait3A_920 = arith.constant 1 : i32
      %dma_wait3A_921 = arith.constant 0 : i32
      %dma_wait3A_922 = arith.constant 0 : i32
      %dma_wait3A_923 = tpu.memref_slice %arg11[%dma_wait3A_919, %dma_wait3A_920, %dma_wait3A_921, %dma_wait3A_922] : memref<4x2x32x128xf32, #tpu.memory_space<vmem>> -> memref<1x1x32x128xf32, #tpu.memory_space<vmem>>
      %dma_wait3A_924 = tpu.memref_squeeze %dma_wait3A_923 : memref<1x1x32x128xf32, #tpu.memory_space<vmem>> -> memref<32x128xf32, #tpu.memory_space<vmem>>
      %dma_wait3A_925 = arith.constant 0 : i32
      %dma_wait3A_926 = arith.constant 0 : i32
      %dma_wait3A_927 = tpu.memref_slice %arg4[%dma_wait3A_925, %dma_wait3A_926] : memref<32x1000000xf32, #tpu.memory_space<hbm>> -> memref<32x128xf32, #tpu.memory_space<hbm>>
      %dma_wait3A_928 = arith.constant 0 : i32
      %dma_wait3A_929 = arith.constant 0 : i32
      %dma_wait3A_930 = tpu.memref_slice %arg11[%dma_wait3A_919, %dma_wait3A_920, %dma_wait3A_928, %dma_wait3A_929] : memref<4x2x32x128xf32, #tpu.memory_space<vmem>> -> memref<1x1x32x128xf32, #tpu.memory_space<vmem>>
      %dma_wait3A_931 = tpu.memref_squeeze %dma_wait3A_930 : memref<1x1x32x128xf32, #tpu.memory_space<vmem>> -> memref<32x128xf32, #tpu.memory_space<vmem>>
      %dma_wait3A_932 = arith.constant 0 : i32
      %dma_wait3A_933 = arith.constant 0 : i32
      %dma_wait3A_934 = tpu.memref_slice %arg4[%dma_wait3A_932, %dma_wait3A_933] : memref<32x1000000xf32, #tpu.memory_space<hbm>> -> memref<32x128xf32, #tpu.memory_space<hbm>>
      tpu.wait_dma2 semaphore(%arg19 : memref<!tpu.dma_semaphore, #tpu.memory_space<semaphore_mem>>) src(%dma_wait3A_934 : memref<32x128xf32, #tpu.memory_space<hbm>>) dst(%dma_wait3A_931 : memref<32x128xf32, #tpu.memory_space<vmem>>)
      %dma_wait3A_935 = arith.constant 2 : i32
      %dma_wait3A_936 = arith.constant 1 : i32
      %dma_wait3A_937 = arith.constant 0 : i32
      %dma_wait3A_938 = arith.constant 0 : i32
      %dma_wait3A_939 = tpu.memref_slice %arg12[%dma_wait3A_935, %dma_wait3A_936, %dma_wait3A_937, %dma_wait3A_938] : memref<4x2x32x128xf32, #tpu.memory_space<vmem>> -> memref<1x1x32x128xf32, #tpu.memory_space<vmem>>
      %dma_wait3A_940 = tpu.memref_squeeze %dma_wait3A_939 : memref<1x1x32x128xf32, #tpu.memory_space<vmem>> -> memref<32x128xf32, #tpu.memory_space<vmem>>
      %dma_wait3A_941 = arith.constant 0 : i32
      %dma_wait3A_942 = arith.constant 0 : i32
      %dma_wait3A_943 = tpu.memref_slice %arg5[%dma_wait3A_941, %dma_wait3A_942] : memref<32x1000000xf32, #tpu.memory_space<hbm>> -> memref<32x128xf32, #tpu.memory_space<hbm>>
      %dma_wait3A_944 = arith.constant 0 : i32
      %dma_wait3A_945 = arith.constant 0 : i32
      %dma_wait3A_946 = tpu.memref_slice %arg12[%dma_wait3A_935, %dma_wait3A_936, %dma_wait3A_944, %dma_wait3A_945] : memref<4x2x32x128xf32, #tpu.memory_space<vmem>> -> memref<1x1x32x128xf32, #tpu.memory_space<vmem>>
      %dma_wait3A_947 = tpu.memref_squeeze %dma_wait3A_946 : memref<1x1x32x128xf32, #tpu.memory_space<vmem>> -> memref<32x128xf32, #tpu.memory_space<vmem>>
      %dma_wait3A_948 = arith.constant 0 : i32
      %dma_wait3A_949 = arith.constant 0 : i32
      %dma_wait3A_950 = tpu.memref_slice %arg5[%dma_wait3A_948, %dma_wait3A_949] : memref<32x1000000xf32, #tpu.memory_space<hbm>> -> memref<32x128xf32, #tpu.memory_space<hbm>>
      tpu.wait_dma2 semaphore(%arg23 : memref<!tpu.dma_semaphore, #tpu.memory_space<semaphore_mem>>) src(%dma_wait3A_950 : memref<32x128xf32, #tpu.memory_space<hbm>>) dst(%dma_wait3A_947 : memref<32x128xf32, #tpu.memory_space<vmem>>)
      %mul3A_951 = arith.constant 16 : i32
      %mul3A_952 = arith.muli %add3A_381, %mul3A_951 : i32
      %add3A_953 = arith.constant 4 : i32
      %add3A_954 = arith.addi %mul3A_952, %add3A_953 : i32
      %add3A_955 = vector.broadcast %add3A_954 : i32 to vector<16xi32>
      %add3A_956 = arith.addi %add3A_955, %select_n3A : vector<16xi32>
      %gather3A_957 = tpu.vector_load_idx %arg9[%add3A_956] : memref<512xi32, #tpu.memory_space<vmem>>[vector<16xi32>], vector<16xi32>,
      %and3A_958 = arith.constant 127 : i32
      %and3A_959 = vector.broadcast %and3A_958 : i32 to vector<16xi32>
      %and3A_960 = arith.andi %gather3A_957, %and3A_959 : vector<16xi32>
      %gather3A_961 = tpu.vector_load_idx %arg10[%add3A_956] : memref<512xi32, #tpu.memory_space<vmem>>[vector<16xi32>], vector<16xi32>,
      %and3A_962 = arith.constant 127 : i32
      %and3A_963 = vector.broadcast %and3A_962 : i32 to vector<16xi32>
      %and3A_964 = arith.andi %gather3A_961, %and3A_963 : vector<16xi32>
      %broadcast_in_dim3A_965 = arith.constant 2 : i32
      %broadcast_in_dim3A_966 = vector.broadcast %broadcast_in_dim3A_965 : i32 to vector<16xi32>
      %broadcast_in_dim3A_967 = arith.constant 0.000000e+00 : f32
      %broadcast_in_dim3A_968 = vector.broadcast %broadcast_in_dim3A_967 : f32 to vector<16xf32>
      %add3A_969 = arith.constant 0 : i32
      %add3A_970 = vector.broadcast %add3A_969 : i32 to vector<16xi32>
      %add3A_971 = arith.addi %select_n3A_45, %add3A_970 : vector<16xi32>
      %gather3A_972 = tpu.vector_load_idx %arg11[%broadcast_in_dim3A_966, %select_n3A, %add3A_971, %and3A_960] : memref<4x2x32x128xf32, #tpu.memory_space<vmem>>[vector<16xi32>, vector<16xi32>, vector<16xi32>, vector<16xi32>], vector<16xf32>,
      %gather3A_973 = tpu.vector_load_idx %arg12[%broadcast_in_dim3A_966, %select_n3A, %add3A_971, %and3A_964] : memref<4x2x32x128xf32, #tpu.memory_space<vmem>>[vector<16xi32>, vector<16xi32>, vector<16xi32>, vector<16xi32>], vector<16xf32>,
      %mul3A_974 = arith.mulf %gather3A_972, %gather3A_973 : vector<16xf32>
      %mul3A_975 = arith.mulf %mul3A_974, %gather3A : vector<16xf32>
      %add3A_976 = arith.addf %broadcast_in_dim3A_968, %mul3A_975 : vector<16xf32>
      %add3A_977 = arith.constant 8 : i32
      %add3A_978 = vector.broadcast %add3A_977 : i32 to vector<16xi32>
      %add3A_979 = arith.addi %select_n3A_45, %add3A_978 : vector<16xi32>
      %gather3A_980 = tpu.vector_load_idx %arg11[%broadcast_in_dim3A_966, %select_n3A, %add3A_979, %and3A_960] : memref<4x2x32x128xf32, #tpu.memory_space<vmem>>[vector<16xi32>, vector<16xi32>, vector<16xi32>, vector<16xi32>], vector<16xf32>,
      %gather3A_981 = tpu.vector_load_idx %arg12[%broadcast_in_dim3A_966, %select_n3A, %add3A_979, %and3A_964] : memref<4x2x32x128xf32, #tpu.memory_space<vmem>>[vector<16xi32>, vector<16xi32>, vector<16xi32>, vector<16xi32>], vector<16xf32>,
      %mul3A_982 = arith.mulf %gather3A_980, %gather3A_981 : vector<16xf32>
      %mul3A_983 = arith.mulf %mul3A_982, %gather3A_53 : vector<16xf32>
      %add3A_984 = arith.addf %add3A_976, %mul3A_983 : vector<16xf32>
      %add3A_985 = arith.constant 16 : i32
      %add3A_986 = vector.broadcast %add3A_985 : i32 to vector<16xi32>
      %add3A_987 = arith.addi %select_n3A_45, %add3A_986 : vector<16xi32>
      %gather3A_988 = tpu.vector_load_idx %arg11[%broadcast_in_dim3A_966, %select_n3A, %add3A_987, %and3A_960] : memref<4x2x32x128xf32, #tpu.memory_space<vmem>>[vector<16xi32>, vector<16xi32>, vector<16xi32>, vector<16xi32>], vector<16xf32>,
      %gather3A_989 = tpu.vector_load_idx %arg12[%broadcast_in_dim3A_966, %select_n3A, %add3A_987, %and3A_964] : memref<4x2x32x128xf32, #tpu.memory_space<vmem>>[vector<16xi32>, vector<16xi32>, vector<16xi32>, vector<16xi32>], vector<16xf32>,
      %mul3A_990 = arith.mulf %gather3A_988, %gather3A_989 : vector<16xf32>
      %mul3A_991 = arith.mulf %mul3A_990, %gather3A_57 : vector<16xf32>
      %add3A_992 = arith.addf %add3A_984, %mul3A_991 : vector<16xf32>
      %add3A_993 = arith.constant 24 : i32
      %add3A_994 = vector.broadcast %add3A_993 : i32 to vector<16xi32>
      %add3A_995 = arith.addi %select_n3A_45, %add3A_994 : vector<16xi32>
      %gather3A_996 = tpu.vector_load_idx %arg11[%broadcast_in_dim3A_966, %select_n3A, %add3A_995, %and3A_960] : memref<4x2x32x128xf32, #tpu.memory_space<vmem>>[vector<16xi32>, vector<16xi32>, vector<16xi32>, vector<16xi32>], vector<16xf32>,
      %gather3A_997 = tpu.vector_load_idx %arg12[%broadcast_in_dim3A_966, %select_n3A, %add3A_995, %and3A_964] : memref<4x2x32x128xf32, #tpu.memory_space<vmem>>[vector<16xi32>, vector<16xi32>, vector<16xi32>, vector<16xi32>], vector<16xf32>,
      %mul3A_998 = arith.mulf %gather3A_996, %gather3A_997 : vector<16xf32>
      %mul3A_999 = arith.mulf %mul3A_998, %gather3A_61 : vector<16xf32>
      %add3A_1000 = arith.addf %add3A_992, %mul3A_999 : vector<16xf32>
      %mul3A_1001 = arith.constant 8 : i32
      %mul3A_1002 = arith.muli %add3A_381, %mul3A_1001 : i32
      %add3A_1003 = arith.constant 2 : i32
      %add3A_1004 = arith.addi %mul3A_1002, %add3A_1003 : i32
      %mul3A_1005 = arith.constant 16 : i32
      %mul3A_1006 = arith.muli %add3A_1004, %mul3A_1005 : i32
      %swap3A_1007 = arith.index_cast %mul3A_1006 : i32 to index
      %swap3A_1008 = tpu.vector_load %arg13[%swap3A_1007] {strides = array<i32>} : memref<4096xf32, #tpu.memory_space<vmem>>, vector<16xf32>,
      tpu.vector_store %arg13[%swap3A_1007], %add3A_1000 {strides = array<i32>} : memref<4096xf32, #tpu.memory_space<vmem>>, vector<16xf32>,
      %mul3A_1009 = arith.constant 16 : i32
      %mul3A_1010 = arith.muli %add3A_381, %mul3A_1009 : i32
      %get3A_1011 = arith.index_cast %mul3A_1010 : i32 to index
      %get3A_1012 = tpu.vector_load %arg9[%get3A_1011] {strides = array<i32>} : memref<512xi32, #tpu.memory_space<vmem>>, vector<16xi32>,
      %mul3A_1013 = arith.constant 16 : i32
      %mul3A_1014 = arith.muli %add3A_381, %mul3A_1013 : i32
      %get3A_1015 = arith.index_cast %mul3A_1014 : i32 to index
      %get3A_1016 = tpu.vector_load %arg10[%get3A_1015] {strides = array<i32>} : memref<512xi32, #tpu.memory_space<vmem>>, vector<16xi32>,
      %shift_right_arithmetic3A_1017 = arith.constant 7 : i32
      %shift_right_arithmetic3A_1018 = vector.broadcast %shift_right_arithmetic3A_1017 : i32 to vector<16xi32>
      %shift_right_arithmetic3A_1019 = arith.shrsi %get3A_1012, %shift_right_arithmetic3A_1018 : vector<16xi32>
      %shift_left3A_1020 = arith.constant 7 : i32
      %shift_left3A_1021 = vector.broadcast %shift_left3A_1020 : i32 to vector<16xi32>
      %shift_left3A_1022 = arith.shli %shift_right_arithmetic3A_1019, %shift_left3A_1021 : vector<16xi32>
      %shift_right_arithmetic3A_1023 = arith.constant 7 : i32
      %shift_right_arithmetic3A_1024 = vector.broadcast %shift_right_arithmetic3A_1023 : i32 to vector<16xi32>
      %shift_right_arithmetic3A_1025 = arith.shrsi %get3A_1016, %shift_right_arithmetic3A_1024 : vector<16xi32>
      %shift_left3A_1026 = arith.constant 7 : i32
      %shift_left3A_1027 = vector.broadcast %shift_left3A_1026 : i32 to vector<16xi32>
      %shift_left3A_1028 = arith.shli %shift_right_arithmetic3A_1025, %shift_left3A_1027 : vector<16xi32>
      %slice3A_1029 = vector.extract_strided_slice %shift_left3A_1022 {offsets = [12], sizes = [1], strides = [1]} : vector<16xi32> to vector<1xi32>
      %squeeze3A_1030 = vector.extract %slice3A_1029[0] : i32 from vector<1xi32>
      %multiple_of3A_1031 = tpu.assume_multiple %squeeze3A_1030, 128 : i32
      %slice3A_1032 = vector.extract_strided_slice %shift_left3A_1028 {offsets = [12], sizes = [1], strides = [1]} : vector<16xi32> to vector<1xi32>
      %squeeze3A_1033 = vector.extract %slice3A_1032[0] : i32 from vector<1xi32>
      %multiple_of3A_1034 = tpu.assume_multiple %squeeze3A_1033, 128 : i32
      %dma_start3A_1035 = arith.constant 2 : i32
      %dma_start3A_1036 = arith.constant 0 : i32
      %dma_start3A_1037 = arith.constant 0 : i32
      %dma_start3A_1038 = arith.constant 0 : i32
      %dma_start3A_1039 = tpu.memref_slice %arg11[%dma_start3A_1035, %dma_start3A_1036, %dma_start3A_1037, %dma_start3A_1038] : memref<4x2x32x128xf32, #tpu.memory_space<vmem>> -> memref<1x1x32x128xf32, #tpu.memory_space<vmem>>
      %dma_start3A_1040 = tpu.memref_squeeze %dma_start3A_1039 : memref<1x1x32x128xf32, #tpu.memory_space<vmem>> -> memref<32x128xf32, #tpu.memory_space<vmem>>
      %dma_start3A_1041 = arith.constant 0 : i32
      %dma_start3A_1042 = tpu.memref_slice %arg4[%dma_start3A_1041, %multiple_of3A_1031] : memref<32x1000000xf32, #tpu.memory_space<hbm>> -> memref<32x128xf32, #tpu.memory_space<hbm>>
      %dma_start3A_1043 = arith.constant 0 : i32
      %dma_start3A_1044 = arith.constant 0 : i32
      %dma_start3A_1045 = tpu.memref_slice %arg11[%dma_start3A_1035, %dma_start3A_1036, %dma_start3A_1043, %dma_start3A_1044] : memref<4x2x32x128xf32, #tpu.memory_space<vmem>> -> memref<1x1x32x128xf32, #tpu.memory_space<vmem>>
      %dma_start3A_1046 = tpu.memref_squeeze %dma_start3A_1045 : memref<1x1x32x128xf32, #tpu.memory_space<vmem>> -> memref<32x128xf32, #tpu.memory_space<vmem>>
      %dma_start3A_1047 = arith.constant 0 : i32
      %dma_start3A_1048 = tpu.memref_slice %arg4[%dma_start3A_1047, %multiple_of3A_1031] : memref<32x1000000xf32, #tpu.memory_space<hbm>> -> memref<32x128xf32, #tpu.memory_space<hbm>>
      tpu.enqueue_dma source(%dma_start3A_1048 : memref<32x128xf32, #tpu.memory_space<hbm>>) target(%dma_start3A_1046 : memref<32x128xf32, #tpu.memory_space<vmem>>) target_semaphore(%arg19 : memref<!tpu.dma_semaphore, #tpu.memory_space<semaphore_mem>>)
      %dma_start3A_1049 = arith.constant 2 : i32
      %dma_start3A_1050 = arith.constant 0 : i32
      %dma_start3A_1051 = arith.constant 0 : i32
      %dma_start3A_1052 = arith.constant 0 : i32
      %dma_start3A_1053 = tpu.memref_slice %arg12[%dma_start3A_1049, %dma_start3A_1050, %dma_start3A_1051, %dma_start3A_1052] : memref<4x2x32x128xf32, #tpu.memory_space<vmem>> -> memref<1x1x32x128xf32, #tpu.memory_space<vmem>>
      %dma_start3A_1054 = tpu.memref_squeeze %dma_start3A_1053 : memref<1x1x32x128xf32, #tpu.memory_space<vmem>> -> memref<32x128xf32, #tpu.memory_space<vmem>>
      %dma_start3A_1055 = arith.constant 0 : i32
      %dma_start3A_1056 = tpu.memref_slice %arg5[%dma_start3A_1055, %multiple_of3A_1034] : memref<32x1000000xf32, #tpu.memory_space<hbm>> -> memref<32x128xf32, #tpu.memory_space<hbm>>
      %dma_start3A_1057 = arith.constant 0 : i32
      %dma_start3A_1058 = arith.constant 0 : i32
      %dma_start3A_1059 = tpu.memref_slice %arg12[%dma_start3A_1049, %dma_start3A_1050, %dma_start3A_1057, %dma_start3A_1058] : memref<4x2x32x128xf32, #tpu.memory_space<vmem>> -> memref<1x1x32x128xf32, #tpu.memory_space<vmem>>
      %dma_start3A_1060 = tpu.memref_squeeze %dma_start3A_1059 : memref<1x1x32x128xf32, #tpu.memory_space<vmem>> -> memref<32x128xf32, #tpu.memory_space<vmem>>
      %dma_start3A_1061 = arith.constant 0 : i32
      %dma_start3A_1062 = tpu.memref_slice %arg5[%dma_start3A_1061, %multiple_of3A_1034] : memref<32x1000000xf32, #tpu.memory_space<hbm>> -> memref<32x128xf32, #tpu.memory_space<hbm>>
      tpu.enqueue_dma source(%dma_start3A_1062 : memref<32x128xf32, #tpu.memory_space<hbm>>) target(%dma_start3A_1060 : memref<32x128xf32, #tpu.memory_space<vmem>>) target_semaphore(%arg23 : memref<!tpu.dma_semaphore, #tpu.memory_space<semaphore_mem>>)
      %slice3A_1063 = vector.extract_strided_slice %shift_left3A_1022 {offsets = [13], sizes = [1], strides = [1]} : vector<16xi32> to vector<1xi32>
      %squeeze3A_1064 = vector.extract %slice3A_1063[0] : i32 from vector<1xi32>
      %multiple_of3A_1065 = tpu.assume_multiple %squeeze3A_1064, 128 : i32
      %slice3A_1066 = vector.extract_strided_slice %shift_left3A_1028 {offsets = [13], sizes = [1], strides = [1]} : vector<16xi32> to vector<1xi32>
      %squeeze3A_1067 = vector.extract %slice3A_1066[0] : i32 from vector<1xi32>
      %multiple_of3A_1068 = tpu.assume_multiple %squeeze3A_1067, 128 : i32
      %dma_start3A_1069 = arith.constant 2 : i32
      %dma_start3A_1070 = arith.constant 1 : i32
      %dma_start3A_1071 = arith.constant 0 : i32
      %dma_start3A_1072 = arith.constant 0 : i32
      %dma_start3A_1073 = tpu.memref_slice %arg11[%dma_start3A_1069, %dma_start3A_1070, %dma_start3A_1071, %dma_start3A_1072] : memref<4x2x32x128xf32, #tpu.memory_space<vmem>> -> memref<1x1x32x128xf32, #tpu.memory_space<vmem>>
      %dma_start3A_1074 = tpu.memref_squeeze %dma_start3A_1073 : memref<1x1x32x128xf32, #tpu.memory_space<vmem>> -> memref<32x128xf32, #tpu.memory_space<vmem>>
      %dma_start3A_1075 = arith.constant 0 : i32
      %dma_start3A_1076 = tpu.memref_slice %arg4[%dma_start3A_1075, %multiple_of3A_1065] : memref<32x1000000xf32, #tpu.memory_space<hbm>> -> memref<32x128xf32, #tpu.memory_space<hbm>>
      %dma_start3A_1077 = arith.constant 0 : i32
      %dma_start3A_1078 = arith.constant 0 : i32
      %dma_start3A_1079 = tpu.memref_slice %arg11[%dma_start3A_1069, %dma_start3A_1070, %dma_start3A_1077, %dma_start3A_1078] : memref<4x2x32x128xf32, #tpu.memory_space<vmem>> -> memref<1x1x32x128xf32, #tpu.memory_space<vmem>>
      %dma_start3A_1080 = tpu.memref_squeeze %dma_start3A_1079 : memref<1x1x32x128xf32, #tpu.memory_space<vmem>> -> memref<32x128xf32, #tpu.memory_space<vmem>>
      %dma_start3A_1081 = arith.constant 0 : i32
      %dma_start3A_1082 = tpu.memref_slice %arg4[%dma_start3A_1081, %multiple_of3A_1065] : memref<32x1000000xf32, #tpu.memory_space<hbm>> -> memref<32x128xf32, #tpu.memory_space<hbm>>
      tpu.enqueue_dma source(%dma_start3A_1082 : memref<32x128xf32, #tpu.memory_space<hbm>>) target(%dma_start3A_1080 : memref<32x128xf32, #tpu.memory_space<vmem>>) target_semaphore(%arg19 : memref<!tpu.dma_semaphore, #tpu.memory_space<semaphore_mem>>)
      %dma_start3A_1083 = arith.constant 2 : i32
      %dma_start3A_1084 = arith.constant 1 : i32
      %dma_start3A_1085 = arith.constant 0 : i32
      %dma_start3A_1086 = arith.constant 0 : i32
      %dma_start3A_1087 = tpu.memref_slice %arg12[%dma_start3A_1083, %dma_start3A_1084, %dma_start3A_1085, %dma_start3A_1086] : memref<4x2x32x128xf32, #tpu.memory_space<vmem>> -> memref<1x1x32x128xf32, #tpu.memory_space<vmem>>
      %dma_start3A_1088 = tpu.memref_squeeze %dma_start3A_1087 : memref<1x1x32x128xf32, #tpu.memory_space<vmem>> -> memref<32x128xf32, #tpu.memory_space<vmem>>
      %dma_start3A_1089 = arith.constant 0 : i32
      %dma_start3A_1090 = tpu.memref_slice %arg5[%dma_start3A_1089, %multiple_of3A_1068] : memref<32x1000000xf32, #tpu.memory_space<hbm>> -> memref<32x128xf32, #tpu.memory_space<hbm>>
      %dma_start3A_1091 = arith.constant 0 : i32
      %dma_start3A_1092 = arith.constant 0 : i32
      %dma_start3A_1093 = tpu.memref_slice %arg12[%dma_start3A_1083, %dma_start3A_1084, %dma_start3A_1091, %dma_start3A_1092] : memref<4x2x32x128xf32, #tpu.memory_space<vmem>> -> memref<1x1x32x128xf32, #tpu.memory_space<vmem>>
      %dma_start3A_1094 = tpu.memref_squeeze %dma_start3A_1093 : memref<1x1x32x128xf32, #tpu.memory_space<vmem>> -> memref<32x128xf32, #tpu.memory_space<vmem>>
      %dma_start3A_1095 = arith.constant 0 : i32
      %dma_start3A_1096 = tpu.memref_slice %arg5[%dma_start3A_1095, %multiple_of3A_1068] : memref<32x1000000xf32, #tpu.memory_space<hbm>> -> memref<32x128xf32, #tpu.memory_space<hbm>>
      tpu.enqueue_dma source(%dma_start3A_1096 : memref<32x128xf32, #tpu.memory_space<hbm>>) target(%dma_start3A_1094 : memref<32x128xf32, #tpu.memory_space<vmem>>) target_semaphore(%arg23 : memref<!tpu.dma_semaphore, #tpu.memory_space<semaphore_mem>>)
      %dma_wait3A_1097 = arith.constant 3 : i32
      %dma_wait3A_1098 = arith.constant 0 : i32
      %dma_wait3A_1099 = arith.constant 0 : i32
      %dma_wait3A_1100 = arith.constant 0 : i32
      %dma_wait3A_1101 = tpu.memref_slice %arg11[%dma_wait3A_1097, %dma_wait3A_1098, %dma_wait3A_1099, %dma_wait3A_1100] : memref<4x2x32x128xf32, #tpu.memory_space<vmem>> -> memref<1x1x32x128xf32, #tpu.memory_space<vmem>>
      %dma_wait3A_1102 = tpu.memref_squeeze %dma_wait3A_1101 : memref<1x1x32x128xf32, #tpu.memory_space<vmem>> -> memref<32x128xf32, #tpu.memory_space<vmem>>
      %dma_wait3A_1103 = arith.constant 0 : i32
      %dma_wait3A_1104 = arith.constant 0 : i32
      %dma_wait3A_1105 = tpu.memref_slice %arg4[%dma_wait3A_1103, %dma_wait3A_1104] : memref<32x1000000xf32, #tpu.memory_space<hbm>> -> memref<32x128xf32, #tpu.memory_space<hbm>>
      %dma_wait3A_1106 = arith.constant 0 : i32
      %dma_wait3A_1107 = arith.constant 0 : i32
      %dma_wait3A_1108 = tpu.memref_slice %arg11[%dma_wait3A_1097, %dma_wait3A_1098, %dma_wait3A_1106, %dma_wait3A_1107] : memref<4x2x32x128xf32, #tpu.memory_space<vmem>> -> memref<1x1x32x128xf32, #tpu.memory_space<vmem>>
      %dma_wait3A_1109 = tpu.memref_squeeze %dma_wait3A_1108 : memref<1x1x32x128xf32, #tpu.memory_space<vmem>> -> memref<32x128xf32, #tpu.memory_space<vmem>>
      %dma_wait3A_1110 = arith.constant 0 : i32
      %dma_wait3A_1111 = arith.constant 0 : i32
      %dma_wait3A_1112 = tpu.memref_slice %arg4[%dma_wait3A_1110, %dma_wait3A_1111] : memref<32x1000000xf32, #tpu.memory_space<hbm>> -> memref<32x128xf32, #tpu.memory_space<hbm>>
      tpu.wait_dma2 semaphore(%arg20 : memref<!tpu.dma_semaphore, #tpu.memory_space<semaphore_mem>>) src(%dma_wait3A_1112 : memref<32x128xf32, #tpu.memory_space<hbm>>) dst(%dma_wait3A_1109 : memref<32x128xf32, #tpu.memory_space<vmem>>)
      %dma_wait3A_1113 = arith.constant 3 : i32
      %dma_wait3A_1114 = arith.constant 0 : i32
      %dma_wait3A_1115 = arith.constant 0 : i32
      %dma_wait3A_1116 = arith.constant 0 : i32
      %dma_wait3A_1117 = tpu.memref_slice %arg12[%dma_wait3A_1113, %dma_wait3A_1114, %dma_wait3A_1115, %dma_wait3A_1116] : memref<4x2x32x128xf32, #tpu.memory_space<vmem>> -> memref<1x1x32x128xf32, #tpu.memory_space<vmem>>
      %dma_wait3A_1118 = tpu.memref_squeeze %dma_wait3A_1117 : memref<1x1x32x128xf32, #tpu.memory_space<vmem>> -> memref<32x128xf32, #tpu.memory_space<vmem>>
      %dma_wait3A_1119 = arith.constant 0 : i32
      %dma_wait3A_1120 = arith.constant 0 : i32
      %dma_wait3A_1121 = tpu.memref_slice %arg5[%dma_wait3A_1119, %dma_wait3A_1120] : memref<32x1000000xf32, #tpu.memory_space<hbm>> -> memref<32x128xf32, #tpu.memory_space<hbm>>
      %dma_wait3A_1122 = arith.constant 0 : i32
      %dma_wait3A_1123 = arith.constant 0 : i32
      %dma_wait3A_1124 = tpu.memref_slice %arg12[%dma_wait3A_1113, %dma_wait3A_1114, %dma_wait3A_1122, %dma_wait3A_1123] : memref<4x2x32x128xf32, #tpu.memory_space<vmem>> -> memref<1x1x32x128xf32, #tpu.memory_space<vmem>>
      %dma_wait3A_1125 = tpu.memref_squeeze %dma_wait3A_1124 : memref<1x1x32x128xf32, #tpu.memory_space<vmem>> -> memref<32x128xf32, #tpu.memory_space<vmem>>
      %dma_wait3A_1126 = arith.constant 0 : i32
      %dma_wait3A_1127 = arith.constant 0 : i32
      %dma_wait3A_1128 = tpu.memref_slice %arg5[%dma_wait3A_1126, %dma_wait3A_1127] : memref<32x1000000xf32, #tpu.memory_space<hbm>> -> memref<32x128xf32, #tpu.memory_space<hbm>>
      tpu.wait_dma2 semaphore(%arg24 : memref<!tpu.dma_semaphore, #tpu.memory_space<semaphore_mem>>) src(%dma_wait3A_1128 : memref<32x128xf32, #tpu.memory_space<hbm>>) dst(%dma_wait3A_1125 : memref<32x128xf32, #tpu.memory_space<vmem>>)
      %dma_wait3A_1129 = arith.constant 3 : i32
      %dma_wait3A_1130 = arith.constant 1 : i32
      %dma_wait3A_1131 = arith.constant 0 : i32
      %dma_wait3A_1132 = arith.constant 0 : i32
      %dma_wait3A_1133 = tpu.memref_slice %arg11[%dma_wait3A_1129, %dma_wait3A_1130, %dma_wait3A_1131, %dma_wait3A_1132] : memref<4x2x32x128xf32, #tpu.memory_space<vmem>> -> memref<1x1x32x128xf32, #tpu.memory_space<vmem>>
      %dma_wait3A_1134 = tpu.memref_squeeze %dma_wait3A_1133 : memref<1x1x32x128xf32, #tpu.memory_space<vmem>> -> memref<32x128xf32, #tpu.memory_space<vmem>>
      %dma_wait3A_1135 = arith.constant 0 : i32
      %dma_wait3A_1136 = arith.constant 0 : i32
      %dma_wait3A_1137 = tpu.memref_slice %arg4[%dma_wait3A_1135, %dma_wait3A_1136] : memref<32x1000000xf32, #tpu.memory_space<hbm>> -> memref<32x128xf32, #tpu.memory_space<hbm>>
      %dma_wait3A_1138 = arith.constant 0 : i32
      %dma_wait3A_1139 = arith.constant 0 : i32
      %dma_wait3A_1140 = tpu.memref_slice %arg11[%dma_wait3A_1129, %dma_wait3A_1130, %dma_wait3A_1138, %dma_wait3A_1139] : memref<4x2x32x128xf32, #tpu.memory_space<vmem>> -> memref<1x1x32x128xf32, #tpu.memory_space<vmem>>
      %dma_wait3A_1141 = tpu.memref_squeeze %dma_wait3A_1140 : memref<1x1x32x128xf32, #tpu.memory_space<vmem>> -> memref<32x128xf32, #tpu.memory_space<vmem>>
      %dma_wait3A_1142 = arith.constant 0 : i32
      %dma_wait3A_1143 = arith.constant 0 : i32
      %dma_wait3A_1144 = tpu.memref_slice %arg4[%dma_wait3A_1142, %dma_wait3A_1143] : memref<32x1000000xf32, #tpu.memory_space<hbm>> -> memref<32x128xf32, #tpu.memory_space<hbm>>
      tpu.wait_dma2 semaphore(%arg20 : memref<!tpu.dma_semaphore, #tpu.memory_space<semaphore_mem>>) src(%dma_wait3A_1144 : memref<32x128xf32, #tpu.memory_space<hbm>>) dst(%dma_wait3A_1141 : memref<32x128xf32, #tpu.memory_space<vmem>>)
      %dma_wait3A_1145 = arith.constant 3 : i32
      %dma_wait3A_1146 = arith.constant 1 : i32
      %dma_wait3A_1147 = arith.constant 0 : i32
      %dma_wait3A_1148 = arith.constant 0 : i32
      %dma_wait3A_1149 = tpu.memref_slice %arg12[%dma_wait3A_1145, %dma_wait3A_1146, %dma_wait3A_1147, %dma_wait3A_1148] : memref<4x2x32x128xf32, #tpu.memory_space<vmem>> -> memref<1x1x32x128xf32, #tpu.memory_space<vmem>>
      %dma_wait3A_1150 = tpu.memref_squeeze %dma_wait3A_1149 : memref<1x1x32x128xf32, #tpu.memory_space<vmem>> -> memref<32x128xf32, #tpu.memory_space<vmem>>
      %dma_wait3A_1151 = arith.constant 0 : i32
      %dma_wait3A_1152 = arith.constant 0 : i32
      %dma_wait3A_1153 = tpu.memref_slice %arg5[%dma_wait3A_1151, %dma_wait3A_1152] : memref<32x1000000xf32, #tpu.memory_space<hbm>> -> memref<32x128xf32, #tpu.memory_space<hbm>>
      %dma_wait3A_1154 = arith.constant 0 : i32
      %dma_wait3A_1155 = arith.constant 0 : i32
      %dma_wait3A_1156 = tpu.memref_slice %arg12[%dma_wait3A_1145, %dma_wait3A_1146, %dma_wait3A_1154, %dma_wait3A_1155] : memref<4x2x32x128xf32, #tpu.memory_space<vmem>> -> memref<1x1x32x128xf32, #tpu.memory_space<vmem>>
      %dma_wait3A_1157 = tpu.memref_squeeze %dma_wait3A_1156 : memref<1x1x32x128xf32, #tpu.memory_space<vmem>> -> memref<32x128xf32, #tpu.memory_space<vmem>>
      %dma_wait3A_1158 = arith.constant 0 : i32
      %dma_wait3A_1159 = arith.constant 0 : i32
      %dma_wait3A_1160 = tpu.memref_slice %arg5[%dma_wait3A_1158, %dma_wait3A_1159] : memref<32x1000000xf32, #tpu.memory_space<hbm>> -> memref<32x128xf32, #tpu.memory_space<hbm>>
      tpu.wait_dma2 semaphore(%arg24 : memref<!tpu.dma_semaphore, #tpu.memory_space<semaphore_mem>>) src(%dma_wait3A_1160 : memref<32x128xf32, #tpu.memory_space<hbm>>) dst(%dma_wait3A_1157 : memref<32x128xf32, #tpu.memory_space<vmem>>)
      %mul3A_1161 = arith.constant 16 : i32
      %mul3A_1162 = arith.muli %add3A_381, %mul3A_1161 : i32
      %add3A_1163 = arith.constant 6 : i32
      %add3A_1164 = arith.addi %mul3A_1162, %add3A_1163 : i32
      %add3A_1165 = vector.broadcast %add3A_1164 : i32 to vector<16xi32>
      %add3A_1166 = arith.addi %add3A_1165, %select_n3A : vector<16xi32>
      %gather3A_1167 = tpu.vector_load_idx %arg9[%add3A_1166] : memref<512xi32, #tpu.memory_space<vmem>>[vector<16xi32>], vector<16xi32>,
      %and3A_1168 = arith.constant 127 : i32
      %and3A_1169 = vector.broadcast %and3A_1168 : i32 to vector<16xi32>
      %and3A_1170 = arith.andi %gather3A_1167, %and3A_1169 : vector<16xi32>
      %gather3A_1171 = tpu.vector_load_idx %arg10[%add3A_1166] : memref<512xi32, #tpu.memory_space<vmem>>[vector<16xi32>], vector<16xi32>,
      %and3A_1172 = arith.constant 127 : i32
      %and3A_1173 = vector.broadcast %and3A_1172 : i32 to vector<16xi32>
      %and3A_1174 = arith.andi %gather3A_1171, %and3A_1173 : vector<16xi32>
      %broadcast_in_dim3A_1175 = arith.constant 3 : i32
      %broadcast_in_dim3A_1176 = vector.broadcast %broadcast_in_dim3A_1175 : i32 to vector<16xi32>
      %broadcast_in_dim3A_1177 = arith.constant 0.000000e+00 : f32
      %broadcast_in_dim3A_1178 = vector.broadcast %broadcast_in_dim3A_1177 : f32 to vector<16xf32>
      %add3A_1179 = arith.constant 0 : i32
      %add3A_1180 = vector.broadcast %add3A_1179 : i32 to vector<16xi32>
      %add3A_1181 = arith.addi %select_n3A_45, %add3A_1180 : vector<16xi32>
      %gather3A_1182 = tpu.vector_load_idx %arg11[%broadcast_in_dim3A_1176, %select_n3A, %add3A_1181, %and3A_1170] : memref<4x2x32x128xf32, #tpu.memory_space<vmem>>[vector<16xi32>, vector<16xi32>, vector<16xi32>, vector<16xi32>], vector<16xf32>,
      %gather3A_1183 = tpu.vector_load_idx %arg12[%broadcast_in_dim3A_1176, %select_n3A, %add3A_1181, %and3A_1174] : memref<4x2x32x128xf32, #tpu.memory_space<vmem>>[vector<16xi32>, vector<16xi32>, vector<16xi32>, vector<16xi32>], vector<16xf32>,
      %mul3A_1184 = arith.mulf %gather3A_1182, %gather3A_1183 : vector<16xf32>
      %mul3A_1185 = arith.mulf %mul3A_1184, %gather3A : vector<16xf32>
      %add3A_1186 = arith.addf %broadcast_in_dim3A_1178, %mul3A_1185 : vector<16xf32>
      %add3A_1187 = arith.constant 8 : i32
      %add3A_1188 = vector.broadcast %add3A_1187 : i32 to vector<16xi32>
      %add3A_1189 = arith.addi %select_n3A_45, %add3A_1188 : vector<16xi32>
      %gather3A_1190 = tpu.vector_load_idx %arg11[%broadcast_in_dim3A_1176, %select_n3A, %add3A_1189, %and3A_1170] : memref<4x2x32x128xf32, #tpu.memory_space<vmem>>[vector<16xi32>, vector<16xi32>, vector<16xi32>, vector<16xi32>], vector<16xf32>,
      %gather3A_1191 = tpu.vector_load_idx %arg12[%broadcast_in_dim3A_1176, %select_n3A, %add3A_1189, %and3A_1174] : memref<4x2x32x128xf32, #tpu.memory_space<vmem>>[vector<16xi32>, vector<16xi32>, vector<16xi32>, vector<16xi32>], vector<16xf32>,
      %mul3A_1192 = arith.mulf %gather3A_1190, %gather3A_1191 : vector<16xf32>
      %mul3A_1193 = arith.mulf %mul3A_1192, %gather3A_53 : vector<16xf32>
      %add3A_1194 = arith.addf %add3A_1186, %mul3A_1193 : vector<16xf32>
      %add3A_1195 = arith.constant 16 : i32
      %add3A_1196 = vector.broadcast %add3A_1195 : i32 to vector<16xi32>
      %add3A_1197 = arith.addi %select_n3A_45, %add3A_1196 : vector<16xi32>
      %gather3A_1198 = tpu.vector_load_idx %arg11[%broadcast_in_dim3A_1176, %select_n3A, %add3A_1197, %and3A_1170] : memref<4x2x32x128xf32, #tpu.memory_space<vmem>>[vector<16xi32>, vector<16xi32>, vector<16xi32>, vector<16xi32>], vector<16xf32>,
      %gather3A_1199 = tpu.vector_load_idx %arg12[%broadcast_in_dim3A_1176, %select_n3A, %add3A_1197, %and3A_1174] : memref<4x2x32x128xf32, #tpu.memory_space<vmem>>[vector<16xi32>, vector<16xi32>, vector<16xi32>, vector<16xi32>], vector<16xf32>,
      %mul3A_1200 = arith.mulf %gather3A_1198, %gather3A_1199 : vector<16xf32>
      %mul3A_1201 = arith.mulf %mul3A_1200, %gather3A_57 : vector<16xf32>
      %add3A_1202 = arith.addf %add3A_1194, %mul3A_1201 : vector<16xf32>
      %add3A_1203 = arith.constant 24 : i32
      %add3A_1204 = vector.broadcast %add3A_1203 : i32 to vector<16xi32>
      %add3A_1205 = arith.addi %select_n3A_45, %add3A_1204 : vector<16xi32>
      %gather3A_1206 = tpu.vector_load_idx %arg11[%broadcast_in_dim3A_1176, %select_n3A, %add3A_1205, %and3A_1170] : memref<4x2x32x128xf32, #tpu.memory_space<vmem>>[vector<16xi32>, vector<16xi32>, vector<16xi32>, vector<16xi32>], vector<16xf32>,
      %gather3A_1207 = tpu.vector_load_idx %arg12[%broadcast_in_dim3A_1176, %select_n3A, %add3A_1205, %and3A_1174] : memref<4x2x32x128xf32, #tpu.memory_space<vmem>>[vector<16xi32>, vector<16xi32>, vector<16xi32>, vector<16xi32>], vector<16xf32>,
      %mul3A_1208 = arith.mulf %gather3A_1206, %gather3A_1207 : vector<16xf32>
      %mul3A_1209 = arith.mulf %mul3A_1208, %gather3A_61 : vector<16xf32>
      %add3A_1210 = arith.addf %add3A_1202, %mul3A_1209 : vector<16xf32>
      %mul3A_1211 = arith.constant 8 : i32
      %mul3A_1212 = arith.muli %add3A_381, %mul3A_1211 : i32
      %add3A_1213 = arith.constant 3 : i32
      %add3A_1214 = arith.addi %mul3A_1212, %add3A_1213 : i32
      %mul3A_1215 = arith.constant 16 : i32
      %mul3A_1216 = arith.muli %add3A_1214, %mul3A_1215 : i32
      %swap3A_1217 = arith.index_cast %mul3A_1216 : i32 to index
      %swap3A_1218 = tpu.vector_load %arg13[%swap3A_1217] {strides = array<i32>} : memref<4096xf32, #tpu.memory_space<vmem>>, vector<16xf32>,
      tpu.vector_store %arg13[%swap3A_1217], %add3A_1210 {strides = array<i32>} : memref<4096xf32, #tpu.memory_space<vmem>>, vector<16xf32>,
      %mul3A_1219 = arith.constant 16 : i32
      %mul3A_1220 = arith.muli %add3A_381, %mul3A_1219 : i32
      %get3A_1221 = arith.index_cast %mul3A_1220 : i32 to index
      %get3A_1222 = tpu.vector_load %arg9[%get3A_1221] {strides = array<i32>} : memref<512xi32, #tpu.memory_space<vmem>>, vector<16xi32>,
      %mul3A_1223 = arith.constant 16 : i32
      %mul3A_1224 = arith.muli %add3A_381, %mul3A_1223 : i32
      %get3A_1225 = arith.index_cast %mul3A_1224 : i32 to index
      %get3A_1226 = tpu.vector_load %arg10[%get3A_1225] {strides = array<i32>} : memref<512xi32, #tpu.memory_space<vmem>>, vector<16xi32>,
      %shift_right_arithmetic3A_1227 = arith.constant 7 : i32
      %shift_right_arithmetic3A_1228 = vector.broadcast %shift_right_arithmetic3A_1227 : i32 to vector<16xi32>
      %shift_right_arithmetic3A_1229 = arith.shrsi %get3A_1222, %shift_right_arithmetic3A_1228 : vector<16xi32>
      %shift_left3A_1230 = arith.constant 7 : i32
      %shift_left3A_1231 = vector.broadcast %shift_left3A_1230 : i32 to vector<16xi32>
      %shift_left3A_1232 = arith.shli %shift_right_arithmetic3A_1229, %shift_left3A_1231 : vector<16xi32>
      %shift_right_arithmetic3A_1233 = arith.constant 7 : i32
      %shift_right_arithmetic3A_1234 = vector.broadcast %shift_right_arithmetic3A_1233 : i32 to vector<16xi32>
      %shift_right_arithmetic3A_1235 = arith.shrsi %get3A_1226, %shift_right_arithmetic3A_1234 : vector<16xi32>
      %shift_left3A_1236 = arith.constant 7 : i32
      %shift_left3A_1237 = vector.broadcast %shift_left3A_1236 : i32 to vector<16xi32>
      %shift_left3A_1238 = arith.shli %shift_right_arithmetic3A_1235, %shift_left3A_1237 : vector<16xi32>
      %slice3A_1239 = vector.extract_strided_slice %shift_left3A_1232 {offsets = [14], sizes = [1], strides = [1]} : vector<16xi32> to vector<1xi32>
      %squeeze3A_1240 = vector.extract %slice3A_1239[0] : i32 from vector<1xi32>
      %multiple_of3A_1241 = tpu.assume_multiple %squeeze3A_1240, 128 : i32
      %slice3A_1242 = vector.extract_strided_slice %shift_left3A_1238 {offsets = [14], sizes = [1], strides = [1]} : vector<16xi32> to vector<1xi32>
      %squeeze3A_1243 = vector.extract %slice3A_1242[0] : i32 from vector<1xi32>
      %multiple_of3A_1244 = tpu.assume_multiple %squeeze3A_1243, 128 : i32
      %dma_start3A_1245 = arith.constant 3 : i32
      %dma_start3A_1246 = arith.constant 0 : i32
      %dma_start3A_1247 = arith.constant 0 : i32
      %dma_start3A_1248 = arith.constant 0 : i32
      %dma_start3A_1249 = tpu.memref_slice %arg11[%dma_start3A_1245, %dma_start3A_1246, %dma_start3A_1247, %dma_start3A_1248] : memref<4x2x32x128xf32, #tpu.memory_space<vmem>> -> memref<1x1x32x128xf32, #tpu.memory_space<vmem>>
      %dma_start3A_1250 = tpu.memref_squeeze %dma_start3A_1249 : memref<1x1x32x128xf32, #tpu.memory_space<vmem>> -> memref<32x128xf32, #tpu.memory_space<vmem>>
      %dma_start3A_1251 = arith.constant 0 : i32
      %dma_start3A_1252 = tpu.memref_slice %arg4[%dma_start3A_1251, %multiple_of3A_1241] : memref<32x1000000xf32, #tpu.memory_space<hbm>> -> memref<32x128xf32, #tpu.memory_space<hbm>>
      %dma_start3A_1253 = arith.constant 0 : i32
      %dma_start3A_1254 = arith.constant 0 : i32
      %dma_start3A_1255 = tpu.memref_slice %arg11[%dma_start3A_1245, %dma_start3A_1246, %dma_start3A_1253, %dma_start3A_1254] : memref<4x2x32x128xf32, #tpu.memory_space<vmem>> -> memref<1x1x32x128xf32, #tpu.memory_space<vmem>>
      %dma_start3A_1256 = tpu.memref_squeeze %dma_start3A_1255 : memref<1x1x32x128xf32, #tpu.memory_space<vmem>> -> memref<32x128xf32, #tpu.memory_space<vmem>>
      %dma_start3A_1257 = arith.constant 0 : i32
      %dma_start3A_1258 = tpu.memref_slice %arg4[%dma_start3A_1257, %multiple_of3A_1241] : memref<32x1000000xf32, #tpu.memory_space<hbm>> -> memref<32x128xf32, #tpu.memory_space<hbm>>
      tpu.enqueue_dma source(%dma_start3A_1258 : memref<32x128xf32, #tpu.memory_space<hbm>>) target(%dma_start3A_1256 : memref<32x128xf32, #tpu.memory_space<vmem>>) target_semaphore(%arg20 : memref<!tpu.dma_semaphore, #tpu.memory_space<semaphore_mem>>)
      %dma_start3A_1259 = arith.constant 3 : i32
      %dma_start3A_1260 = arith.constant 0 : i32
      %dma_start3A_1261 = arith.constant 0 : i32
      %dma_start3A_1262 = arith.constant 0 : i32
      %dma_start3A_1263 = tpu.memref_slice %arg12[%dma_start3A_1259, %dma_start3A_1260, %dma_start3A_1261, %dma_start3A_1262] : memref<4x2x32x128xf32, #tpu.memory_space<vmem>> -> memref<1x1x32x128xf32, #tpu.memory_space<vmem>>
      %dma_start3A_1264 = tpu.memref_squeeze %dma_start3A_1263 : memref<1x1x32x128xf32, #tpu.memory_space<vmem>> -> memref<32x128xf32, #tpu.memory_space<vmem>>
      %dma_start3A_1265 = arith.constant 0 : i32
      %dma_start3A_1266 = tpu.memref_slice %arg5[%dma_start3A_1265, %multiple_of3A_1244] : memref<32x1000000xf32, #tpu.memory_space<hbm>> -> memref<32x128xf32, #tpu.memory_space<hbm>>
      %dma_start3A_1267 = arith.constant 0 : i32
      %dma_start3A_1268 = arith.constant 0 : i32
      %dma_start3A_1269 = tpu.memref_slice %arg12[%dma_start3A_1259, %dma_start3A_1260, %dma_start3A_1267, %dma_start3A_1268] : memref<4x2x32x128xf32, #tpu.memory_space<vmem>> -> memref<1x1x32x128xf32, #tpu.memory_space<vmem>>
      %dma_start3A_1270 = tpu.memref_squeeze %dma_start3A_1269 : memref<1x1x32x128xf32, #tpu.memory_space<vmem>> -> memref<32x128xf32, #tpu.memory_space<vmem>>
      %dma_start3A_1271 = arith.constant 0 : i32
      %dma_start3A_1272 = tpu.memref_slice %arg5[%dma_start3A_1271, %multiple_of3A_1244] : memref<32x1000000xf32, #tpu.memory_space<hbm>> -> memref<32x128xf32, #tpu.memory_space<hbm>>
      tpu.enqueue_dma source(%dma_start3A_1272 : memref<32x128xf32, #tpu.memory_space<hbm>>) target(%dma_start3A_1270 : memref<32x128xf32, #tpu.memory_space<vmem>>) target_semaphore(%arg24 : memref<!tpu.dma_semaphore, #tpu.memory_space<semaphore_mem>>)
      %slice3A_1273 = vector.extract_strided_slice %shift_left3A_1232 {offsets = [15], sizes = [1], strides = [1]} : vector<16xi32> to vector<1xi32>
      %squeeze3A_1274 = vector.extract %slice3A_1273[0] : i32 from vector<1xi32>
      %multiple_of3A_1275 = tpu.assume_multiple %squeeze3A_1274, 128 : i32
      %slice3A_1276 = vector.extract_strided_slice %shift_left3A_1238 {offsets = [15], sizes = [1], strides = [1]} : vector<16xi32> to vector<1xi32>
      %squeeze3A_1277 = vector.extract %slice3A_1276[0] : i32 from vector<1xi32>
      %multiple_of3A_1278 = tpu.assume_multiple %squeeze3A_1277, 128 : i32
      %dma_start3A_1279 = arith.constant 3 : i32
      %dma_start3A_1280 = arith.constant 1 : i32
      %dma_start3A_1281 = arith.constant 0 : i32
      %dma_start3A_1282 = arith.constant 0 : i32
      %dma_start3A_1283 = tpu.memref_slice %arg11[%dma_start3A_1279, %dma_start3A_1280, %dma_start3A_1281, %dma_start3A_1282] : memref<4x2x32x128xf32, #tpu.memory_space<vmem>> -> memref<1x1x32x128xf32, #tpu.memory_space<vmem>>
      %dma_start3A_1284 = tpu.memref_squeeze %dma_start3A_1283 : memref<1x1x32x128xf32, #tpu.memory_space<vmem>> -> memref<32x128xf32, #tpu.memory_space<vmem>>
      %dma_start3A_1285 = arith.constant 0 : i32
      %dma_start3A_1286 = tpu.memref_slice %arg4[%dma_start3A_1285, %multiple_of3A_1275] : memref<32x1000000xf32, #tpu.memory_space<hbm>> -> memref<32x128xf32, #tpu.memory_space<hbm>>
      %dma_start3A_1287 = arith.constant 0 : i32
      %dma_start3A_1288 = arith.constant 0 : i32
      %dma_start3A_1289 = tpu.memref_slice %arg11[%dma_start3A_1279, %dma_start3A_1280, %dma_start3A_1287, %dma_start3A_1288] : memref<4x2x32x128xf32, #tpu.memory_space<vmem>> -> memref<1x1x32x128xf32, #tpu.memory_space<vmem>>
      %dma_start3A_1290 = tpu.memref_squeeze %dma_start3A_1289 : memref<1x1x32x128xf32, #tpu.memory_space<vmem>> -> memref<32x128xf32, #tpu.memory_space<vmem>>
      %dma_start3A_1291 = arith.constant 0 : i32
      %dma_start3A_1292 = tpu.memref_slice %arg4[%dma_start3A_1291, %multiple_of3A_1275] : memref<32x1000000xf32, #tpu.memory_space<hbm>> -> memref<32x128xf32, #tpu.memory_space<hbm>>
      tpu.enqueue_dma source(%dma_start3A_1292 : memref<32x128xf32, #tpu.memory_space<hbm>>) target(%dma_start3A_1290 : memref<32x128xf32, #tpu.memory_space<vmem>>) target_semaphore(%arg20 : memref<!tpu.dma_semaphore, #tpu.memory_space<semaphore_mem>>)
      %dma_start3A_1293 = arith.constant 3 : i32
      %dma_start3A_1294 = arith.constant 1 : i32
      %dma_start3A_1295 = arith.constant 0 : i32
      %dma_start3A_1296 = arith.constant 0 : i32
      %dma_start3A_1297 = tpu.memref_slice %arg12[%dma_start3A_1293, %dma_start3A_1294, %dma_start3A_1295, %dma_start3A_1296] : memref<4x2x32x128xf32, #tpu.memory_space<vmem>> -> memref<1x1x32x128xf32, #tpu.memory_space<vmem>>
      %dma_start3A_1298 = tpu.memref_squeeze %dma_start3A_1297 : memref<1x1x32x128xf32, #tpu.memory_space<vmem>> -> memref<32x128xf32, #tpu.memory_space<vmem>>
      %dma_start3A_1299 = arith.constant 0 : i32
      %dma_start3A_1300 = tpu.memref_slice %arg5[%dma_start3A_1299, %multiple_of3A_1278] : memref<32x1000000xf32, #tpu.memory_space<hbm>> -> memref<32x128xf32, #tpu.memory_space<hbm>>
      %dma_start3A_1301 = arith.constant 0 : i32
      %dma_start3A_1302 = arith.constant 0 : i32
      %dma_start3A_1303 = tpu.memref_slice %arg12[%dma_start3A_1293, %dma_start3A_1294, %dma_start3A_1301, %dma_start3A_1302] : memref<4x2x32x128xf32, #tpu.memory_space<vmem>> -> memref<1x1x32x128xf32, #tpu.memory_space<vmem>>
      %dma_start3A_1304 = tpu.memref_squeeze %dma_start3A_1303 : memref<1x1x32x128xf32, #tpu.memory_space<vmem>> -> memref<32x128xf32, #tpu.memory_space<vmem>>
      %dma_start3A_1305 = arith.constant 0 : i32
      %dma_start3A_1306 = tpu.memref_slice %arg5[%dma_start3A_1305, %multiple_of3A_1278] : memref<32x1000000xf32, #tpu.memory_space<hbm>> -> memref<32x128xf32, #tpu.memory_space<hbm>>
      tpu.enqueue_dma source(%dma_start3A_1306 : memref<32x128xf32, #tpu.memory_space<hbm>>) target(%dma_start3A_1304 : memref<32x128xf32, #tpu.memory_space<vmem>>) target_semaphore(%arg24 : memref<!tpu.dma_semaphore, #tpu.memory_space<semaphore_mem>>)
      %dma_wait3A_1307 = arith.constant 0 : i32
      %dma_wait3A_1308 = arith.constant 0 : i32
      %dma_wait3A_1309 = arith.constant 0 : i32
      %dma_wait3A_1310 = arith.constant 0 : i32
      %dma_wait3A_1311 = tpu.memref_slice %arg11[%dma_wait3A_1307, %dma_wait3A_1308, %dma_wait3A_1309, %dma_wait3A_1310] : memref<4x2x32x128xf32, #tpu.memory_space<vmem>> -> memref<1x1x32x128xf32, #tpu.memory_space<vmem>>
      %dma_wait3A_1312 = tpu.memref_squeeze %dma_wait3A_1311 : memref<1x1x32x128xf32, #tpu.memory_space<vmem>> -> memref<32x128xf32, #tpu.memory_space<vmem>>
      %dma_wait3A_1313 = arith.constant 0 : i32
      %dma_wait3A_1314 = arith.constant 0 : i32
      %dma_wait3A_1315 = tpu.memref_slice %arg4[%dma_wait3A_1313, %dma_wait3A_1314] : memref<32x1000000xf32, #tpu.memory_space<hbm>> -> memref<32x128xf32, #tpu.memory_space<hbm>>
      %dma_wait3A_1316 = arith.constant 0 : i32
      %dma_wait3A_1317 = arith.constant 0 : i32
      %dma_wait3A_1318 = tpu.memref_slice %arg11[%dma_wait3A_1307, %dma_wait3A_1308, %dma_wait3A_1316, %dma_wait3A_1317] : memref<4x2x32x128xf32, #tpu.memory_space<vmem>> -> memref<1x1x32x128xf32, #tpu.memory_space<vmem>>
      %dma_wait3A_1319 = tpu.memref_squeeze %dma_wait3A_1318 : memref<1x1x32x128xf32, #tpu.memory_space<vmem>> -> memref<32x128xf32, #tpu.memory_space<vmem>>
      %dma_wait3A_1320 = arith.constant 0 : i32
      %dma_wait3A_1321 = arith.constant 0 : i32
      %dma_wait3A_1322 = tpu.memref_slice %arg4[%dma_wait3A_1320, %dma_wait3A_1321] : memref<32x1000000xf32, #tpu.memory_space<hbm>> -> memref<32x128xf32, #tpu.memory_space<hbm>>
      tpu.wait_dma2 semaphore(%arg17 : memref<!tpu.dma_semaphore, #tpu.memory_space<semaphore_mem>>) src(%dma_wait3A_1322 : memref<32x128xf32, #tpu.memory_space<hbm>>) dst(%dma_wait3A_1319 : memref<32x128xf32, #tpu.memory_space<vmem>>)
      %dma_wait3A_1323 = arith.constant 0 : i32
      %dma_wait3A_1324 = arith.constant 0 : i32
      %dma_wait3A_1325 = arith.constant 0 : i32
      %dma_wait3A_1326 = arith.constant 0 : i32
      %dma_wait3A_1327 = tpu.memref_slice %arg12[%dma_wait3A_1323, %dma_wait3A_1324, %dma_wait3A_1325, %dma_wait3A_1326] : memref<4x2x32x128xf32, #tpu.memory_space<vmem>> -> memref<1x1x32x128xf32, #tpu.memory_space<vmem>>
      %dma_wait3A_1328 = tpu.memref_squeeze %dma_wait3A_1327 : memref<1x1x32x128xf32, #tpu.memory_space<vmem>> -> memref<32x128xf32, #tpu.memory_space<vmem>>
      %dma_wait3A_1329 = arith.constant 0 : i32
      %dma_wait3A_1330 = arith.constant 0 : i32
      %dma_wait3A_1331 = tpu.memref_slice %arg5[%dma_wait3A_1329, %dma_wait3A_1330] : memref<32x1000000xf32, #tpu.memory_space<hbm>> -> memref<32x128xf32, #tpu.memory_space<hbm>>
      %dma_wait3A_1332 = arith.constant 0 : i32
      %dma_wait3A_1333 = arith.constant 0 : i32
      %dma_wait3A_1334 = tpu.memref_slice %arg12[%dma_wait3A_1323, %dma_wait3A_1324, %dma_wait3A_1332, %dma_wait3A_1333] : memref<4x2x32x128xf32, #tpu.memory_space<vmem>> -> memref<1x1x32x128xf32, #tpu.memory_space<vmem>>
      %dma_wait3A_1335 = tpu.memref_squeeze %dma_wait3A_1334 : memref<1x1x32x128xf32, #tpu.memory_space<vmem>> -> memref<32x128xf32, #tpu.memory_space<vmem>>
      %dma_wait3A_1336 = arith.constant 0 : i32
      %dma_wait3A_1337 = arith.constant 0 : i32
      %dma_wait3A_1338 = tpu.memref_slice %arg5[%dma_wait3A_1336, %dma_wait3A_1337] : memref<32x1000000xf32, #tpu.memory_space<hbm>> -> memref<32x128xf32, #tpu.memory_space<hbm>>
      tpu.wait_dma2 semaphore(%arg21 : memref<!tpu.dma_semaphore, #tpu.memory_space<semaphore_mem>>) src(%dma_wait3A_1338 : memref<32x128xf32, #tpu.memory_space<hbm>>) dst(%dma_wait3A_1335 : memref<32x128xf32, #tpu.memory_space<vmem>>)
      %dma_wait3A_1339 = arith.constant 0 : i32
      %dma_wait3A_1340 = arith.constant 1 : i32
      %dma_wait3A_1341 = arith.constant 0 : i32
      %dma_wait3A_1342 = arith.constant 0 : i32
      %dma_wait3A_1343 = tpu.memref_slice %arg11[%dma_wait3A_1339, %dma_wait3A_1340, %dma_wait3A_1341, %dma_wait3A_1342] : memref<4x2x32x128xf32, #tpu.memory_space<vmem>> -> memref<1x1x32x128xf32, #tpu.memory_space<vmem>>
      %dma_wait3A_1344 = tpu.memref_squeeze %dma_wait3A_1343 : memref<1x1x32x128xf32, #tpu.memory_space<vmem>> -> memref<32x128xf32, #tpu.memory_space<vmem>>
      %dma_wait3A_1345 = arith.constant 0 : i32
      %dma_wait3A_1346 = arith.constant 0 : i32
      %dma_wait3A_1347 = tpu.memref_slice %arg4[%dma_wait3A_1345, %dma_wait3A_1346] : memref<32x1000000xf32, #tpu.memory_space<hbm>> -> memref<32x128xf32, #tpu.memory_space<hbm>>
      %dma_wait3A_1348 = arith.constant 0 : i32
      %dma_wait3A_1349 = arith.constant 0 : i32
      %dma_wait3A_1350 = tpu.memref_slice %arg11[%dma_wait3A_1339, %dma_wait3A_1340, %dma_wait3A_1348, %dma_wait3A_1349] : memref<4x2x32x128xf32, #tpu.memory_space<vmem>> -> memref<1x1x32x128xf32, #tpu.memory_space<vmem>>
      %dma_wait3A_1351 = tpu.memref_squeeze %dma_wait3A_1350 : memref<1x1x32x128xf32, #tpu.memory_space<vmem>> -> memref<32x128xf32, #tpu.memory_space<vmem>>
      %dma_wait3A_1352 = arith.constant 0 : i32
      %dma_wait3A_1353 = arith.constant 0 : i32
      %dma_wait3A_1354 = tpu.memref_slice %arg4[%dma_wait3A_1352, %dma_wait3A_1353] : memref<32x1000000xf32, #tpu.memory_space<hbm>> -> memref<32x128xf32, #tpu.memory_space<hbm>>
      tpu.wait_dma2 semaphore(%arg17 : memref<!tpu.dma_semaphore, #tpu.memory_space<semaphore_mem>>) src(%dma_wait3A_1354 : memref<32x128xf32, #tpu.memory_space<hbm>>) dst(%dma_wait3A_1351 : memref<32x128xf32, #tpu.memory_space<vmem>>)
      %dma_wait3A_1355 = arith.constant 0 : i32
      %dma_wait3A_1356 = arith.constant 1 : i32
      %dma_wait3A_1357 = arith.constant 0 : i32
      %dma_wait3A_1358 = arith.constant 0 : i32
      %dma_wait3A_1359 = tpu.memref_slice %arg12[%dma_wait3A_1355, %dma_wait3A_1356, %dma_wait3A_1357, %dma_wait3A_1358] : memref<4x2x32x128xf32, #tpu.memory_space<vmem>> -> memref<1x1x32x128xf32, #tpu.memory_space<vmem>>
      %dma_wait3A_1360 = tpu.memref_squeeze %dma_wait3A_1359 : memref<1x1x32x128xf32, #tpu.memory_space<vmem>> -> memref<32x128xf32, #tpu.memory_space<vmem>>
      %dma_wait3A_1361 = arith.constant 0 : i32
      %dma_wait3A_1362 = arith.constant 0 : i32
      %dma_wait3A_1363 = tpu.memref_slice %arg5[%dma_wait3A_1361, %dma_wait3A_1362] : memref<32x1000000xf32, #tpu.memory_space<hbm>> -> memref<32x128xf32, #tpu.memory_space<hbm>>
      %dma_wait3A_1364 = arith.constant 0 : i32
      %dma_wait3A_1365 = arith.constant 0 : i32
      %dma_wait3A_1366 = tpu.memref_slice %arg12[%dma_wait3A_1355, %dma_wait3A_1356, %dma_wait3A_1364, %dma_wait3A_1365] : memref<4x2x32x128xf32, #tpu.memory_space<vmem>> -> memref<1x1x32x128xf32, #tpu.memory_space<vmem>>
      %dma_wait3A_1367 = tpu.memref_squeeze %dma_wait3A_1366 : memref<1x1x32x128xf32, #tpu.memory_space<vmem>> -> memref<32x128xf32, #tpu.memory_space<vmem>>
      %dma_wait3A_1368 = arith.constant 0 : i32
      %dma_wait3A_1369 = arith.constant 0 : i32
      %dma_wait3A_1370 = tpu.memref_slice %arg5[%dma_wait3A_1368, %dma_wait3A_1369] : memref<32x1000000xf32, #tpu.memory_space<hbm>> -> memref<32x128xf32, #tpu.memory_space<hbm>>
      tpu.wait_dma2 semaphore(%arg21 : memref<!tpu.dma_semaphore, #tpu.memory_space<semaphore_mem>>) src(%dma_wait3A_1370 : memref<32x128xf32, #tpu.memory_space<hbm>>) dst(%dma_wait3A_1367 : memref<32x128xf32, #tpu.memory_space<vmem>>)
      %mul3A_1371 = arith.constant 16 : i32
      %mul3A_1372 = arith.muli %add3A_381, %mul3A_1371 : i32
      %add3A_1373 = arith.constant 8 : i32
      %add3A_1374 = arith.addi %mul3A_1372, %add3A_1373 : i32
      %add3A_1375 = vector.broadcast %add3A_1374 : i32 to vector<16xi32>
      %add3A_1376 = arith.addi %add3A_1375, %select_n3A : vector<16xi32>
      %gather3A_1377 = tpu.vector_load_idx %arg9[%add3A_1376] : memref<512xi32, #tpu.memory_space<vmem>>[vector<16xi32>], vector<16xi32>,
      %and3A_1378 = arith.constant 127 : i32
      %and3A_1379 = vector.broadcast %and3A_1378 : i32 to vector<16xi32>
      %and3A_1380 = arith.andi %gather3A_1377, %and3A_1379 : vector<16xi32>
      %gather3A_1381 = tpu.vector_load_idx %arg10[%add3A_1376] : memref<512xi32, #tpu.memory_space<vmem>>[vector<16xi32>], vector<16xi32>,
      %and3A_1382 = arith.constant 127 : i32
      %and3A_1383 = vector.broadcast %and3A_1382 : i32 to vector<16xi32>
      %and3A_1384 = arith.andi %gather3A_1381, %and3A_1383 : vector<16xi32>
      %broadcast_in_dim3A_1385 = arith.constant 0 : i32
      %broadcast_in_dim3A_1386 = vector.broadcast %broadcast_in_dim3A_1385 : i32 to vector<16xi32>
      %broadcast_in_dim3A_1387 = arith.constant 0.000000e+00 : f32
      %broadcast_in_dim3A_1388 = vector.broadcast %broadcast_in_dim3A_1387 : f32 to vector<16xf32>
      %add3A_1389 = arith.constant 0 : i32
      %add3A_1390 = vector.broadcast %add3A_1389 : i32 to vector<16xi32>
      %add3A_1391 = arith.addi %select_n3A_45, %add3A_1390 : vector<16xi32>
      %gather3A_1392 = tpu.vector_load_idx %arg11[%broadcast_in_dim3A_1386, %select_n3A, %add3A_1391, %and3A_1380] : memref<4x2x32x128xf32, #tpu.memory_space<vmem>>[vector<16xi32>, vector<16xi32>, vector<16xi32>, vector<16xi32>], vector<16xf32>,
      %gather3A_1393 = tpu.vector_load_idx %arg12[%broadcast_in_dim3A_1386, %select_n3A, %add3A_1391, %and3A_1384] : memref<4x2x32x128xf32, #tpu.memory_space<vmem>>[vector<16xi32>, vector<16xi32>, vector<16xi32>, vector<16xi32>], vector<16xf32>,
      %mul3A_1394 = arith.mulf %gather3A_1392, %gather3A_1393 : vector<16xf32>
      %mul3A_1395 = arith.mulf %mul3A_1394, %gather3A : vector<16xf32>
      %add3A_1396 = arith.addf %broadcast_in_dim3A_1388, %mul3A_1395 : vector<16xf32>
      %add3A_1397 = arith.constant 8 : i32
      %add3A_1398 = vector.broadcast %add3A_1397 : i32 to vector<16xi32>
      %add3A_1399 = arith.addi %select_n3A_45, %add3A_1398 : vector<16xi32>
      %gather3A_1400 = tpu.vector_load_idx %arg11[%broadcast_in_dim3A_1386, %select_n3A, %add3A_1399, %and3A_1380] : memref<4x2x32x128xf32, #tpu.memory_space<vmem>>[vector<16xi32>, vector<16xi32>, vector<16xi32>, vector<16xi32>], vector<16xf32>,
      %gather3A_1401 = tpu.vector_load_idx %arg12[%broadcast_in_dim3A_1386, %select_n3A, %add3A_1399, %and3A_1384] : memref<4x2x32x128xf32, #tpu.memory_space<vmem>>[vector<16xi32>, vector<16xi32>, vector<16xi32>, vector<16xi32>], vector<16xf32>,
      %mul3A_1402 = arith.mulf %gather3A_1400, %gather3A_1401 : vector<16xf32>
      %mul3A_1403 = arith.mulf %mul3A_1402, %gather3A_53 : vector<16xf32>
      %add3A_1404 = arith.addf %add3A_1396, %mul3A_1403 : vector<16xf32>
      %add3A_1405 = arith.constant 16 : i32
      %add3A_1406 = vector.broadcast %add3A_1405 : i32 to vector<16xi32>
      %add3A_1407 = arith.addi %select_n3A_45, %add3A_1406 : vector<16xi32>
      %gather3A_1408 = tpu.vector_load_idx %arg11[%broadcast_in_dim3A_1386, %select_n3A, %add3A_1407, %and3A_1380] : memref<4x2x32x128xf32, #tpu.memory_space<vmem>>[vector<16xi32>, vector<16xi32>, vector<16xi32>, vector<16xi32>], vector<16xf32>,
      %gather3A_1409 = tpu.vector_load_idx %arg12[%broadcast_in_dim3A_1386, %select_n3A, %add3A_1407, %and3A_1384] : memref<4x2x32x128xf32, #tpu.memory_space<vmem>>[vector<16xi32>, vector<16xi32>, vector<16xi32>, vector<16xi32>], vector<16xf32>,
      %mul3A_1410 = arith.mulf %gather3A_1408, %gather3A_1409 : vector<16xf32>
      %mul3A_1411 = arith.mulf %mul3A_1410, %gather3A_57 : vector<16xf32>
      %add3A_1412 = arith.addf %add3A_1404, %mul3A_1411 : vector<16xf32>
      %add3A_1413 = arith.constant 24 : i32
      %add3A_1414 = vector.broadcast %add3A_1413 : i32 to vector<16xi32>
      %add3A_1415 = arith.addi %select_n3A_45, %add3A_1414 : vector<16xi32>
      %gather3A_1416 = tpu.vector_load_idx %arg11[%broadcast_in_dim3A_1386, %select_n3A, %add3A_1415, %and3A_1380] : memref<4x2x32x128xf32, #tpu.memory_space<vmem>>[vector<16xi32>, vector<16xi32>, vector<16xi32>, vector<16xi32>], vector<16xf32>,
      %gather3A_1417 = tpu.vector_load_idx %arg12[%broadcast_in_dim3A_1386, %select_n3A, %add3A_1415, %and3A_1384] : memref<4x2x32x128xf32, #tpu.memory_space<vmem>>[vector<16xi32>, vector<16xi32>, vector<16xi32>, vector<16xi32>], vector<16xf32>,
      %mul3A_1418 = arith.mulf %gather3A_1416, %gather3A_1417 : vector<16xf32>
      %mul3A_1419 = arith.mulf %mul3A_1418, %gather3A_61 : vector<16xf32>
      %add3A_1420 = arith.addf %add3A_1412, %mul3A_1419 : vector<16xf32>
      %mul3A_1421 = arith.constant 8 : i32
      %mul3A_1422 = arith.muli %add3A_381, %mul3A_1421 : i32
      %add3A_1423 = arith.constant 4 : i32
      %add3A_1424 = arith.addi %mul3A_1422, %add3A_1423 : i32
      %mul3A_1425 = arith.constant 16 : i32
      %mul3A_1426 = arith.muli %add3A_1424, %mul3A_1425 : i32
      %swap3A_1427 = arith.index_cast %mul3A_1426 : i32 to index
      %swap3A_1428 = tpu.vector_load %arg13[%swap3A_1427] {strides = array<i32>} : memref<4096xf32, #tpu.memory_space<vmem>>, vector<16xf32>,
      tpu.vector_store %arg13[%swap3A_1427], %add3A_1420 {strides = array<i32>} : memref<4096xf32, #tpu.memory_space<vmem>>, vector<16xf32>,
      %lt3A_1429 = arith.constant 31 : i32
      %lt3A_1430 = arith.cmpi slt, %add3A_381, %lt3A_1429 : i32
      %convert_element_type3A = arith.extui %lt3A_1430 : i1 to i32
      %cond3A = arith.constant 0 : i32
      %cond3A_1431 = arith.cmpi ne, %convert_element_type3A, %cond3A : i32
      scf.if %cond3A_1431 {
        %add3A_1808 = arith.constant 1 : i32
        %add3A_1809 = arith.addi %add3A_381, %add3A_1808 : i32
        %mul3A_1810 = arith.constant 16 : i32
        %mul3A_1811 = arith.muli %add3A_1809, %mul3A_1810 : i32
        %get3A_1812 = arith.index_cast %mul3A_1811 : i32 to index
        %get3A_1813 = tpu.vector_load %arg9[%get3A_1812] {strides = array<i32>} : memref<512xi32, #tpu.memory_space<vmem>>, vector<16xi32>,
        %mul3A_1814 = arith.constant 16 : i32
        %mul3A_1815 = arith.muli %add3A_1809, %mul3A_1814 : i32
        %get3A_1816 = arith.index_cast %mul3A_1815 : i32 to index
        %get3A_1817 = tpu.vector_load %arg10[%get3A_1816] {strides = array<i32>} : memref<512xi32, #tpu.memory_space<vmem>>, vector<16xi32>,
        %shift_right_arithmetic3A_1818 = arith.constant 7 : i32
        %shift_right_arithmetic3A_1819 = vector.broadcast %shift_right_arithmetic3A_1818 : i32 to vector<16xi32>
        %shift_right_arithmetic3A_1820 = arith.shrsi %get3A_1813, %shift_right_arithmetic3A_1819 : vector<16xi32>
        %shift_left3A_1821 = arith.constant 7 : i32
        %shift_left3A_1822 = vector.broadcast %shift_left3A_1821 : i32 to vector<16xi32>
        %shift_left3A_1823 = arith.shli %shift_right_arithmetic3A_1820, %shift_left3A_1822 : vector<16xi32>
        %shift_right_arithmetic3A_1824 = arith.constant 7 : i32
        %shift_right_arithmetic3A_1825 = vector.broadcast %shift_right_arithmetic3A_1824 : i32 to vector<16xi32>
        %shift_right_arithmetic3A_1826 = arith.shrsi %get3A_1817, %shift_right_arithmetic3A_1825 : vector<16xi32>
        %shift_left3A_1827 = arith.constant 7 : i32
        %shift_left3A_1828 = vector.broadcast %shift_left3A_1827 : i32 to vector<16xi32>
        %shift_left3A_1829 = arith.shli %shift_right_arithmetic3A_1826, %shift_left3A_1828 : vector<16xi32>
        %slice3A_1830 = vector.extract_strided_slice %shift_left3A_1823 {offsets = [0], sizes = [1], strides = [1]} : vector<16xi32> to vector<1xi32>
        %squeeze3A_1831 = vector.extract %slice3A_1830[0] : i32 from vector<1xi32>
        %multiple_of3A_1832 = tpu.assume_multiple %squeeze3A_1831, 128 : i32
        %slice3A_1833 = vector.extract_strided_slice %shift_left3A_1829 {offsets = [0], sizes = [1], strides = [1]} : vector<16xi32> to vector<1xi32>
        %squeeze3A_1834 = vector.extract %slice3A_1833[0] : i32 from vector<1xi32>
        %multiple_of3A_1835 = tpu.assume_multiple %squeeze3A_1834, 128 : i32
        %dma_start3A_1836 = arith.constant 0 : i32
        %dma_start3A_1837 = arith.constant 0 : i32
        %dma_start3A_1838 = arith.constant 0 : i32
        %dma_start3A_1839 = arith.constant 0 : i32
        %dma_start3A_1840 = tpu.memref_slice %arg11[%dma_start3A_1836, %dma_start3A_1837, %dma_start3A_1838, %dma_start3A_1839] : memref<4x2x32x128xf32, #tpu.memory_space<vmem>> -> memref<1x1x32x128xf32, #tpu.memory_space<vmem>>
        %dma_start3A_1841 = tpu.memref_squeeze %dma_start3A_1840 : memref<1x1x32x128xf32, #tpu.memory_space<vmem>> -> memref<32x128xf32, #tpu.memory_space<vmem>>
        %dma_start3A_1842 = arith.constant 0 : i32
        %dma_start3A_1843 = tpu.memref_slice %arg4[%dma_start3A_1842, %multiple_of3A_1832] : memref<32x1000000xf32, #tpu.memory_space<hbm>> -> memref<32x128xf32, #tpu.memory_space<hbm>>
        %dma_start3A_1844 = arith.constant 0 : i32
        %dma_start3A_1845 = arith.constant 0 : i32
        %dma_start3A_1846 = tpu.memref_slice %arg11[%dma_start3A_1836, %dma_start3A_1837, %dma_start3A_1844, %dma_start3A_1845] : memref<4x2x32x128xf32, #tpu.memory_space<vmem>> -> memref<1x1x32x128xf32, #tpu.memory_space<vmem>>
        %dma_start3A_1847 = tpu.memref_squeeze %dma_start3A_1846 : memref<1x1x32x128xf32, #tpu.memory_space<vmem>> -> memref<32x128xf32, #tpu.memory_space<vmem>>
        %dma_start3A_1848 = arith.constant 0 : i32
        %dma_start3A_1849 = tpu.memref_slice %arg4[%dma_start3A_1848, %multiple_of3A_1832] : memref<32x1000000xf32, #tpu.memory_space<hbm>> -> memref<32x128xf32, #tpu.memory_space<hbm>>
        tpu.enqueue_dma source(%dma_start3A_1849 : memref<32x128xf32, #tpu.memory_space<hbm>>) target(%dma_start3A_1847 : memref<32x128xf32, #tpu.memory_space<vmem>>) target_semaphore(%arg17 : memref<!tpu.dma_semaphore, #tpu.memory_space<semaphore_mem>>)
        %dma_start3A_1850 = arith.constant 0 : i32
        %dma_start3A_1851 = arith.constant 0 : i32
        %dma_start3A_1852 = arith.constant 0 : i32
        %dma_start3A_1853 = arith.constant 0 : i32
        %dma_start3A_1854 = tpu.memref_slice %arg12[%dma_start3A_1850, %dma_start3A_1851, %dma_start3A_1852, %dma_start3A_1853] : memref<4x2x32x128xf32, #tpu.memory_space<vmem>> -> memref<1x1x32x128xf32, #tpu.memory_space<vmem>>
        %dma_start3A_1855 = tpu.memref_squeeze %dma_start3A_1854 : memref<1x1x32x128xf32, #tpu.memory_space<vmem>> -> memref<32x128xf32, #tpu.memory_space<vmem>>
        %dma_start3A_1856 = arith.constant 0 : i32
        %dma_start3A_1857 = tpu.memref_slice %arg5[%dma_start3A_1856, %multiple_of3A_1835] : memref<32x1000000xf32, #tpu.memory_space<hbm>> -> memref<32x128xf32, #tpu.memory_space<hbm>>
        %dma_start3A_1858 = arith.constant 0 : i32
        %dma_start3A_1859 = arith.constant 0 : i32
        %dma_start3A_1860 = tpu.memref_slice %arg12[%dma_start3A_1850, %dma_start3A_1851, %dma_start3A_1858, %dma_start3A_1859] : memref<4x2x32x128xf32, #tpu.memory_space<vmem>> -> memref<1x1x32x128xf32, #tpu.memory_space<vmem>>
        %dma_start3A_1861 = tpu.memref_squeeze %dma_start3A_1860 : memref<1x1x32x128xf32, #tpu.memory_space<vmem>> -> memref<32x128xf32, #tpu.memory_space<vmem>>
        %dma_start3A_1862 = arith.constant 0 : i32
        %dma_start3A_1863 = tpu.memref_slice %arg5[%dma_start3A_1862, %multiple_of3A_1835] : memref<32x1000000xf32, #tpu.memory_space<hbm>> -> memref<32x128xf32, #tpu.memory_space<hbm>>
        tpu.enqueue_dma source(%dma_start3A_1863 : memref<32x128xf32, #tpu.memory_space<hbm>>) target(%dma_start3A_1861 : memref<32x128xf32, #tpu.memory_space<vmem>>) target_semaphore(%arg21 : memref<!tpu.dma_semaphore, #tpu.memory_space<semaphore_mem>>)
        %slice3A_1864 = vector.extract_strided_slice %shift_left3A_1823 {offsets = [1], sizes = [1], strides = [1]} : vector<16xi32> to vector<1xi32>
        %squeeze3A_1865 = vector.extract %slice3A_1864[0] : i32 from vector<1xi32>
        %multiple_of3A_1866 = tpu.assume_multiple %squeeze3A_1865, 128 : i32
        %slice3A_1867 = vector.extract_strided_slice %shift_left3A_1829 {offsets = [1], sizes = [1], strides = [1]} : vector<16xi32> to vector<1xi32>
        %squeeze3A_1868 = vector.extract %slice3A_1867[0] : i32 from vector<1xi32>
        %multiple_of3A_1869 = tpu.assume_multiple %squeeze3A_1868, 128 : i32
        %dma_start3A_1870 = arith.constant 0 : i32
        %dma_start3A_1871 = arith.constant 1 : i32
        %dma_start3A_1872 = arith.constant 0 : i32
        %dma_start3A_1873 = arith.constant 0 : i32
        %dma_start3A_1874 = tpu.memref_slice %arg11[%dma_start3A_1870, %dma_start3A_1871, %dma_start3A_1872, %dma_start3A_1873] : memref<4x2x32x128xf32, #tpu.memory_space<vmem>> -> memref<1x1x32x128xf32, #tpu.memory_space<vmem>>
        %dma_start3A_1875 = tpu.memref_squeeze %dma_start3A_1874 : memref<1x1x32x128xf32, #tpu.memory_space<vmem>> -> memref<32x128xf32, #tpu.memory_space<vmem>>
        %dma_start3A_1876 = arith.constant 0 : i32
        %dma_start3A_1877 = tpu.memref_slice %arg4[%dma_start3A_1876, %multiple_of3A_1866] : memref<32x1000000xf32, #tpu.memory_space<hbm>> -> memref<32x128xf32, #tpu.memory_space<hbm>>
        %dma_start3A_1878 = arith.constant 0 : i32
        %dma_start3A_1879 = arith.constant 0 : i32
        %dma_start3A_1880 = tpu.memref_slice %arg11[%dma_start3A_1870, %dma_start3A_1871, %dma_start3A_1878, %dma_start3A_1879] : memref<4x2x32x128xf32, #tpu.memory_space<vmem>> -> memref<1x1x32x128xf32, #tpu.memory_space<vmem>>
        %dma_start3A_1881 = tpu.memref_squeeze %dma_start3A_1880 : memref<1x1x32x128xf32, #tpu.memory_space<vmem>> -> memref<32x128xf32, #tpu.memory_space<vmem>>
        %dma_start3A_1882 = arith.constant 0 : i32
        %dma_start3A_1883 = tpu.memref_slice %arg4[%dma_start3A_1882, %multiple_of3A_1866] : memref<32x1000000xf32, #tpu.memory_space<hbm>> -> memref<32x128xf32, #tpu.memory_space<hbm>>
        tpu.enqueue_dma source(%dma_start3A_1883 : memref<32x128xf32, #tpu.memory_space<hbm>>) target(%dma_start3A_1881 : memref<32x128xf32, #tpu.memory_space<vmem>>) target_semaphore(%arg17 : memref<!tpu.dma_semaphore, #tpu.memory_space<semaphore_mem>>)
        %dma_start3A_1884 = arith.constant 0 : i32
        %dma_start3A_1885 = arith.constant 1 : i32
        %dma_start3A_1886 = arith.constant 0 : i32
        %dma_start3A_1887 = arith.constant 0 : i32
        %dma_start3A_1888 = tpu.memref_slice %arg12[%dma_start3A_1884, %dma_start3A_1885, %dma_start3A_1886, %dma_start3A_1887] : memref<4x2x32x128xf32, #tpu.memory_space<vmem>> -> memref<1x1x32x128xf32, #tpu.memory_space<vmem>>
        %dma_start3A_1889 = tpu.memref_squeeze %dma_start3A_1888 : memref<1x1x32x128xf32, #tpu.memory_space<vmem>> -> memref<32x128xf32, #tpu.memory_space<vmem>>
        %dma_start3A_1890 = arith.constant 0 : i32
        %dma_start3A_1891 = tpu.memref_slice %arg5[%dma_start3A_1890, %multiple_of3A_1869] : memref<32x1000000xf32, #tpu.memory_space<hbm>> -> memref<32x128xf32, #tpu.memory_space<hbm>>
        %dma_start3A_1892 = arith.constant 0 : i32
        %dma_start3A_1893 = arith.constant 0 : i32
        %dma_start3A_1894 = tpu.memref_slice %arg12[%dma_start3A_1884, %dma_start3A_1885, %dma_start3A_1892, %dma_start3A_1893] : memref<4x2x32x128xf32, #tpu.memory_space<vmem>> -> memref<1x1x32x128xf32, #tpu.memory_space<vmem>>
        %dma_start3A_1895 = tpu.memref_squeeze %dma_start3A_1894 : memref<1x1x32x128xf32, #tpu.memory_space<vmem>> -> memref<32x128xf32, #tpu.memory_space<vmem>>
        %dma_start3A_1896 = arith.constant 0 : i32
        %dma_start3A_1897 = tpu.memref_slice %arg5[%dma_start3A_1896, %multiple_of3A_1869] : memref<32x1000000xf32, #tpu.memory_space<hbm>> -> memref<32x128xf32, #tpu.memory_space<hbm>>
        tpu.enqueue_dma source(%dma_start3A_1897 : memref<32x128xf32, #tpu.memory_space<hbm>>) target(%dma_start3A_1895 : memref<32x128xf32, #tpu.memory_space<vmem>>) target_semaphore(%arg21 : memref<!tpu.dma_semaphore, #tpu.memory_space<semaphore_mem>>)
      } else {
      }
      %dma_wait3A_1432 = arith.constant 1 : i32
      %dma_wait3A_1433 = arith.constant 0 : i32
      %dma_wait3A_1434 = arith.constant 0 : i32
      %dma_wait3A_1435 = arith.constant 0 : i32
      %dma_wait3A_1436 = tpu.memref_slice %arg11[%dma_wait3A_1432, %dma_wait3A_1433, %dma_wait3A_1434, %dma_wait3A_1435] : memref<4x2x32x128xf32, #tpu.memory_space<vmem>> -> memref<1x1x32x128xf32, #tpu.memory_space<vmem>>
      %dma_wait3A_1437 = tpu.memref_squeeze %dma_wait3A_1436 : memref<1x1x32x128xf32, #tpu.memory_space<vmem>> -> memref<32x128xf32, #tpu.memory_space<vmem>>
      %dma_wait3A_1438 = arith.constant 0 : i32
      %dma_wait3A_1439 = arith.constant 0 : i32
      %dma_wait3A_1440 = tpu.memref_slice %arg4[%dma_wait3A_1438, %dma_wait3A_1439] : memref<32x1000000xf32, #tpu.memory_space<hbm>> -> memref<32x128xf32, #tpu.memory_space<hbm>>
      %dma_wait3A_1441 = arith.constant 0 : i32
      %dma_wait3A_1442 = arith.constant 0 : i32
      %dma_wait3A_1443 = tpu.memref_slice %arg11[%dma_wait3A_1432, %dma_wait3A_1433, %dma_wait3A_1441, %dma_wait3A_1442] : memref<4x2x32x128xf32, #tpu.memory_space<vmem>> -> memref<1x1x32x128xf32, #tpu.memory_space<vmem>>
      %dma_wait3A_1444 = tpu.memref_squeeze %dma_wait3A_1443 : memref<1x1x32x128xf32, #tpu.memory_space<vmem>> -> memref<32x128xf32, #tpu.memory_space<vmem>>
      %dma_wait3A_1445 = arith.constant 0 : i32
      %dma_wait3A_1446 = arith.constant 0 : i32
      %dma_wait3A_1447 = tpu.memref_slice %arg4[%dma_wait3A_1445, %dma_wait3A_1446] : memref<32x1000000xf32, #tpu.memory_space<hbm>> -> memref<32x128xf32, #tpu.memory_space<hbm>>
      tpu.wait_dma2 semaphore(%arg18 : memref<!tpu.dma_semaphore, #tpu.memory_space<semaphore_mem>>) src(%dma_wait3A_1447 : memref<32x128xf32, #tpu.memory_space<hbm>>) dst(%dma_wait3A_1444 : memref<32x128xf32, #tpu.memory_space<vmem>>)
      %dma_wait3A_1448 = arith.constant 1 : i32
      %dma_wait3A_1449 = arith.constant 0 : i32
      %dma_wait3A_1450 = arith.constant 0 : i32
      %dma_wait3A_1451 = arith.constant 0 : i32
      %dma_wait3A_1452 = tpu.memref_slice %arg12[%dma_wait3A_1448, %dma_wait3A_1449, %dma_wait3A_1450, %dma_wait3A_1451] : memref<4x2x32x128xf32, #tpu.memory_space<vmem>> -> memref<1x1x32x128xf32, #tpu.memory_space<vmem>>
      %dma_wait3A_1453 = tpu.memref_squeeze %dma_wait3A_1452 : memref<1x1x32x128xf32, #tpu.memory_space<vmem>> -> memref<32x128xf32, #tpu.memory_space<vmem>>
      %dma_wait3A_1454 = arith.constant 0 : i32
      %dma_wait3A_1455 = arith.constant 0 : i32
      %dma_wait3A_1456 = tpu.memref_slice %arg5[%dma_wait3A_1454, %dma_wait3A_1455] : memref<32x1000000xf32, #tpu.memory_space<hbm>> -> memref<32x128xf32, #tpu.memory_space<hbm>>
      %dma_wait3A_1457 = arith.constant 0 : i32
      %dma_wait3A_1458 = arith.constant 0 : i32
      %dma_wait3A_1459 = tpu.memref_slice %arg12[%dma_wait3A_1448, %dma_wait3A_1449, %dma_wait3A_1457, %dma_wait3A_1458] : memref<4x2x32x128xf32, #tpu.memory_space<vmem>> -> memref<1x1x32x128xf32, #tpu.memory_space<vmem>>
      %dma_wait3A_1460 = tpu.memref_squeeze %dma_wait3A_1459 : memref<1x1x32x128xf32, #tpu.memory_space<vmem>> -> memref<32x128xf32, #tpu.memory_space<vmem>>
      %dma_wait3A_1461 = arith.constant 0 : i32
      %dma_wait3A_1462 = arith.constant 0 : i32
      %dma_wait3A_1463 = tpu.memref_slice %arg5[%dma_wait3A_1461, %dma_wait3A_1462] : memref<32x1000000xf32, #tpu.memory_space<hbm>> -> memref<32x128xf32, #tpu.memory_space<hbm>>
      tpu.wait_dma2 semaphore(%arg22 : memref<!tpu.dma_semaphore, #tpu.memory_space<semaphore_mem>>) src(%dma_wait3A_1463 : memref<32x128xf32, #tpu.memory_space<hbm>>) dst(%dma_wait3A_1460 : memref<32x128xf32, #tpu.memory_space<vmem>>)
      %dma_wait3A_1464 = arith.constant 1 : i32
      %dma_wait3A_1465 = arith.constant 1 : i32
      %dma_wait3A_1466 = arith.constant 0 : i32
      %dma_wait3A_1467 = arith.constant 0 : i32
      %dma_wait3A_1468 = tpu.memref_slice %arg11[%dma_wait3A_1464, %dma_wait3A_1465, %dma_wait3A_1466, %dma_wait3A_1467] : memref<4x2x32x128xf32, #tpu.memory_space<vmem>> -> memref<1x1x32x128xf32, #tpu.memory_space<vmem>>
      %dma_wait3A_1469 = tpu.memref_squeeze %dma_wait3A_1468 : memref<1x1x32x128xf32, #tpu.memory_space<vmem>> -> memref<32x128xf32, #tpu.memory_space<vmem>>
      %dma_wait3A_1470 = arith.constant 0 : i32
      %dma_wait3A_1471 = arith.constant 0 : i32
      %dma_wait3A_1472 = tpu.memref_slice %arg4[%dma_wait3A_1470, %dma_wait3A_1471] : memref<32x1000000xf32, #tpu.memory_space<hbm>> -> memref<32x128xf32, #tpu.memory_space<hbm>>
      %dma_wait3A_1473 = arith.constant 0 : i32
      %dma_wait3A_1474 = arith.constant 0 : i32
      %dma_wait3A_1475 = tpu.memref_slice %arg11[%dma_wait3A_1464, %dma_wait3A_1465, %dma_wait3A_1473, %dma_wait3A_1474] : memref<4x2x32x128xf32, #tpu.memory_space<vmem>> -> memref<1x1x32x128xf32, #tpu.memory_space<vmem>>
      %dma_wait3A_1476 = tpu.memref_squeeze %dma_wait3A_1475 : memref<1x1x32x128xf32, #tpu.memory_space<vmem>> -> memref<32x128xf32, #tpu.memory_space<vmem>>
      %dma_wait3A_1477 = arith.constant 0 : i32
      %dma_wait3A_1478 = arith.constant 0 : i32
      %dma_wait3A_1479 = tpu.memref_slice %arg4[%dma_wait3A_1477, %dma_wait3A_1478] : memref<32x1000000xf32, #tpu.memory_space<hbm>> -> memref<32x128xf32, #tpu.memory_space<hbm>>
      tpu.wait_dma2 semaphore(%arg18 : memref<!tpu.dma_semaphore, #tpu.memory_space<semaphore_mem>>) src(%dma_wait3A_1479 : memref<32x128xf32, #tpu.memory_space<hbm>>) dst(%dma_wait3A_1476 : memref<32x128xf32, #tpu.memory_space<vmem>>)
      %dma_wait3A_1480 = arith.constant 1 : i32
      %dma_wait3A_1481 = arith.constant 1 : i32
      %dma_wait3A_1482 = arith.constant 0 : i32
      %dma_wait3A_1483 = arith.constant 0 : i32
      %dma_wait3A_1484 = tpu.memref_slice %arg12[%dma_wait3A_1480, %dma_wait3A_1481, %dma_wait3A_1482, %dma_wait3A_1483] : memref<4x2x32x128xf32, #tpu.memory_space<vmem>> -> memref<1x1x32x128xf32, #tpu.memory_space<vmem>>
      %dma_wait3A_1485 = tpu.memref_squeeze %dma_wait3A_1484 : memref<1x1x32x128xf32, #tpu.memory_space<vmem>> -> memref<32x128xf32, #tpu.memory_space<vmem>>
      %dma_wait3A_1486 = arith.constant 0 : i32
      %dma_wait3A_1487 = arith.constant 0 : i32
      %dma_wait3A_1488 = tpu.memref_slice %arg5[%dma_wait3A_1486, %dma_wait3A_1487] : memref<32x1000000xf32, #tpu.memory_space<hbm>> -> memref<32x128xf32, #tpu.memory_space<hbm>>
      %dma_wait3A_1489 = arith.constant 0 : i32
      %dma_wait3A_1490 = arith.constant 0 : i32
      %dma_wait3A_1491 = tpu.memref_slice %arg12[%dma_wait3A_1480, %dma_wait3A_1481, %dma_wait3A_1489, %dma_wait3A_1490] : memref<4x2x32x128xf32, #tpu.memory_space<vmem>> -> memref<1x1x32x128xf32, #tpu.memory_space<vmem>>
      %dma_wait3A_1492 = tpu.memref_squeeze %dma_wait3A_1491 : memref<1x1x32x128xf32, #tpu.memory_space<vmem>> -> memref<32x128xf32, #tpu.memory_space<vmem>>
      %dma_wait3A_1493 = arith.constant 0 : i32
      %dma_wait3A_1494 = arith.constant 0 : i32
      %dma_wait3A_1495 = tpu.memref_slice %arg5[%dma_wait3A_1493, %dma_wait3A_1494] : memref<32x1000000xf32, #tpu.memory_space<hbm>> -> memref<32x128xf32, #tpu.memory_space<hbm>>
      tpu.wait_dma2 semaphore(%arg22 : memref<!tpu.dma_semaphore, #tpu.memory_space<semaphore_mem>>) src(%dma_wait3A_1495 : memref<32x128xf32, #tpu.memory_space<hbm>>) dst(%dma_wait3A_1492 : memref<32x128xf32, #tpu.memory_space<vmem>>)
      %mul3A_1496 = arith.constant 16 : i32
      %mul3A_1497 = arith.muli %add3A_381, %mul3A_1496 : i32
      %add3A_1498 = arith.constant 10 : i32
      %add3A_1499 = arith.addi %mul3A_1497, %add3A_1498 : i32
      %add3A_1500 = vector.broadcast %add3A_1499 : i32 to vector<16xi32>
      %add3A_1501 = arith.addi %add3A_1500, %select_n3A : vector<16xi32>
      %gather3A_1502 = tpu.vector_load_idx %arg9[%add3A_1501] : memref<512xi32, #tpu.memory_space<vmem>>[vector<16xi32>], vector<16xi32>,
      %and3A_1503 = arith.constant 127 : i32
      %and3A_1504 = vector.broadcast %and3A_1503 : i32 to vector<16xi32>
      %and3A_1505 = arith.andi %gather3A_1502, %and3A_1504 : vector<16xi32>
      %gather3A_1506 = tpu.vector_load_idx %arg10[%add3A_1501] : memref<512xi32, #tpu.memory_space<vmem>>[vector<16xi32>], vector<16xi32>,
      %and3A_1507 = arith.constant 127 : i32
      %and3A_1508 = vector.broadcast %and3A_1507 : i32 to vector<16xi32>
      %and3A_1509 = arith.andi %gather3A_1506, %and3A_1508 : vector<16xi32>
      %broadcast_in_dim3A_1510 = arith.constant 1 : i32
      %broadcast_in_dim3A_1511 = vector.broadcast %broadcast_in_dim3A_1510 : i32 to vector<16xi32>
      %broadcast_in_dim3A_1512 = arith.constant 0.000000e+00 : f32
      %broadcast_in_dim3A_1513 = vector.broadcast %broadcast_in_dim3A_1512 : f32 to vector<16xf32>
      %add3A_1514 = arith.constant 0 : i32
      %add3A_1515 = vector.broadcast %add3A_1514 : i32 to vector<16xi32>
      %add3A_1516 = arith.addi %select_n3A_45, %add3A_1515 : vector<16xi32>
      %gather3A_1517 = tpu.vector_load_idx %arg11[%broadcast_in_dim3A_1511, %select_n3A, %add3A_1516, %and3A_1505] : memref<4x2x32x128xf32, #tpu.memory_space<vmem>>[vector<16xi32>, vector<16xi32>, vector<16xi32>, vector<16xi32>], vector<16xf32>,
      %gather3A_1518 = tpu.vector_load_idx %arg12[%broadcast_in_dim3A_1511, %select_n3A, %add3A_1516, %and3A_1509] : memref<4x2x32x128xf32, #tpu.memory_space<vmem>>[vector<16xi32>, vector<16xi32>, vector<16xi32>, vector<16xi32>], vector<16xf32>,
      %mul3A_1519 = arith.mulf %gather3A_1517, %gather3A_1518 : vector<16xf32>
      %mul3A_1520 = arith.mulf %mul3A_1519, %gather3A : vector<16xf32>
      %add3A_1521 = arith.addf %broadcast_in_dim3A_1513, %mul3A_1520 : vector<16xf32>
      %add3A_1522 = arith.constant 8 : i32
      %add3A_1523 = vector.broadcast %add3A_1522 : i32 to vector<16xi32>
      %add3A_1524 = arith.addi %select_n3A_45, %add3A_1523 : vector<16xi32>
      %gather3A_1525 = tpu.vector_load_idx %arg11[%broadcast_in_dim3A_1511, %select_n3A, %add3A_1524, %and3A_1505] : memref<4x2x32x128xf32, #tpu.memory_space<vmem>>[vector<16xi32>, vector<16xi32>, vector<16xi32>, vector<16xi32>], vector<16xf32>,
      %gather3A_1526 = tpu.vector_load_idx %arg12[%broadcast_in_dim3A_1511, %select_n3A, %add3A_1524, %and3A_1509] : memref<4x2x32x128xf32, #tpu.memory_space<vmem>>[vector<16xi32>, vector<16xi32>, vector<16xi32>, vector<16xi32>], vector<16xf32>,
      %mul3A_1527 = arith.mulf %gather3A_1525, %gather3A_1526 : vector<16xf32>
      %mul3A_1528 = arith.mulf %mul3A_1527, %gather3A_53 : vector<16xf32>
      %add3A_1529 = arith.addf %add3A_1521, %mul3A_1528 : vector<16xf32>
      %add3A_1530 = arith.constant 16 : i32
      %add3A_1531 = vector.broadcast %add3A_1530 : i32 to vector<16xi32>
      %add3A_1532 = arith.addi %select_n3A_45, %add3A_1531 : vector<16xi32>
      %gather3A_1533 = tpu.vector_load_idx %arg11[%broadcast_in_dim3A_1511, %select_n3A, %add3A_1532, %and3A_1505] : memref<4x2x32x128xf32, #tpu.memory_space<vmem>>[vector<16xi32>, vector<16xi32>, vector<16xi32>, vector<16xi32>], vector<16xf32>,
      %gather3A_1534 = tpu.vector_load_idx %arg12[%broadcast_in_dim3A_1511, %select_n3A, %add3A_1532, %and3A_1509] : memref<4x2x32x128xf32, #tpu.memory_space<vmem>>[vector<16xi32>, vector<16xi32>, vector<16xi32>, vector<16xi32>], vector<16xf32>,
      %mul3A_1535 = arith.mulf %gather3A_1533, %gather3A_1534 : vector<16xf32>
      %mul3A_1536 = arith.mulf %mul3A_1535, %gather3A_57 : vector<16xf32>
      %add3A_1537 = arith.addf %add3A_1529, %mul3A_1536 : vector<16xf32>
      %add3A_1538 = arith.constant 24 : i32
      %add3A_1539 = vector.broadcast %add3A_1538 : i32 to vector<16xi32>
      %add3A_1540 = arith.addi %select_n3A_45, %add3A_1539 : vector<16xi32>
      %gather3A_1541 = tpu.vector_load_idx %arg11[%broadcast_in_dim3A_1511, %select_n3A, %add3A_1540, %and3A_1505] : memref<4x2x32x128xf32, #tpu.memory_space<vmem>>[vector<16xi32>, vector<16xi32>, vector<16xi32>, vector<16xi32>], vector<16xf32>,
      %gather3A_1542 = tpu.vector_load_idx %arg12[%broadcast_in_dim3A_1511, %select_n3A, %add3A_1540, %and3A_1509] : memref<4x2x32x128xf32, #tpu.memory_space<vmem>>[vector<16xi32>, vector<16xi32>, vector<16xi32>, vector<16xi32>], vector<16xf32>,
      %mul3A_1543 = arith.mulf %gather3A_1541, %gather3A_1542 : vector<16xf32>
      %mul3A_1544 = arith.mulf %mul3A_1543, %gather3A_61 : vector<16xf32>
      %add3A_1545 = arith.addf %add3A_1537, %mul3A_1544 : vector<16xf32>
      %mul3A_1546 = arith.constant 8 : i32
      %mul3A_1547 = arith.muli %add3A_381, %mul3A_1546 : i32
      %add3A_1548 = arith.constant 5 : i32
      %add3A_1549 = arith.addi %mul3A_1547, %add3A_1548 : i32
      %mul3A_1550 = arith.constant 16 : i32
      %mul3A_1551 = arith.muli %add3A_1549, %mul3A_1550 : i32
      %swap3A_1552 = arith.index_cast %mul3A_1551 : i32 to index
      %swap3A_1553 = tpu.vector_load %arg13[%swap3A_1552] {strides = array<i32>} : memref<4096xf32, #tpu.memory_space<vmem>>, vector<16xf32>,
      tpu.vector_store %arg13[%swap3A_1552], %add3A_1545 {strides = array<i32>} : memref<4096xf32, #tpu.memory_space<vmem>>, vector<16xf32>,
      %lt3A_1554 = arith.constant 31 : i32
      %lt3A_1555 = arith.cmpi slt, %add3A_381, %lt3A_1554 : i32
      %convert_element_type3A_1556 = arith.extui %lt3A_1555 : i1 to i32
      %cond3A_1557 = arith.constant 0 : i32
      %cond3A_1558 = arith.cmpi ne, %convert_element_type3A_1556, %cond3A_1557 : i32
      scf.if %cond3A_1558 {
        %add3A_1808 = arith.constant 1 : i32
        %add3A_1809 = arith.addi %add3A_381, %add3A_1808 : i32
        %mul3A_1810 = arith.constant 16 : i32
        %mul3A_1811 = arith.muli %add3A_1809, %mul3A_1810 : i32
        %get3A_1812 = arith.index_cast %mul3A_1811 : i32 to index
        %get3A_1813 = tpu.vector_load %arg9[%get3A_1812] {strides = array<i32>} : memref<512xi32, #tpu.memory_space<vmem>>, vector<16xi32>,
        %mul3A_1814 = arith.constant 16 : i32
        %mul3A_1815 = arith.muli %add3A_1809, %mul3A_1814 : i32
        %get3A_1816 = arith.index_cast %mul3A_1815 : i32 to index
        %get3A_1817 = tpu.vector_load %arg10[%get3A_1816] {strides = array<i32>} : memref<512xi32, #tpu.memory_space<vmem>>, vector<16xi32>,
        %shift_right_arithmetic3A_1818 = arith.constant 7 : i32
        %shift_right_arithmetic3A_1819 = vector.broadcast %shift_right_arithmetic3A_1818 : i32 to vector<16xi32>
        %shift_right_arithmetic3A_1820 = arith.shrsi %get3A_1813, %shift_right_arithmetic3A_1819 : vector<16xi32>
        %shift_left3A_1821 = arith.constant 7 : i32
        %shift_left3A_1822 = vector.broadcast %shift_left3A_1821 : i32 to vector<16xi32>
        %shift_left3A_1823 = arith.shli %shift_right_arithmetic3A_1820, %shift_left3A_1822 : vector<16xi32>
        %shift_right_arithmetic3A_1824 = arith.constant 7 : i32
        %shift_right_arithmetic3A_1825 = vector.broadcast %shift_right_arithmetic3A_1824 : i32 to vector<16xi32>
        %shift_right_arithmetic3A_1826 = arith.shrsi %get3A_1817, %shift_right_arithmetic3A_1825 : vector<16xi32>
        %shift_left3A_1827 = arith.constant 7 : i32
        %shift_left3A_1828 = vector.broadcast %shift_left3A_1827 : i32 to vector<16xi32>
        %shift_left3A_1829 = arith.shli %shift_right_arithmetic3A_1826, %shift_left3A_1828 : vector<16xi32>
        %slice3A_1830 = vector.extract_strided_slice %shift_left3A_1823 {offsets = [2], sizes = [1], strides = [1]} : vector<16xi32> to vector<1xi32>
        %squeeze3A_1831 = vector.extract %slice3A_1830[0] : i32 from vector<1xi32>
        %multiple_of3A_1832 = tpu.assume_multiple %squeeze3A_1831, 128 : i32
        %slice3A_1833 = vector.extract_strided_slice %shift_left3A_1829 {offsets = [2], sizes = [1], strides = [1]} : vector<16xi32> to vector<1xi32>
        %squeeze3A_1834 = vector.extract %slice3A_1833[0] : i32 from vector<1xi32>
        %multiple_of3A_1835 = tpu.assume_multiple %squeeze3A_1834, 128 : i32
        %dma_start3A_1836 = arith.constant 1 : i32
        %dma_start3A_1837 = arith.constant 0 : i32
        %dma_start3A_1838 = arith.constant 0 : i32
        %dma_start3A_1839 = arith.constant 0 : i32
        %dma_start3A_1840 = tpu.memref_slice %arg11[%dma_start3A_1836, %dma_start3A_1837, %dma_start3A_1838, %dma_start3A_1839] : memref<4x2x32x128xf32, #tpu.memory_space<vmem>> -> memref<1x1x32x128xf32, #tpu.memory_space<vmem>>
        %dma_start3A_1841 = tpu.memref_squeeze %dma_start3A_1840 : memref<1x1x32x128xf32, #tpu.memory_space<vmem>> -> memref<32x128xf32, #tpu.memory_space<vmem>>
        %dma_start3A_1842 = arith.constant 0 : i32
        %dma_start3A_1843 = tpu.memref_slice %arg4[%dma_start3A_1842, %multiple_of3A_1832] : memref<32x1000000xf32, #tpu.memory_space<hbm>> -> memref<32x128xf32, #tpu.memory_space<hbm>>
        %dma_start3A_1844 = arith.constant 0 : i32
        %dma_start3A_1845 = arith.constant 0 : i32
        %dma_start3A_1846 = tpu.memref_slice %arg11[%dma_start3A_1836, %dma_start3A_1837, %dma_start3A_1844, %dma_start3A_1845] : memref<4x2x32x128xf32, #tpu.memory_space<vmem>> -> memref<1x1x32x128xf32, #tpu.memory_space<vmem>>
        %dma_start3A_1847 = tpu.memref_squeeze %dma_start3A_1846 : memref<1x1x32x128xf32, #tpu.memory_space<vmem>> -> memref<32x128xf32, #tpu.memory_space<vmem>>
        %dma_start3A_1848 = arith.constant 0 : i32
        %dma_start3A_1849 = tpu.memref_slice %arg4[%dma_start3A_1848, %multiple_of3A_1832] : memref<32x1000000xf32, #tpu.memory_space<hbm>> -> memref<32x128xf32, #tpu.memory_space<hbm>>
        tpu.enqueue_dma source(%dma_start3A_1849 : memref<32x128xf32, #tpu.memory_space<hbm>>) target(%dma_start3A_1847 : memref<32x128xf32, #tpu.memory_space<vmem>>) target_semaphore(%arg18 : memref<!tpu.dma_semaphore, #tpu.memory_space<semaphore_mem>>)
        %dma_start3A_1850 = arith.constant 1 : i32
        %dma_start3A_1851 = arith.constant 0 : i32
        %dma_start3A_1852 = arith.constant 0 : i32
        %dma_start3A_1853 = arith.constant 0 : i32
        %dma_start3A_1854 = tpu.memref_slice %arg12[%dma_start3A_1850, %dma_start3A_1851, %dma_start3A_1852, %dma_start3A_1853] : memref<4x2x32x128xf32, #tpu.memory_space<vmem>> -> memref<1x1x32x128xf32, #tpu.memory_space<vmem>>
        %dma_start3A_1855 = tpu.memref_squeeze %dma_start3A_1854 : memref<1x1x32x128xf32, #tpu.memory_space<vmem>> -> memref<32x128xf32, #tpu.memory_space<vmem>>
        %dma_start3A_1856 = arith.constant 0 : i32
        %dma_start3A_1857 = tpu.memref_slice %arg5[%dma_start3A_1856, %multiple_of3A_1835] : memref<32x1000000xf32, #tpu.memory_space<hbm>> -> memref<32x128xf32, #tpu.memory_space<hbm>>
        %dma_start3A_1858 = arith.constant 0 : i32
        %dma_start3A_1859 = arith.constant 0 : i32
        %dma_start3A_1860 = tpu.memref_slice %arg12[%dma_start3A_1850, %dma_start3A_1851, %dma_start3A_1858, %dma_start3A_1859] : memref<4x2x32x128xf32, #tpu.memory_space<vmem>> -> memref<1x1x32x128xf32, #tpu.memory_space<vmem>>
        %dma_start3A_1861 = tpu.memref_squeeze %dma_start3A_1860 : memref<1x1x32x128xf32, #tpu.memory_space<vmem>> -> memref<32x128xf32, #tpu.memory_space<vmem>>
        %dma_start3A_1862 = arith.constant 0 : i32
        %dma_start3A_1863 = tpu.memref_slice %arg5[%dma_start3A_1862, %multiple_of3A_1835] : memref<32x1000000xf32, #tpu.memory_space<hbm>> -> memref<32x128xf32, #tpu.memory_space<hbm>>
        tpu.enqueue_dma source(%dma_start3A_1863 : memref<32x128xf32, #tpu.memory_space<hbm>>) target(%dma_start3A_1861 : memref<32x128xf32, #tpu.memory_space<vmem>>) target_semaphore(%arg22 : memref<!tpu.dma_semaphore, #tpu.memory_space<semaphore_mem>>)
        %slice3A_1864 = vector.extract_strided_slice %shift_left3A_1823 {offsets = [3], sizes = [1], strides = [1]} : vector<16xi32> to vector<1xi32>
        %squeeze3A_1865 = vector.extract %slice3A_1864[0] : i32 from vector<1xi32>
        %multiple_of3A_1866 = tpu.assume_multiple %squeeze3A_1865, 128 : i32
        %slice3A_1867 = vector.extract_strided_slice %shift_left3A_1829 {offsets = [3], sizes = [1], strides = [1]} : vector<16xi32> to vector<1xi32>
        %squeeze3A_1868 = vector.extract %slice3A_1867[0] : i32 from vector<1xi32>
        %multiple_of3A_1869 = tpu.assume_multiple %squeeze3A_1868, 128 : i32
        %dma_start3A_1870 = arith.constant 1 : i32
        %dma_start3A_1871 = arith.constant 1 : i32
        %dma_start3A_1872 = arith.constant 0 : i32
        %dma_start3A_1873 = arith.constant 0 : i32
        %dma_start3A_1874 = tpu.memref_slice %arg11[%dma_start3A_1870, %dma_start3A_1871, %dma_start3A_1872, %dma_start3A_1873] : memref<4x2x32x128xf32, #tpu.memory_space<vmem>> -> memref<1x1x32x128xf32, #tpu.memory_space<vmem>>
        %dma_start3A_1875 = tpu.memref_squeeze %dma_start3A_1874 : memref<1x1x32x128xf32, #tpu.memory_space<vmem>> -> memref<32x128xf32, #tpu.memory_space<vmem>>
        %dma_start3A_1876 = arith.constant 0 : i32
        %dma_start3A_1877 = tpu.memref_slice %arg4[%dma_start3A_1876, %multiple_of3A_1866] : memref<32x1000000xf32, #tpu.memory_space<hbm>> -> memref<32x128xf32, #tpu.memory_space<hbm>>
        %dma_start3A_1878 = arith.constant 0 : i32
        %dma_start3A_1879 = arith.constant 0 : i32
        %dma_start3A_1880 = tpu.memref_slice %arg11[%dma_start3A_1870, %dma_start3A_1871, %dma_start3A_1878, %dma_start3A_1879] : memref<4x2x32x128xf32, #tpu.memory_space<vmem>> -> memref<1x1x32x128xf32, #tpu.memory_space<vmem>>
        %dma_start3A_1881 = tpu.memref_squeeze %dma_start3A_1880 : memref<1x1x32x128xf32, #tpu.memory_space<vmem>> -> memref<32x128xf32, #tpu.memory_space<vmem>>
        %dma_start3A_1882 = arith.constant 0 : i32
        %dma_start3A_1883 = tpu.memref_slice %arg4[%dma_start3A_1882, %multiple_of3A_1866] : memref<32x1000000xf32, #tpu.memory_space<hbm>> -> memref<32x128xf32, #tpu.memory_space<hbm>>
        tpu.enqueue_dma source(%dma_start3A_1883 : memref<32x128xf32, #tpu.memory_space<hbm>>) target(%dma_start3A_1881 : memref<32x128xf32, #tpu.memory_space<vmem>>) target_semaphore(%arg18 : memref<!tpu.dma_semaphore, #tpu.memory_space<semaphore_mem>>)
        %dma_start3A_1884 = arith.constant 1 : i32
        %dma_start3A_1885 = arith.constant 1 : i32
        %dma_start3A_1886 = arith.constant 0 : i32
        %dma_start3A_1887 = arith.constant 0 : i32
        %dma_start3A_1888 = tpu.memref_slice %arg12[%dma_start3A_1884, %dma_start3A_1885, %dma_start3A_1886, %dma_start3A_1887] : memref<4x2x32x128xf32, #tpu.memory_space<vmem>> -> memref<1x1x32x128xf32, #tpu.memory_space<vmem>>
        %dma_start3A_1889 = tpu.memref_squeeze %dma_start3A_1888 : memref<1x1x32x128xf32, #tpu.memory_space<vmem>> -> memref<32x128xf32, #tpu.memory_space<vmem>>
        %dma_start3A_1890 = arith.constant 0 : i32
        %dma_start3A_1891 = tpu.memref_slice %arg5[%dma_start3A_1890, %multiple_of3A_1869] : memref<32x1000000xf32, #tpu.memory_space<hbm>> -> memref<32x128xf32, #tpu.memory_space<hbm>>
        %dma_start3A_1892 = arith.constant 0 : i32
        %dma_start3A_1893 = arith.constant 0 : i32
        %dma_start3A_1894 = tpu.memref_slice %arg12[%dma_start3A_1884, %dma_start3A_1885, %dma_start3A_1892, %dma_start3A_1893] : memref<4x2x32x128xf32, #tpu.memory_space<vmem>> -> memref<1x1x32x128xf32, #tpu.memory_space<vmem>>
        %dma_start3A_1895 = tpu.memref_squeeze %dma_start3A_1894 : memref<1x1x32x128xf32, #tpu.memory_space<vmem>> -> memref<32x128xf32, #tpu.memory_space<vmem>>
        %dma_start3A_1896 = arith.constant 0 : i32
        %dma_start3A_1897 = tpu.memref_slice %arg5[%dma_start3A_1896, %multiple_of3A_1869] : memref<32x1000000xf32, #tpu.memory_space<hbm>> -> memref<32x128xf32, #tpu.memory_space<hbm>>
        tpu.enqueue_dma source(%dma_start3A_1897 : memref<32x128xf32, #tpu.memory_space<hbm>>) target(%dma_start3A_1895 : memref<32x128xf32, #tpu.memory_space<vmem>>) target_semaphore(%arg22 : memref<!tpu.dma_semaphore, #tpu.memory_space<semaphore_mem>>)
      } else {
      }
      %dma_wait3A_1559 = arith.constant 2 : i32
      %dma_wait3A_1560 = arith.constant 0 : i32
      %dma_wait3A_1561 = arith.constant 0 : i32
      %dma_wait3A_1562 = arith.constant 0 : i32
      %dma_wait3A_1563 = tpu.memref_slice %arg11[%dma_wait3A_1559, %dma_wait3A_1560, %dma_wait3A_1561, %dma_wait3A_1562] : memref<4x2x32x128xf32, #tpu.memory_space<vmem>> -> memref<1x1x32x128xf32, #tpu.memory_space<vmem>>
      %dma_wait3A_1564 = tpu.memref_squeeze %dma_wait3A_1563 : memref<1x1x32x128xf32, #tpu.memory_space<vmem>> -> memref<32x128xf32, #tpu.memory_space<vmem>>
      %dma_wait3A_1565 = arith.constant 0 : i32
      %dma_wait3A_1566 = arith.constant 0 : i32
      %dma_wait3A_1567 = tpu.memref_slice %arg4[%dma_wait3A_1565, %dma_wait3A_1566] : memref<32x1000000xf32, #tpu.memory_space<hbm>> -> memref<32x128xf32, #tpu.memory_space<hbm>>
      %dma_wait3A_1568 = arith.constant 0 : i32
      %dma_wait3A_1569 = arith.constant 0 : i32
      %dma_wait3A_1570 = tpu.memref_slice %arg11[%dma_wait3A_1559, %dma_wait3A_1560, %dma_wait3A_1568, %dma_wait3A_1569] : memref<4x2x32x128xf32, #tpu.memory_space<vmem>> -> memref<1x1x32x128xf32, #tpu.memory_space<vmem>>
      %dma_wait3A_1571 = tpu.memref_squeeze %dma_wait3A_1570 : memref<1x1x32x128xf32, #tpu.memory_space<vmem>> -> memref<32x128xf32, #tpu.memory_space<vmem>>
      %dma_wait3A_1572 = arith.constant 0 : i32
      %dma_wait3A_1573 = arith.constant 0 : i32
      %dma_wait3A_1574 = tpu.memref_slice %arg4[%dma_wait3A_1572, %dma_wait3A_1573] : memref<32x1000000xf32, #tpu.memory_space<hbm>> -> memref<32x128xf32, #tpu.memory_space<hbm>>
      tpu.wait_dma2 semaphore(%arg19 : memref<!tpu.dma_semaphore, #tpu.memory_space<semaphore_mem>>) src(%dma_wait3A_1574 : memref<32x128xf32, #tpu.memory_space<hbm>>) dst(%dma_wait3A_1571 : memref<32x128xf32, #tpu.memory_space<vmem>>)
      %dma_wait3A_1575 = arith.constant 2 : i32
      %dma_wait3A_1576 = arith.constant 0 : i32
      %dma_wait3A_1577 = arith.constant 0 : i32
      %dma_wait3A_1578 = arith.constant 0 : i32
      %dma_wait3A_1579 = tpu.memref_slice %arg12[%dma_wait3A_1575, %dma_wait3A_1576, %dma_wait3A_1577, %dma_wait3A_1578] : memref<4x2x32x128xf32, #tpu.memory_space<vmem>> -> memref<1x1x32x128xf32, #tpu.memory_space<vmem>>
      %dma_wait3A_1580 = tpu.memref_squeeze %dma_wait3A_1579 : memref<1x1x32x128xf32, #tpu.memory_space<vmem>> -> memref<32x128xf32, #tpu.memory_space<vmem>>
      %dma_wait3A_1581 = arith.constant 0 : i32
      %dma_wait3A_1582 = arith.constant 0 : i32
      %dma_wait3A_1583 = tpu.memref_slice %arg5[%dma_wait3A_1581, %dma_wait3A_1582] : memref<32x1000000xf32, #tpu.memory_space<hbm>> -> memref<32x128xf32, #tpu.memory_space<hbm>>
      %dma_wait3A_1584 = arith.constant 0 : i32
      %dma_wait3A_1585 = arith.constant 0 : i32
      %dma_wait3A_1586 = tpu.memref_slice %arg12[%dma_wait3A_1575, %dma_wait3A_1576, %dma_wait3A_1584, %dma_wait3A_1585] : memref<4x2x32x128xf32, #tpu.memory_space<vmem>> -> memref<1x1x32x128xf32, #tpu.memory_space<vmem>>
      %dma_wait3A_1587 = tpu.memref_squeeze %dma_wait3A_1586 : memref<1x1x32x128xf32, #tpu.memory_space<vmem>> -> memref<32x128xf32, #tpu.memory_space<vmem>>
      %dma_wait3A_1588 = arith.constant 0 : i32
      %dma_wait3A_1589 = arith.constant 0 : i32
      %dma_wait3A_1590 = tpu.memref_slice %arg5[%dma_wait3A_1588, %dma_wait3A_1589] : memref<32x1000000xf32, #tpu.memory_space<hbm>> -> memref<32x128xf32, #tpu.memory_space<hbm>>
      tpu.wait_dma2 semaphore(%arg23 : memref<!tpu.dma_semaphore, #tpu.memory_space<semaphore_mem>>) src(%dma_wait3A_1590 : memref<32x128xf32, #tpu.memory_space<hbm>>) dst(%dma_wait3A_1587 : memref<32x128xf32, #tpu.memory_space<vmem>>)
      %dma_wait3A_1591 = arith.constant 2 : i32
      %dma_wait3A_1592 = arith.constant 1 : i32
      %dma_wait3A_1593 = arith.constant 0 : i32
      %dma_wait3A_1594 = arith.constant 0 : i32
      %dma_wait3A_1595 = tpu.memref_slice %arg11[%dma_wait3A_1591, %dma_wait3A_1592, %dma_wait3A_1593, %dma_wait3A_1594] : memref<4x2x32x128xf32, #tpu.memory_space<vmem>> -> memref<1x1x32x128xf32, #tpu.memory_space<vmem>>
      %dma_wait3A_1596 = tpu.memref_squeeze %dma_wait3A_1595 : memref<1x1x32x128xf32, #tpu.memory_space<vmem>> -> memref<32x128xf32, #tpu.memory_space<vmem>>
      %dma_wait3A_1597 = arith.constant 0 : i32
      %dma_wait3A_1598 = arith.constant 0 : i32
      %dma_wait3A_1599 = tpu.memref_slice %arg4[%dma_wait3A_1597, %dma_wait3A_1598] : memref<32x1000000xf32, #tpu.memory_space<hbm>> -> memref<32x128xf32, #tpu.memory_space<hbm>>
      %dma_wait3A_1600 = arith.constant 0 : i32
      %dma_wait3A_1601 = arith.constant 0 : i32
      %dma_wait3A_1602 = tpu.memref_slice %arg11[%dma_wait3A_1591, %dma_wait3A_1592, %dma_wait3A_1600, %dma_wait3A_1601] : memref<4x2x32x128xf32, #tpu.memory_space<vmem>> -> memref<1x1x32x128xf32, #tpu.memory_space<vmem>>
      %dma_wait3A_1603 = tpu.memref_squeeze %dma_wait3A_1602 : memref<1x1x32x128xf32, #tpu.memory_space<vmem>> -> memref<32x128xf32, #tpu.memory_space<vmem>>
      %dma_wait3A_1604 = arith.constant 0 : i32
      %dma_wait3A_1605 = arith.constant 0 : i32
      %dma_wait3A_1606 = tpu.memref_slice %arg4[%dma_wait3A_1604, %dma_wait3A_1605] : memref<32x1000000xf32, #tpu.memory_space<hbm>> -> memref<32x128xf32, #tpu.memory_space<hbm>>
      tpu.wait_dma2 semaphore(%arg19 : memref<!tpu.dma_semaphore, #tpu.memory_space<semaphore_mem>>) src(%dma_wait3A_1606 : memref<32x128xf32, #tpu.memory_space<hbm>>) dst(%dma_wait3A_1603 : memref<32x128xf32, #tpu.memory_space<vmem>>)
      %dma_wait3A_1607 = arith.constant 2 : i32
      %dma_wait3A_1608 = arith.constant 1 : i32
      %dma_wait3A_1609 = arith.constant 0 : i32
      %dma_wait3A_1610 = arith.constant 0 : i32
      %dma_wait3A_1611 = tpu.memref_slice %arg12[%dma_wait3A_1607, %dma_wait3A_1608, %dma_wait3A_1609, %dma_wait3A_1610] : memref<4x2x32x128xf32, #tpu.memory_space<vmem>> -> memref<1x1x32x128xf32, #tpu.memory_space<vmem>>
      %dma_wait3A_1612 = tpu.memref_squeeze %dma_wait3A_1611 : memref<1x1x32x128xf32, #tpu.memory_space<vmem>> -> memref<32x128xf32, #tpu.memory_space<vmem>>
      %dma_wait3A_1613 = arith.constant 0 : i32
      %dma_wait3A_1614 = arith.constant 0 : i32
      %dma_wait3A_1615 = tpu.memref_slice %arg5[%dma_wait3A_1613, %dma_wait3A_1614] : memref<32x1000000xf32, #tpu.memory_space<hbm>> -> memref<32x128xf32, #tpu.memory_space<hbm>>
      %dma_wait3A_1616 = arith.constant 0 : i32
      %dma_wait3A_1617 = arith.constant 0 : i32
      %dma_wait3A_1618 = tpu.memref_slice %arg12[%dma_wait3A_1607, %dma_wait3A_1608, %dma_wait3A_1616, %dma_wait3A_1617] : memref<4x2x32x128xf32, #tpu.memory_space<vmem>> -> memref<1x1x32x128xf32, #tpu.memory_space<vmem>>
      %dma_wait3A_1619 = tpu.memref_squeeze %dma_wait3A_1618 : memref<1x1x32x128xf32, #tpu.memory_space<vmem>> -> memref<32x128xf32, #tpu.memory_space<vmem>>
      %dma_wait3A_1620 = arith.constant 0 : i32
      %dma_wait3A_1621 = arith.constant 0 : i32
      %dma_wait3A_1622 = tpu.memref_slice %arg5[%dma_wait3A_1620, %dma_wait3A_1621] : memref<32x1000000xf32, #tpu.memory_space<hbm>> -> memref<32x128xf32, #tpu.memory_space<hbm>>
      tpu.wait_dma2 semaphore(%arg23 : memref<!tpu.dma_semaphore, #tpu.memory_space<semaphore_mem>>) src(%dma_wait3A_1622 : memref<32x128xf32, #tpu.memory_space<hbm>>) dst(%dma_wait3A_1619 : memref<32x128xf32, #tpu.memory_space<vmem>>)
      %mul3A_1623 = arith.constant 16 : i32
      %mul3A_1624 = arith.muli %add3A_381, %mul3A_1623 : i32
      %add3A_1625 = arith.constant 12 : i32
      %add3A_1626 = arith.addi %mul3A_1624, %add3A_1625 : i32
      %add3A_1627 = vector.broadcast %add3A_1626 : i32 to vector<16xi32>
      %add3A_1628 = arith.addi %add3A_1627, %select_n3A : vector<16xi32>
      %gather3A_1629 = tpu.vector_load_idx %arg9[%add3A_1628] : memref<512xi32, #tpu.memory_space<vmem>>[vector<16xi32>], vector<16xi32>,
      %and3A_1630 = arith.constant 127 : i32
      %and3A_1631 = vector.broadcast %and3A_1630 : i32 to vector<16xi32>
      %and3A_1632 = arith.andi %gather3A_1629, %and3A_1631 : vector<16xi32>
      %gather3A_1633 = tpu.vector_load_idx %arg10[%add3A_1628] : memref<512xi32, #tpu.memory_space<vmem>>[vector<16xi32>], vector<16xi32>,
      %and3A_1634 = arith.constant 127 : i32
      %and3A_1635 = vector.broadcast %and3A_1634 : i32 to vector<16xi32>
      %and3A_1636 = arith.andi %gather3A_1633, %and3A_1635 : vector<16xi32>
      %broadcast_in_dim3A_1637 = arith.constant 2 : i32
      %broadcast_in_dim3A_1638 = vector.broadcast %broadcast_in_dim3A_1637 : i32 to vector<16xi32>
      %broadcast_in_dim3A_1639 = arith.constant 0.000000e+00 : f32
      %broadcast_in_dim3A_1640 = vector.broadcast %broadcast_in_dim3A_1639 : f32 to vector<16xf32>
      %add3A_1641 = arith.constant 0 : i32
      %add3A_1642 = vector.broadcast %add3A_1641 : i32 to vector<16xi32>
      %add3A_1643 = arith.addi %select_n3A_45, %add3A_1642 : vector<16xi32>
      %gather3A_1644 = tpu.vector_load_idx %arg11[%broadcast_in_dim3A_1638, %select_n3A, %add3A_1643, %and3A_1632] : memref<4x2x32x128xf32, #tpu.memory_space<vmem>>[vector<16xi32>, vector<16xi32>, vector<16xi32>, vector<16xi32>], vector<16xf32>,
      %gather3A_1645 = tpu.vector_load_idx %arg12[%broadcast_in_dim3A_1638, %select_n3A, %add3A_1643, %and3A_1636] : memref<4x2x32x128xf32, #tpu.memory_space<vmem>>[vector<16xi32>, vector<16xi32>, vector<16xi32>, vector<16xi32>], vector<16xf32>,
      %mul3A_1646 = arith.mulf %gather3A_1644, %gather3A_1645 : vector<16xf32>
      %mul3A_1647 = arith.mulf %mul3A_1646, %gather3A : vector<16xf32>
      %add3A_1648 = arith.addf %broadcast_in_dim3A_1640, %mul3A_1647 : vector<16xf32>
      %add3A_1649 = arith.constant 8 : i32
      %add3A_1650 = vector.broadcast %add3A_1649 : i32 to vector<16xi32>
      %add3A_1651 = arith.addi %select_n3A_45, %add3A_1650 : vector<16xi32>
      %gather3A_1652 = tpu.vector_load_idx %arg11[%broadcast_in_dim3A_1638, %select_n3A, %add3A_1651, %and3A_1632] : memref<4x2x32x128xf32, #tpu.memory_space<vmem>>[vector<16xi32>, vector<16xi32>, vector<16xi32>, vector<16xi32>], vector<16xf32>,
      %gather3A_1653 = tpu.vector_load_idx %arg12[%broadcast_in_dim3A_1638, %select_n3A, %add3A_1651, %and3A_1636] : memref<4x2x32x128xf32, #tpu.memory_space<vmem>>[vector<16xi32>, vector<16xi32>, vector<16xi32>, vector<16xi32>], vector<16xf32>,
      %mul3A_1654 = arith.mulf %gather3A_1652, %gather3A_1653 : vector<16xf32>
      %mul3A_1655 = arith.mulf %mul3A_1654, %gather3A_53 : vector<16xf32>
      %add3A_1656 = arith.addf %add3A_1648, %mul3A_1655 : vector<16xf32>
      %add3A_1657 = arith.constant 16 : i32
      %add3A_1658 = vector.broadcast %add3A_1657 : i32 to vector<16xi32>
      %add3A_1659 = arith.addi %select_n3A_45, %add3A_1658 : vector<16xi32>
      %gather3A_1660 = tpu.vector_load_idx %arg11[%broadcast_in_dim3A_1638, %select_n3A, %add3A_1659, %and3A_1632] : memref<4x2x32x128xf32, #tpu.memory_space<vmem>>[vector<16xi32>, vector<16xi32>, vector<16xi32>, vector<16xi32>], vector<16xf32>,
      %gather3A_1661 = tpu.vector_load_idx %arg12[%broadcast_in_dim3A_1638, %select_n3A, %add3A_1659, %and3A_1636] : memref<4x2x32x128xf32, #tpu.memory_space<vmem>>[vector<16xi32>, vector<16xi32>, vector<16xi32>, vector<16xi32>], vector<16xf32>,
      %mul3A_1662 = arith.mulf %gather3A_1660, %gather3A_1661 : vector<16xf32>
      %mul3A_1663 = arith.mulf %mul3A_1662, %gather3A_57 : vector<16xf32>
      %add3A_1664 = arith.addf %add3A_1656, %mul3A_1663 : vector<16xf32>
      %add3A_1665 = arith.constant 24 : i32
      %add3A_1666 = vector.broadcast %add3A_1665 : i32 to vector<16xi32>
      %add3A_1667 = arith.addi %select_n3A_45, %add3A_1666 : vector<16xi32>
      %gather3A_1668 = tpu.vector_load_idx %arg11[%broadcast_in_dim3A_1638, %select_n3A, %add3A_1667, %and3A_1632] : memref<4x2x32x128xf32, #tpu.memory_space<vmem>>[vector<16xi32>, vector<16xi32>, vector<16xi32>, vector<16xi32>], vector<16xf32>,
      %gather3A_1669 = tpu.vector_load_idx %arg12[%broadcast_in_dim3A_1638, %select_n3A, %add3A_1667, %and3A_1636] : memref<4x2x32x128xf32, #tpu.memory_space<vmem>>[vector<16xi32>, vector<16xi32>, vector<16xi32>, vector<16xi32>], vector<16xf32>,
      %mul3A_1670 = arith.mulf %gather3A_1668, %gather3A_1669 : vector<16xf32>
      %mul3A_1671 = arith.mulf %mul3A_1670, %gather3A_61 : vector<16xf32>
      %add3A_1672 = arith.addf %add3A_1664, %mul3A_1671 : vector<16xf32>
      %mul3A_1673 = arith.constant 8 : i32
      %mul3A_1674 = arith.muli %add3A_381, %mul3A_1673 : i32
      %add3A_1675 = arith.constant 6 : i32
      %add3A_1676 = arith.addi %mul3A_1674, %add3A_1675 : i32
      %mul3A_1677 = arith.constant 16 : i32
      %mul3A_1678 = arith.muli %add3A_1676, %mul3A_1677 : i32
      %swap3A_1679 = arith.index_cast %mul3A_1678 : i32 to index
      %swap3A_1680 = tpu.vector_load %arg13[%swap3A_1679] {strides = array<i32>} : memref<4096xf32, #tpu.memory_space<vmem>>, vector<16xf32>,
      tpu.vector_store %arg13[%swap3A_1679], %add3A_1672 {strides = array<i32>} : memref<4096xf32, #tpu.memory_space<vmem>>, vector<16xf32>,
      %lt3A_1681 = arith.constant 31 : i32
      %lt3A_1682 = arith.cmpi slt, %add3A_381, %lt3A_1681 : i32
      %convert_element_type3A_1683 = arith.extui %lt3A_1682 : i1 to i32
      %cond3A_1684 = arith.constant 0 : i32
      %cond3A_1685 = arith.cmpi ne, %convert_element_type3A_1683, %cond3A_1684 : i32
      scf.if %cond3A_1685 {
        %add3A_1808 = arith.constant 1 : i32
        %add3A_1809 = arith.addi %add3A_381, %add3A_1808 : i32
        %mul3A_1810 = arith.constant 16 : i32
        %mul3A_1811 = arith.muli %add3A_1809, %mul3A_1810 : i32
        %get3A_1812 = arith.index_cast %mul3A_1811 : i32 to index
        %get3A_1813 = tpu.vector_load %arg9[%get3A_1812] {strides = array<i32>} : memref<512xi32, #tpu.memory_space<vmem>>, vector<16xi32>,
        %mul3A_1814 = arith.constant 16 : i32
        %mul3A_1815 = arith.muli %add3A_1809, %mul3A_1814 : i32
        %get3A_1816 = arith.index_cast %mul3A_1815 : i32 to index
        %get3A_1817 = tpu.vector_load %arg10[%get3A_1816] {strides = array<i32>} : memref<512xi32, #tpu.memory_space<vmem>>, vector<16xi32>,
        %shift_right_arithmetic3A_1818 = arith.constant 7 : i32
        %shift_right_arithmetic3A_1819 = vector.broadcast %shift_right_arithmetic3A_1818 : i32 to vector<16xi32>
        %shift_right_arithmetic3A_1820 = arith.shrsi %get3A_1813, %shift_right_arithmetic3A_1819 : vector<16xi32>
        %shift_left3A_1821 = arith.constant 7 : i32
        %shift_left3A_1822 = vector.broadcast %shift_left3A_1821 : i32 to vector<16xi32>
        %shift_left3A_1823 = arith.shli %shift_right_arithmetic3A_1820, %shift_left3A_1822 : vector<16xi32>
        %shift_right_arithmetic3A_1824 = arith.constant 7 : i32
        %shift_right_arithmetic3A_1825 = vector.broadcast %shift_right_arithmetic3A_1824 : i32 to vector<16xi32>
        %shift_right_arithmetic3A_1826 = arith.shrsi %get3A_1817, %shift_right_arithmetic3A_1825 : vector<16xi32>
        %shift_left3A_1827 = arith.constant 7 : i32
        %shift_left3A_1828 = vector.broadcast %shift_left3A_1827 : i32 to vector<16xi32>
        %shift_left3A_1829 = arith.shli %shift_right_arithmetic3A_1826, %shift_left3A_1828 : vector<16xi32>
        %slice3A_1830 = vector.extract_strided_slice %shift_left3A_1823 {offsets = [4], sizes = [1], strides = [1]} : vector<16xi32> to vector<1xi32>
        %squeeze3A_1831 = vector.extract %slice3A_1830[0] : i32 from vector<1xi32>
        %multiple_of3A_1832 = tpu.assume_multiple %squeeze3A_1831, 128 : i32
        %slice3A_1833 = vector.extract_strided_slice %shift_left3A_1829 {offsets = [4], sizes = [1], strides = [1]} : vector<16xi32> to vector<1xi32>
        %squeeze3A_1834 = vector.extract %slice3A_1833[0] : i32 from vector<1xi32>
        %multiple_of3A_1835 = tpu.assume_multiple %squeeze3A_1834, 128 : i32
        %dma_start3A_1836 = arith.constant 2 : i32
        %dma_start3A_1837 = arith.constant 0 : i32
        %dma_start3A_1838 = arith.constant 0 : i32
        %dma_start3A_1839 = arith.constant 0 : i32
        %dma_start3A_1840 = tpu.memref_slice %arg11[%dma_start3A_1836, %dma_start3A_1837, %dma_start3A_1838, %dma_start3A_1839] : memref<4x2x32x128xf32, #tpu.memory_space<vmem>> -> memref<1x1x32x128xf32, #tpu.memory_space<vmem>>
        %dma_start3A_1841 = tpu.memref_squeeze %dma_start3A_1840 : memref<1x1x32x128xf32, #tpu.memory_space<vmem>> -> memref<32x128xf32, #tpu.memory_space<vmem>>
        %dma_start3A_1842 = arith.constant 0 : i32
        %dma_start3A_1843 = tpu.memref_slice %arg4[%dma_start3A_1842, %multiple_of3A_1832] : memref<32x1000000xf32, #tpu.memory_space<hbm>> -> memref<32x128xf32, #tpu.memory_space<hbm>>
        %dma_start3A_1844 = arith.constant 0 : i32
        %dma_start3A_1845 = arith.constant 0 : i32
        %dma_start3A_1846 = tpu.memref_slice %arg11[%dma_start3A_1836, %dma_start3A_1837, %dma_start3A_1844, %dma_start3A_1845] : memref<4x2x32x128xf32, #tpu.memory_space<vmem>> -> memref<1x1x32x128xf32, #tpu.memory_space<vmem>>
        %dma_start3A_1847 = tpu.memref_squeeze %dma_start3A_1846 : memref<1x1x32x128xf32, #tpu.memory_space<vmem>> -> memref<32x128xf32, #tpu.memory_space<vmem>>
        %dma_start3A_1848 = arith.constant 0 : i32
        %dma_start3A_1849 = tpu.memref_slice %arg4[%dma_start3A_1848, %multiple_of3A_1832] : memref<32x1000000xf32, #tpu.memory_space<hbm>> -> memref<32x128xf32, #tpu.memory_space<hbm>>
        tpu.enqueue_dma source(%dma_start3A_1849 : memref<32x128xf32, #tpu.memory_space<hbm>>) target(%dma_start3A_1847 : memref<32x128xf32, #tpu.memory_space<vmem>>) target_semaphore(%arg19 : memref<!tpu.dma_semaphore, #tpu.memory_space<semaphore_mem>>)
        %dma_start3A_1850 = arith.constant 2 : i32
        %dma_start3A_1851 = arith.constant 0 : i32
        %dma_start3A_1852 = arith.constant 0 : i32
        %dma_start3A_1853 = arith.constant 0 : i32
        %dma_start3A_1854 = tpu.memref_slice %arg12[%dma_start3A_1850, %dma_start3A_1851, %dma_start3A_1852, %dma_start3A_1853] : memref<4x2x32x128xf32, #tpu.memory_space<vmem>> -> memref<1x1x32x128xf32, #tpu.memory_space<vmem>>
        %dma_start3A_1855 = tpu.memref_squeeze %dma_start3A_1854 : memref<1x1x32x128xf32, #tpu.memory_space<vmem>> -> memref<32x128xf32, #tpu.memory_space<vmem>>
        %dma_start3A_1856 = arith.constant 0 : i32
        %dma_start3A_1857 = tpu.memref_slice %arg5[%dma_start3A_1856, %multiple_of3A_1835] : memref<32x1000000xf32, #tpu.memory_space<hbm>> -> memref<32x128xf32, #tpu.memory_space<hbm>>
        %dma_start3A_1858 = arith.constant 0 : i32
        %dma_start3A_1859 = arith.constant 0 : i32
        %dma_start3A_1860 = tpu.memref_slice %arg12[%dma_start3A_1850, %dma_start3A_1851, %dma_start3A_1858, %dma_start3A_1859] : memref<4x2x32x128xf32, #tpu.memory_space<vmem>> -> memref<1x1x32x128xf32, #tpu.memory_space<vmem>>
        %dma_start3A_1861 = tpu.memref_squeeze %dma_start3A_1860 : memref<1x1x32x128xf32, #tpu.memory_space<vmem>> -> memref<32x128xf32, #tpu.memory_space<vmem>>
        %dma_start3A_1862 = arith.constant 0 : i32
        %dma_start3A_1863 = tpu.memref_slice %arg5[%dma_start3A_1862, %multiple_of3A_1835] : memref<32x1000000xf32, #tpu.memory_space<hbm>> -> memref<32x128xf32, #tpu.memory_space<hbm>>
        tpu.enqueue_dma source(%dma_start3A_1863 : memref<32x128xf32, #tpu.memory_space<hbm>>) target(%dma_start3A_1861 : memref<32x128xf32, #tpu.memory_space<vmem>>) target_semaphore(%arg23 : memref<!tpu.dma_semaphore, #tpu.memory_space<semaphore_mem>>)
        %slice3A_1864 = vector.extract_strided_slice %shift_left3A_1823 {offsets = [5], sizes = [1], strides = [1]} : vector<16xi32> to vector<1xi32>
        %squeeze3A_1865 = vector.extract %slice3A_1864[0] : i32 from vector<1xi32>
        %multiple_of3A_1866 = tpu.assume_multiple %squeeze3A_1865, 128 : i32
        %slice3A_1867 = vector.extract_strided_slice %shift_left3A_1829 {offsets = [5], sizes = [1], strides = [1]} : vector<16xi32> to vector<1xi32>
        %squeeze3A_1868 = vector.extract %slice3A_1867[0] : i32 from vector<1xi32>
        %multiple_of3A_1869 = tpu.assume_multiple %squeeze3A_1868, 128 : i32
        %dma_start3A_1870 = arith.constant 2 : i32
        %dma_start3A_1871 = arith.constant 1 : i32
        %dma_start3A_1872 = arith.constant 0 : i32
        %dma_start3A_1873 = arith.constant 0 : i32
        %dma_start3A_1874 = tpu.memref_slice %arg11[%dma_start3A_1870, %dma_start3A_1871, %dma_start3A_1872, %dma_start3A_1873] : memref<4x2x32x128xf32, #tpu.memory_space<vmem>> -> memref<1x1x32x128xf32, #tpu.memory_space<vmem>>
        %dma_start3A_1875 = tpu.memref_squeeze %dma_start3A_1874 : memref<1x1x32x128xf32, #tpu.memory_space<vmem>> -> memref<32x128xf32, #tpu.memory_space<vmem>>
        %dma_start3A_1876 = arith.constant 0 : i32
        %dma_start3A_1877 = tpu.memref_slice %arg4[%dma_start3A_1876, %multiple_of3A_1866] : memref<32x1000000xf32, #tpu.memory_space<hbm>> -> memref<32x128xf32, #tpu.memory_space<hbm>>
        %dma_start3A_1878 = arith.constant 0 : i32
        %dma_start3A_1879 = arith.constant 0 : i32
        %dma_start3A_1880 = tpu.memref_slice %arg11[%dma_start3A_1870, %dma_start3A_1871, %dma_start3A_1878, %dma_start3A_1879] : memref<4x2x32x128xf32, #tpu.memory_space<vmem>> -> memref<1x1x32x128xf32, #tpu.memory_space<vmem>>
        %dma_start3A_1881 = tpu.memref_squeeze %dma_start3A_1880 : memref<1x1x32x128xf32, #tpu.memory_space<vmem>> -> memref<32x128xf32, #tpu.memory_space<vmem>>
        %dma_start3A_1882 = arith.constant 0 : i32
        %dma_start3A_1883 = tpu.memref_slice %arg4[%dma_start3A_1882, %multiple_of3A_1866] : memref<32x1000000xf32, #tpu.memory_space<hbm>> -> memref<32x128xf32, #tpu.memory_space<hbm>>
        tpu.enqueue_dma source(%dma_start3A_1883 : memref<32x128xf32, #tpu.memory_space<hbm>>) target(%dma_start3A_1881 : memref<32x128xf32, #tpu.memory_space<vmem>>) target_semaphore(%arg19 : memref<!tpu.dma_semaphore, #tpu.memory_space<semaphore_mem>>)
        %dma_start3A_1884 = arith.constant 2 : i32
        %dma_start3A_1885 = arith.constant 1 : i32
        %dma_start3A_1886 = arith.constant 0 : i32
        %dma_start3A_1887 = arith.constant 0 : i32
        %dma_start3A_1888 = tpu.memref_slice %arg12[%dma_start3A_1884, %dma_start3A_1885, %dma_start3A_1886, %dma_start3A_1887] : memref<4x2x32x128xf32, #tpu.memory_space<vmem>> -> memref<1x1x32x128xf32, #tpu.memory_space<vmem>>
        %dma_start3A_1889 = tpu.memref_squeeze %dma_start3A_1888 : memref<1x1x32x128xf32, #tpu.memory_space<vmem>> -> memref<32x128xf32, #tpu.memory_space<vmem>>
        %dma_start3A_1890 = arith.constant 0 : i32
        %dma_start3A_1891 = tpu.memref_slice %arg5[%dma_start3A_1890, %multiple_of3A_1869] : memref<32x1000000xf32, #tpu.memory_space<hbm>> -> memref<32x128xf32, #tpu.memory_space<hbm>>
        %dma_start3A_1892 = arith.constant 0 : i32
        %dma_start3A_1893 = arith.constant 0 : i32
        %dma_start3A_1894 = tpu.memref_slice %arg12[%dma_start3A_1884, %dma_start3A_1885, %dma_start3A_1892, %dma_start3A_1893] : memref<4x2x32x128xf32, #tpu.memory_space<vmem>> -> memref<1x1x32x128xf32, #tpu.memory_space<vmem>>
        %dma_start3A_1895 = tpu.memref_squeeze %dma_start3A_1894 : memref<1x1x32x128xf32, #tpu.memory_space<vmem>> -> memref<32x128xf32, #tpu.memory_space<vmem>>
        %dma_start3A_1896 = arith.constant 0 : i32
        %dma_start3A_1897 = tpu.memref_slice %arg5[%dma_start3A_1896, %multiple_of3A_1869] : memref<32x1000000xf32, #tpu.memory_space<hbm>> -> memref<32x128xf32, #tpu.memory_space<hbm>>
        tpu.enqueue_dma source(%dma_start3A_1897 : memref<32x128xf32, #tpu.memory_space<hbm>>) target(%dma_start3A_1895 : memref<32x128xf32, #tpu.memory_space<vmem>>) target_semaphore(%arg23 : memref<!tpu.dma_semaphore, #tpu.memory_space<semaphore_mem>>)
      } else {
      }
      %dma_wait3A_1686 = arith.constant 3 : i32
      %dma_wait3A_1687 = arith.constant 0 : i32
      %dma_wait3A_1688 = arith.constant 0 : i32
      %dma_wait3A_1689 = arith.constant 0 : i32
      %dma_wait3A_1690 = tpu.memref_slice %arg11[%dma_wait3A_1686, %dma_wait3A_1687, %dma_wait3A_1688, %dma_wait3A_1689] : memref<4x2x32x128xf32, #tpu.memory_space<vmem>> -> memref<1x1x32x128xf32, #tpu.memory_space<vmem>>
      %dma_wait3A_1691 = tpu.memref_squeeze %dma_wait3A_1690 : memref<1x1x32x128xf32, #tpu.memory_space<vmem>> -> memref<32x128xf32, #tpu.memory_space<vmem>>
      %dma_wait3A_1692 = arith.constant 0 : i32
      %dma_wait3A_1693 = arith.constant 0 : i32
      %dma_wait3A_1694 = tpu.memref_slice %arg4[%dma_wait3A_1692, %dma_wait3A_1693] : memref<32x1000000xf32, #tpu.memory_space<hbm>> -> memref<32x128xf32, #tpu.memory_space<hbm>>
      %dma_wait3A_1695 = arith.constant 0 : i32
      %dma_wait3A_1696 = arith.constant 0 : i32
      %dma_wait3A_1697 = tpu.memref_slice %arg11[%dma_wait3A_1686, %dma_wait3A_1687, %dma_wait3A_1695, %dma_wait3A_1696] : memref<4x2x32x128xf32, #tpu.memory_space<vmem>> -> memref<1x1x32x128xf32, #tpu.memory_space<vmem>>
      %dma_wait3A_1698 = tpu.memref_squeeze %dma_wait3A_1697 : memref<1x1x32x128xf32, #tpu.memory_space<vmem>> -> memref<32x128xf32, #tpu.memory_space<vmem>>
      %dma_wait3A_1699 = arith.constant 0 : i32
      %dma_wait3A_1700 = arith.constant 0 : i32
      %dma_wait3A_1701 = tpu.memref_slice %arg4[%dma_wait3A_1699, %dma_wait3A_1700] : memref<32x1000000xf32, #tpu.memory_space<hbm>> -> memref<32x128xf32, #tpu.memory_space<hbm>>
      tpu.wait_dma2 semaphore(%arg20 : memref<!tpu.dma_semaphore, #tpu.memory_space<semaphore_mem>>) src(%dma_wait3A_1701 : memref<32x128xf32, #tpu.memory_space<hbm>>) dst(%dma_wait3A_1698 : memref<32x128xf32, #tpu.memory_space<vmem>>)
      %dma_wait3A_1702 = arith.constant 3 : i32
      %dma_wait3A_1703 = arith.constant 0 : i32
      %dma_wait3A_1704 = arith.constant 0 : i32
      %dma_wait3A_1705 = arith.constant 0 : i32
      %dma_wait3A_1706 = tpu.memref_slice %arg12[%dma_wait3A_1702, %dma_wait3A_1703, %dma_wait3A_1704, %dma_wait3A_1705] : memref<4x2x32x128xf32, #tpu.memory_space<vmem>> -> memref<1x1x32x128xf32, #tpu.memory_space<vmem>>
      %dma_wait3A_1707 = tpu.memref_squeeze %dma_wait3A_1706 : memref<1x1x32x128xf32, #tpu.memory_space<vmem>> -> memref<32x128xf32, #tpu.memory_space<vmem>>
      %dma_wait3A_1708 = arith.constant 0 : i32
      %dma_wait3A_1709 = arith.constant 0 : i32
      %dma_wait3A_1710 = tpu.memref_slice %arg5[%dma_wait3A_1708, %dma_wait3A_1709] : memref<32x1000000xf32, #tpu.memory_space<hbm>> -> memref<32x128xf32, #tpu.memory_space<hbm>>
      %dma_wait3A_1711 = arith.constant 0 : i32
      %dma_wait3A_1712 = arith.constant 0 : i32
      %dma_wait3A_1713 = tpu.memref_slice %arg12[%dma_wait3A_1702, %dma_wait3A_1703, %dma_wait3A_1711, %dma_wait3A_1712] : memref<4x2x32x128xf32, #tpu.memory_space<vmem>> -> memref<1x1x32x128xf32, #tpu.memory_space<vmem>>
      %dma_wait3A_1714 = tpu.memref_squeeze %dma_wait3A_1713 : memref<1x1x32x128xf32, #tpu.memory_space<vmem>> -> memref<32x128xf32, #tpu.memory_space<vmem>>
      %dma_wait3A_1715 = arith.constant 0 : i32
      %dma_wait3A_1716 = arith.constant 0 : i32
      %dma_wait3A_1717 = tpu.memref_slice %arg5[%dma_wait3A_1715, %dma_wait3A_1716] : memref<32x1000000xf32, #tpu.memory_space<hbm>> -> memref<32x128xf32, #tpu.memory_space<hbm>>
      tpu.wait_dma2 semaphore(%arg24 : memref<!tpu.dma_semaphore, #tpu.memory_space<semaphore_mem>>) src(%dma_wait3A_1717 : memref<32x128xf32, #tpu.memory_space<hbm>>) dst(%dma_wait3A_1714 : memref<32x128xf32, #tpu.memory_space<vmem>>)
      %dma_wait3A_1718 = arith.constant 3 : i32
      %dma_wait3A_1719 = arith.constant 1 : i32
      %dma_wait3A_1720 = arith.constant 0 : i32
      %dma_wait3A_1721 = arith.constant 0 : i32
      %dma_wait3A_1722 = tpu.memref_slice %arg11[%dma_wait3A_1718, %dma_wait3A_1719, %dma_wait3A_1720, %dma_wait3A_1721] : memref<4x2x32x128xf32, #tpu.memory_space<vmem>> -> memref<1x1x32x128xf32, #tpu.memory_space<vmem>>
      %dma_wait3A_1723 = tpu.memref_squeeze %dma_wait3A_1722 : memref<1x1x32x128xf32, #tpu.memory_space<vmem>> -> memref<32x128xf32, #tpu.memory_space<vmem>>
      %dma_wait3A_1724 = arith.constant 0 : i32
      %dma_wait3A_1725 = arith.constant 0 : i32
      %dma_wait3A_1726 = tpu.memref_slice %arg4[%dma_wait3A_1724, %dma_wait3A_1725] : memref<32x1000000xf32, #tpu.memory_space<hbm>> -> memref<32x128xf32, #tpu.memory_space<hbm>>
      %dma_wait3A_1727 = arith.constant 0 : i32
      %dma_wait3A_1728 = arith.constant 0 : i32
      %dma_wait3A_1729 = tpu.memref_slice %arg11[%dma_wait3A_1718, %dma_wait3A_1719, %dma_wait3A_1727, %dma_wait3A_1728] : memref<4x2x32x128xf32, #tpu.memory_space<vmem>> -> memref<1x1x32x128xf32, #tpu.memory_space<vmem>>
      %dma_wait3A_1730 = tpu.memref_squeeze %dma_wait3A_1729 : memref<1x1x32x128xf32, #tpu.memory_space<vmem>> -> memref<32x128xf32, #tpu.memory_space<vmem>>
      %dma_wait3A_1731 = arith.constant 0 : i32
      %dma_wait3A_1732 = arith.constant 0 : i32
      %dma_wait3A_1733 = tpu.memref_slice %arg4[%dma_wait3A_1731, %dma_wait3A_1732] : memref<32x1000000xf32, #tpu.memory_space<hbm>> -> memref<32x128xf32, #tpu.memory_space<hbm>>
      tpu.wait_dma2 semaphore(%arg20 : memref<!tpu.dma_semaphore, #tpu.memory_space<semaphore_mem>>) src(%dma_wait3A_1733 : memref<32x128xf32, #tpu.memory_space<hbm>>) dst(%dma_wait3A_1730 : memref<32x128xf32, #tpu.memory_space<vmem>>)
      %dma_wait3A_1734 = arith.constant 3 : i32
      %dma_wait3A_1735 = arith.constant 1 : i32
      %dma_wait3A_1736 = arith.constant 0 : i32
      %dma_wait3A_1737 = arith.constant 0 : i32
      %dma_wait3A_1738 = tpu.memref_slice %arg12[%dma_wait3A_1734, %dma_wait3A_1735, %dma_wait3A_1736, %dma_wait3A_1737] : memref<4x2x32x128xf32, #tpu.memory_space<vmem>> -> memref<1x1x32x128xf32, #tpu.memory_space<vmem>>
      %dma_wait3A_1739 = tpu.memref_squeeze %dma_wait3A_1738 : memref<1x1x32x128xf32, #tpu.memory_space<vmem>> -> memref<32x128xf32, #tpu.memory_space<vmem>>
      %dma_wait3A_1740 = arith.constant 0 : i32
      %dma_wait3A_1741 = arith.constant 0 : i32
      %dma_wait3A_1742 = tpu.memref_slice %arg5[%dma_wait3A_1740, %dma_wait3A_1741] : memref<32x1000000xf32, #tpu.memory_space<hbm>> -> memref<32x128xf32, #tpu.memory_space<hbm>>
      %dma_wait3A_1743 = arith.constant 0 : i32
      %dma_wait3A_1744 = arith.constant 0 : i32
      %dma_wait3A_1745 = tpu.memref_slice %arg12[%dma_wait3A_1734, %dma_wait3A_1735, %dma_wait3A_1743, %dma_wait3A_1744] : memref<4x2x32x128xf32, #tpu.memory_space<vmem>> -> memref<1x1x32x128xf32, #tpu.memory_space<vmem>>
      %dma_wait3A_1746 = tpu.memref_squeeze %dma_wait3A_1745 : memref<1x1x32x128xf32, #tpu.memory_space<vmem>> -> memref<32x128xf32, #tpu.memory_space<vmem>>
      %dma_wait3A_1747 = arith.constant 0 : i32
      %dma_wait3A_1748 = arith.constant 0 : i32
      %dma_wait3A_1749 = tpu.memref_slice %arg5[%dma_wait3A_1747, %dma_wait3A_1748] : memref<32x1000000xf32, #tpu.memory_space<hbm>> -> memref<32x128xf32, #tpu.memory_space<hbm>>
      tpu.wait_dma2 semaphore(%arg24 : memref<!tpu.dma_semaphore, #tpu.memory_space<semaphore_mem>>) src(%dma_wait3A_1749 : memref<32x128xf32, #tpu.memory_space<hbm>>) dst(%dma_wait3A_1746 : memref<32x128xf32, #tpu.memory_space<vmem>>)
      %mul3A_1750 = arith.constant 16 : i32
      %mul3A_1751 = arith.muli %add3A_381, %mul3A_1750 : i32
      %add3A_1752 = arith.constant 14 : i32
      %add3A_1753 = arith.addi %mul3A_1751, %add3A_1752 : i32
      %add3A_1754 = vector.broadcast %add3A_1753 : i32 to vector<16xi32>
      %add3A_1755 = arith.addi %add3A_1754, %select_n3A : vector<16xi32>
      %gather3A_1756 = tpu.vector_load_idx %arg9[%add3A_1755] : memref<512xi32, #tpu.memory_space<vmem>>[vector<16xi32>], vector<16xi32>,
      %and3A_1757 = arith.constant 127 : i32
      %and3A_1758 = vector.broadcast %and3A_1757 : i32 to vector<16xi32>
      %and3A_1759 = arith.andi %gather3A_1756, %and3A_1758 : vector<16xi32>
      %gather3A_1760 = tpu.vector_load_idx %arg10[%add3A_1755] : memref<512xi32, #tpu.memory_space<vmem>>[vector<16xi32>], vector<16xi32>,
      %and3A_1761 = arith.constant 127 : i32
      %and3A_1762 = vector.broadcast %and3A_1761 : i32 to vector<16xi32>
      %and3A_1763 = arith.andi %gather3A_1760, %and3A_1762 : vector<16xi32>
      %broadcast_in_dim3A_1764 = arith.constant 3 : i32
      %broadcast_in_dim3A_1765 = vector.broadcast %broadcast_in_dim3A_1764 : i32 to vector<16xi32>
      %broadcast_in_dim3A_1766 = arith.constant 0.000000e+00 : f32
      %broadcast_in_dim3A_1767 = vector.broadcast %broadcast_in_dim3A_1766 : f32 to vector<16xf32>
      %add3A_1768 = arith.constant 0 : i32
      %add3A_1769 = vector.broadcast %add3A_1768 : i32 to vector<16xi32>
      %add3A_1770 = arith.addi %select_n3A_45, %add3A_1769 : vector<16xi32>
      %gather3A_1771 = tpu.vector_load_idx %arg11[%broadcast_in_dim3A_1765, %select_n3A, %add3A_1770, %and3A_1759] : memref<4x2x32x128xf32, #tpu.memory_space<vmem>>[vector<16xi32>, vector<16xi32>, vector<16xi32>, vector<16xi32>], vector<16xf32>,
      %gather3A_1772 = tpu.vector_load_idx %arg12[%broadcast_in_dim3A_1765, %select_n3A, %add3A_1770, %and3A_1763] : memref<4x2x32x128xf32, #tpu.memory_space<vmem>>[vector<16xi32>, vector<16xi32>, vector<16xi32>, vector<16xi32>], vector<16xf32>,
      %mul3A_1773 = arith.mulf %gather3A_1771, %gather3A_1772 : vector<16xf32>
      %mul3A_1774 = arith.mulf %mul3A_1773, %gather3A : vector<16xf32>
      %add3A_1775 = arith.addf %broadcast_in_dim3A_1767, %mul3A_1774 : vector<16xf32>
      %add3A_1776 = arith.constant 8 : i32
      %add3A_1777 = vector.broadcast %add3A_1776 : i32 to vector<16xi32>
      %add3A_1778 = arith.addi %select_n3A_45, %add3A_1777 : vector<16xi32>
      %gather3A_1779 = tpu.vector_load_idx %arg11[%broadcast_in_dim3A_1765, %select_n3A, %add3A_1778, %and3A_1759] : memref<4x2x32x128xf32, #tpu.memory_space<vmem>>[vector<16xi32>, vector<16xi32>, vector<16xi32>, vector<16xi32>], vector<16xf32>,
      %gather3A_1780 = tpu.vector_load_idx %arg12[%broadcast_in_dim3A_1765, %select_n3A, %add3A_1778, %and3A_1763] : memref<4x2x32x128xf32, #tpu.memory_space<vmem>>[vector<16xi32>, vector<16xi32>, vector<16xi32>, vector<16xi32>], vector<16xf32>,
      %mul3A_1781 = arith.mulf %gather3A_1779, %gather3A_1780 : vector<16xf32>
      %mul3A_1782 = arith.mulf %mul3A_1781, %gather3A_53 : vector<16xf32>
      %add3A_1783 = arith.addf %add3A_1775, %mul3A_1782 : vector<16xf32>
      %add3A_1784 = arith.constant 16 : i32
      %add3A_1785 = vector.broadcast %add3A_1784 : i32 to vector<16xi32>
      %add3A_1786 = arith.addi %select_n3A_45, %add3A_1785 : vector<16xi32>
      %gather3A_1787 = tpu.vector_load_idx %arg11[%broadcast_in_dim3A_1765, %select_n3A, %add3A_1786, %and3A_1759] : memref<4x2x32x128xf32, #tpu.memory_space<vmem>>[vector<16xi32>, vector<16xi32>, vector<16xi32>, vector<16xi32>], vector<16xf32>,
      %gather3A_1788 = tpu.vector_load_idx %arg12[%broadcast_in_dim3A_1765, %select_n3A, %add3A_1786, %and3A_1763] : memref<4x2x32x128xf32, #tpu.memory_space<vmem>>[vector<16xi32>, vector<16xi32>, vector<16xi32>, vector<16xi32>], vector<16xf32>,
      %mul3A_1789 = arith.mulf %gather3A_1787, %gather3A_1788 : vector<16xf32>
      %mul3A_1790 = arith.mulf %mul3A_1789, %gather3A_57 : vector<16xf32>
      %add3A_1791 = arith.addf %add3A_1783, %mul3A_1790 : vector<16xf32>
      %add3A_1792 = arith.constant 24 : i32
      %add3A_1793 = vector.broadcast %add3A_1792 : i32 to vector<16xi32>
      %add3A_1794 = arith.addi %select_n3A_45, %add3A_1793 : vector<16xi32>
      %gather3A_1795 = tpu.vector_load_idx %arg11[%broadcast_in_dim3A_1765, %select_n3A, %add3A_1794, %and3A_1759] : memref<4x2x32x128xf32, #tpu.memory_space<vmem>>[vector<16xi32>, vector<16xi32>, vector<16xi32>, vector<16xi32>], vector<16xf32>,
      %gather3A_1796 = tpu.vector_load_idx %arg12[%broadcast_in_dim3A_1765, %select_n3A, %add3A_1794, %and3A_1763] : memref<4x2x32x128xf32, #tpu.memory_space<vmem>>[vector<16xi32>, vector<16xi32>, vector<16xi32>, vector<16xi32>], vector<16xf32>,
      %mul3A_1797 = arith.mulf %gather3A_1795, %gather3A_1796 : vector<16xf32>
      %mul3A_1798 = arith.mulf %mul3A_1797, %gather3A_61 : vector<16xf32>
      %add3A_1799 = arith.addf %add3A_1791, %mul3A_1798 : vector<16xf32>
      %mul3A_1800 = arith.constant 8 : i32
      %mul3A_1801 = arith.muli %add3A_381, %mul3A_1800 : i32
      %add3A_1802 = arith.constant 7 : i32
      %add3A_1803 = arith.addi %mul3A_1801, %add3A_1802 : i32
      %mul3A_1804 = arith.constant 16 : i32
      %mul3A_1805 = arith.muli %add3A_1803, %mul3A_1804 : i32
      %swap3A_1806 = arith.index_cast %mul3A_1805 : i32 to index
      %swap3A_1807 = tpu.vector_load %arg13[%swap3A_1806] {strides = array<i32>} : memref<4096xf32, #tpu.memory_space<vmem>>, vector<16xf32>,
      tpu.vector_store %arg13[%swap3A_1806], %add3A_1799 {strides = array<i32>} : memref<4096xf32, #tpu.memory_space<vmem>>, vector<16xf32>,
    }
    %scan3A_311 = arith.constant 32 : i32
    %jit3A_312 = arith.constant 2 : i32
    %div3A_313 = vector.broadcast %jit3A_312 : i32 to vector<16xi32>
    %div3A_314 = arith.divsi %iota3A, %div3A_313 : vector<16xi32>
    %sign3A_315 = arith.constant 0 : i32
    %sign3A_316 = vector.broadcast %sign3A_315 : i32 to vector<16xi32>
    %sign3A_317 = arith.cmpi sgt, %iota3A, %sign3A_316 : vector<16xi32>
    %sign3A_318 = arith.extui %sign3A_317 : vector<16xi1> to vector<16xi32>
    %sign3A_319 = arith.constant 0 : i32
    %sign3A_320 = vector.broadcast %sign3A_319 : i32 to vector<16xi32>
    %sign3A_321 = arith.cmpi slt, %iota3A, %sign3A_320 : vector<16xi32>
    %sign3A_322 = arith.extui %sign3A_321 : vector<16xi1> to vector<16xi32>
    %sign3A_323 = arith.subi %sign3A_318, %sign3A_322 : vector<16xi32>
    %sign3A_324 = arith.constant 0 : i32
    %sign3A_325 = arith.cmpi sgt, %jit3A_312, %sign3A_324 : i32
    %sign3A_326 = arith.extui %sign3A_325 : i1 to i32
    %sign3A_327 = arith.constant 0 : i32
    %sign3A_328 = arith.cmpi slt, %jit3A_312, %sign3A_327 : i32
    %sign3A_329 = arith.extui %sign3A_328 : i1 to i32
    %sign3A_330 = arith.subi %sign3A_326, %sign3A_329 : i32
    %ne3A_331 = vector.broadcast %sign3A_330 : i32 to vector<16xi32>
    %ne3A_332 = arith.cmpi ne, %sign3A_323, %ne3A_331 : vector<16xi32>
    %rem3A_333 = vector.broadcast %jit3A_312 : i32 to vector<16xi32>
    %rem3A_334 = arith.remsi %iota3A, %rem3A_333 : vector<16xi32>
    %ne3A_335 = arith.constant 0 : i32
    %ne3A_336 = vector.broadcast %ne3A_335 : i32 to vector<16xi32>
    %ne3A_337 = arith.cmpi ne, %rem3A_334, %ne3A_336 : vector<16xi32>
    %and3A_338 = arith.andi %ne3A_332, %ne3A_337 : vector<16xi1>
    %sub3A_339 = arith.constant 1 : i32
    %sub3A_340 = vector.broadcast %sub3A_339 : i32 to vector<16xi32>
    %sub3A_341 = arith.subi %div3A_314, %sub3A_340 : vector<16xi32>
    %select_n3A_342 = arith.select %and3A_338, %sub3A_341, %div3A_314 : vector<16xi1>, vector<16xi32>
    %mul3A_343 = arith.constant 16 : i32
    %mul3A_344 = vector.broadcast %mul3A_343 : i32 to vector<16xi32>
    %mul3A_345 = arith.muli %select_n3A_342, %mul3A_344 : vector<16xi32>
    %jit3A_346 = arith.constant 2 : i32
    %eq3A_347 = arith.constant 0 : i32
    %eq3A_348 = arith.cmpi eq, %jit3A_346, %eq3A_347 : i32
    %jit3A_349 = arith.constant 1 : i32
    %select_n3A_350 = arith.select %eq3A_348, %jit3A_349, %jit3A_346 : i32
    %rem3A_351 = vector.broadcast %select_n3A_350 : i32 to vector<16xi32>
    %rem3A_352 = arith.remsi %iota3A, %rem3A_351 : vector<16xi32>
    %ne3A_353 = arith.constant 0 : i32
    %ne3A_354 = vector.broadcast %ne3A_353 : i32 to vector<16xi32>
    %ne3A_355 = arith.cmpi ne, %rem3A_352, %ne3A_354 : vector<16xi32>
    %lt3A_356 = arith.constant 0 : i32
    %lt3A_357 = vector.broadcast %lt3A_356 : i32 to vector<16xi32>
    %lt3A_358 = arith.cmpi slt, %rem3A_352, %lt3A_357 : vector<16xi32>
    %lt3A_359 = arith.constant 0 : i32
    %lt3A_360 = arith.cmpi slt, %select_n3A_350, %lt3A_359 : i32
    %ne3A_361 = vector.broadcast %lt3A_360 : i1 to vector<16xi1>
    %ne3A_362 = vector.broadcast %ne3A_361 : vector<16xi1> to vector<16xi1>
    %ne3A_363 = arith.xori %lt3A_358, %ne3A_362 : vector<16xi1>
    %and3A_364 = arith.andi %ne3A_363, %ne3A_355 : vector<16xi1>
    %add3A_365 = vector.broadcast %select_n3A_350 : i32 to vector<16xi32>
    %add3A_366 = arith.addi %rem3A_352, %add3A_365 : vector<16xi32>
    %select_n3A_367 = arith.select %and3A_364, %add3A_366, %rem3A_352 : vector<16xi1>, vector<16xi32>
    %mul3A_368 = arith.constant 8 : i32
    %mul3A_369 = vector.broadcast %mul3A_368 : i32 to vector<16xi32>
    %mul3A_370 = arith.muli %select_n3A_367, %mul3A_369 : vector<16xi32>
    %add3A_371 = arith.addi %mul3A_345, %mul3A_370 : vector<16xi32>
    %scan3A_372 = arith.constant 0 : i32
    %scan3A_373 = arith.constant 32 : i32
    %scan3A_374 = arith.addi %scan3A_372, %scan3A_373 : i32
    %scan3A_375 = arith.constant 1 : i32
    scf.for %scan3A_377 = %scan3A_372 to %scan3A_374 step %scan3A_375  : i32 {
      %mul3A_378 = arith.constant 1 : i32
      %mul3A_379 = arith.muli %scan3A_377, %mul3A_378 : i32
      %add3A_380 = arith.constant 0 : i32
      %add3A_381 = arith.addi %add3A_380, %mul3A_379 : i32
      %mul3A_382 = arith.constant 128 : i32
      %mul3A_383 = arith.muli %add3A_381, %mul3A_382 : i32
      %add3A_384 = vector.broadcast %mul3A_383 : i32 to vector<16xi32>
      %add3A_385 = arith.addi %add3A_384, %add3A_371 : vector<16xi32>
      %add3A_386 = arith.constant 0 : i32
      %add3A_387 = vector.broadcast %add3A_386 : i32 to vector<16xi32>
      %add3A_388 = arith.addi %add3A_385, %add3A_387 : vector<16xi32>
      %gather3A_389 = tpu.vector_load_idx %arg13[%add3A_388] : memref<4096xf32, #tpu.memory_space<vmem>>[vector<16xi32>], vector<16xf32>,
      %add3A_390 = arith.addf %get3A_46, %gather3A_389 : vector<16xf32>
      %add3A_391 = arith.constant 1 : i32
      %add3A_392 = vector.broadcast %add3A_391 : i32 to vector<16xi32>
      %add3A_393 = arith.addi %add3A_385, %add3A_392 : vector<16xi32>
      %gather3A_394 = tpu.vector_load_idx %arg13[%add3A_393] : memref<4096xf32, #tpu.memory_space<vmem>>[vector<16xi32>], vector<16xf32>,
      %add3A_395 = arith.addf %add3A_390, %gather3A_394 : vector<16xf32>
      %add3A_396 = arith.constant 2 : i32
      %add3A_397 = vector.broadcast %add3A_396 : i32 to vector<16xi32>
      %add3A_398 = arith.addi %add3A_385, %add3A_397 : vector<16xi32>
      %gather3A_399 = tpu.vector_load_idx %arg13[%add3A_398] : memref<4096xf32, #tpu.memory_space<vmem>>[vector<16xi32>], vector<16xf32>,
      %add3A_400 = arith.addf %add3A_395, %gather3A_399 : vector<16xf32>
      %add3A_401 = arith.constant 3 : i32
      %add3A_402 = vector.broadcast %add3A_401 : i32 to vector<16xi32>
      %add3A_403 = arith.addi %add3A_385, %add3A_402 : vector<16xi32>
      %gather3A_404 = tpu.vector_load_idx %arg13[%add3A_403] : memref<4096xf32, #tpu.memory_space<vmem>>[vector<16xi32>], vector<16xf32>,
      %add3A_405 = arith.addf %add3A_400, %gather3A_404 : vector<16xf32>
      %add3A_406 = arith.constant 4 : i32
      %add3A_407 = vector.broadcast %add3A_406 : i32 to vector<16xi32>
      %add3A_408 = arith.addi %add3A_385, %add3A_407 : vector<16xi32>
      %gather3A_409 = tpu.vector_load_idx %arg13[%add3A_408] : memref<4096xf32, #tpu.memory_space<vmem>>[vector<16xi32>], vector<16xf32>,
      %add3A_410 = arith.addf %add3A_405, %gather3A_409 : vector<16xf32>
      %add3A_411 = arith.constant 5 : i32
      %add3A_412 = vector.broadcast %add3A_411 : i32 to vector<16xi32>
      %add3A_413 = arith.addi %add3A_385, %add3A_412 : vector<16xi32>
      %gather3A_414 = tpu.vector_load_idx %arg13[%add3A_413] : memref<4096xf32, #tpu.memory_space<vmem>>[vector<16xi32>], vector<16xf32>,
      %add3A_415 = arith.addf %add3A_410, %gather3A_414 : vector<16xf32>
      %add3A_416 = arith.constant 6 : i32
      %add3A_417 = vector.broadcast %add3A_416 : i32 to vector<16xi32>
      %add3A_418 = arith.addi %add3A_385, %add3A_417 : vector<16xi32>
      %gather3A_419 = tpu.vector_load_idx %arg13[%add3A_418] : memref<4096xf32, #tpu.memory_space<vmem>>[vector<16xi32>], vector<16xf32>,
      %add3A_420 = arith.addf %add3A_415, %gather3A_419 : vector<16xf32>
      %add3A_421 = arith.constant 7 : i32
      %add3A_422 = vector.broadcast %add3A_421 : i32 to vector<16xi32>
      %add3A_423 = arith.addi %add3A_385, %add3A_422 : vector<16xi32>
      %gather3A_424 = tpu.vector_load_idx %arg13[%add3A_423] : memref<4096xf32, #tpu.memory_space<vmem>>[vector<16xi32>], vector<16xf32>,
      %add3A_425 = arith.addf %add3A_420, %gather3A_424 : vector<16xf32>
      %mul3A_426 = arith.constant 16 : i32
      %mul3A_427 = arith.muli %add3A_381, %mul3A_426 : i32
      %swap3A = arith.index_cast %mul3A_427 : i32 to index
      %swap3A_428 = tpu.vector_load %arg14[%swap3A] {strides = array<i32>} : memref<512xf32, #tpu.memory_space<vmem>>, vector<16xf32>,
      tpu.vector_store %arg14[%swap3A], %add3A_425 {strides = array<i32>} : memref<512xf32, #tpu.memory_space<vmem>>, vector<16xf32>,
    }
    %scan3A_376 = arith.constant 32 : i32
    "tpu.region"() ({
      %run_scoped3A = tpu.sem_alloc : memref<!tpu.dma_semaphore, #tpu.memory_space<semaphore_mem>>
      %dma_start3A_377 = tpu.memref_slice %arg8[%mul3A_2] : memref<16384xf32, #tpu.memory_space<hbm>> -> memref<512xf32, #tpu.memory_space<hbm>>
      %dma_start3A_378 = tpu.memref_slice %arg8[%mul3A_2] : memref<16384xf32, #tpu.memory_space<hbm>> -> memref<512xf32, #tpu.memory_space<hbm>>
      tpu.enqueue_dma source(%arg14 : memref<512xf32, #tpu.memory_space<vmem>>) target(%dma_start3A_378 : memref<512xf32, #tpu.memory_space<hbm>>) target_semaphore(%run_scoped3A : memref<!tpu.dma_semaphore, #tpu.memory_space<semaphore_mem>>)
      %dma_wait3A = tpu.memref_slice %arg8[%mul3A_2] : memref<16384xf32, #tpu.memory_space<hbm>> -> memref<512xf32, #tpu.memory_space<hbm>>
      %dma_wait3A_379 = tpu.memref_slice %arg8[%mul3A_2] : memref<16384xf32, #tpu.memory_space<hbm>> -> memref<512xf32, #tpu.memory_space<hbm>>
      tpu.wait_dma2 semaphore(%run_scoped3A : memref<!tpu.dma_semaphore, #tpu.memory_space<semaphore_mem>>) src(%arg14 : memref<512xf32, #tpu.memory_space<vmem>>) dst(%dma_wait3A_379 : memref<512xf32, #tpu.memory_space<hbm>>)
      tpu.yield
    }) : () -> ()
    return
  }
}

</mosaic_0001>

<sc_bundles>
// kernel: kernel.3.cloned.1.call-start
scs
__scs_entry_jumppad:
0x0: {  	(pc) =	sbr.rel $0x88, $3  }
0x1: {  	(tag) =	ssettag $0x0;
	lr =	simm.s32 $0x1  }
0x2: {  	[smem:$0x3F9B] =	sst lr;
	_ =	strace $0xD0000000  }
0x3: {  	_ = 	snop  }
0x4: {  	_ = 	snop  }
0x5: {  	_ = 	snop  }
0x6: {  	_ = 	snop  }
0x7: {  	_ = 	snop  }
__scs_overlays_trampoline_lowered:
0x8: {  	[smem:$0x3FAA] =	sst s0  }
0x9: {  	[smem:$0x3FAB] =	sst s1  }
0xa: {  	[smem:$0x3FAC] =	sst s2  }
0xb: {  	[smem:$0x3FAD] =	sst s3  }
0xc: {  	[smem:$0x3FAE] =	sst s4  }
0xd: {  	[smem:$0x3FAF] =	sst s5  }
0xe: {  	[smem:$0x3FB0] =	sst s6  }
0xf: {  	[smem:$0x3FB1] =	sst s7  }
0x10: {  	[smem:$0x3FB2] =	sst s8  }
0x11: {  	[smem:$0x3FB3] =	sst s9;
	s0 =	simm.s32 @!p0 $0x0  }
0x12: {  	s1 =	sld [smem:$0x3F99];
	s0 =	simm.s32 @p0 $0x1  }
0x13: {  	[smem:$0x3FB4] =	sst s0;
	s0 =	simm.s32 @!p1 $0x0  }
0x14: {  	s2 =	sld [smem:$0x3F98];
	s0 =	simm.s32 @p1 $0x1  }
0x15: {  	[smem:$0x3FB5] =	sst s0;
	s0 =	simm.s32 @!p2 $0x0  }
0x16: {  	s3 =	sld [smem:$0x3FDB];
	s0 =	simm.s32 @p2 $0x1  }
0x17: {  	s4 =	simm.s32 $0x1BF5;
	[smem:$0x3FB7] =	sst s0  }
0x18: {  	s0 =	sld [smem:$0x3F9A];
	_ =	swait.ge [sflag:s4], $0x0  }
0x19: {  	s7 =	sld [smem:$0x3F9B]  }
0x1a: {  	s8 =	sadd.s32 $0xFFFFE003, lr  }
0x1b: {  	s9 =	sadd.s32 $0xFFFFFEF7, lr;
	s5 =	simm.s32 $0xFFFFFFFF;
	p2 =	slt.u32 s8, $0xFFFFF086  }
0x1c: {  	p1 =	slt.u32 s9, $0xF7A;
	s5 =	simm.s32 @!p2 $0x0  }
0x1d: {  	s5 =	simm.s32 @p1 $0x1;
	p0 =	seq.s32 s7, s2  }
0x1e: {  	s7 =	smul.u32 @!p0 $0xF7A, s2;
	p2 =	seq.s32 @!p0 s5, $0x0  }
0x1f: {  	s9 =	smul.u32 $0xF7A, s1;
	s8 =	simm.s32 @!p0 $0x1BF5;
	p2 =	por !p2, p0  }
0x20: {  	[sflag:s8] =	ssyncset.s32 @!p0 $0xFFFFF086;
	s6 =	sadd.s32 @!p0 s3, s7;
	s7 =	simm.s32 @!p0 $0x108  }
0x21: {  	s3 =	sadd.s32 s3, s9;
	s6 =	sadd.s32 @!p0 $0x88, s6;
	s7 =	simm.s32 @p2 $0x1082  }
0x22: {  	[simem:s7], [sflag:s8] =	dma.local @!p0 [hbm:s6], $0xF7A  }
0x23: {  	s9 =	sor.u32 $0xD0000000, s2;
	s6 =	simm.s32 $0x108;
	_ =	swait.ge @!p0 [sflag:s8], $0x0  }
0x24: {  	s3 =	sadd.s32 $0x88, s3;
	s6 =	simm.s32 @!p1 $0x1082;
	[sflag:s4] =	ssyncset.s32 $0xFFFFF086  }
0x25: {  	[simem:s6], [sflag:s4] =	dma.local [hbm:s3], $0xF7A  }
0x26: {  	[smem:$0x3F9B] =	sst s1;
	(tag) =	ssettag s2;
	_ =	strace s9  }
0x27: {  	s1 =	sld [smem:$0x3FAB]  }
0x28: {  	s2 =	sld [smem:$0x3FAC]  }
0x29: {  	s4 =	sld [smem:$0x3FAE]  }
0x2a: {  	p0 =	seq.s32 s5, $0x0;
	s5 =	sld [smem:$0x3FAF]  }
0x2b: {  	s6 =	sld [smem:$0x3FB0]  }
0x2c: {  	s7 =	sld [smem:$0x3FB1]  }
0x2d: {  	s3 =	simm.s32 $0x108;
	s8 =	sld [smem:$0x3FB2]  }
0x2e: {  	s3 =	simm.s32 @!p0 $0x1082;
	s9 =	sld [smem:$0x3FB3]  }
0x2f: {  	lr =	sadd.s32 s0, s3;
	s0 =	sld [smem:$0x3FAA]  }
0x30: {  	s3 =	sld [smem:$0x3FAD]  }
0x31: {  	[smem:$0x3FB6] =	sst s10  }
0x32: {  	s10 =	sld [smem:$0x3FB4];
	_ =	sdelay $0x3  }
0x33: {  	p0 =	seq.s32 s10, $0x1;
	s10 =	sld [smem:$0x3FB6];
	_ =	sdelay $0x3  }
0x34: {  	[smem:$0x3FB6] =	sst s10  }
0x35: {  	s10 =	sld [smem:$0x3FB5];
	_ =	sdelay $0x3  }
0x36: {  	p1 =	seq.s32 s10, $0x1;
	s10 =	sld [smem:$0x3FB6];
	_ =	sdelay $0x3  }
0x37: {  	[smem:$0x3FB6] =	sst s10  }
0x38: {  	s10 =	sld [smem:$0x3FB7]  }
0x39: {  	_ = 	snop;
	(pc) =	sbr.ind lr, $3  }
0x3a: {  	_ = 	snop  }
0x3b: {  	_ = 	snop  }
0x3c: {  	p2 =	seq.s32 s10, $0x1;
	s10 =	sld [smem:$0x3FB6]  }
0x3d: {  	_ =	shalt  }
0x3e: {  	_ =	shalt  }
0x3f: {  	_ =	shalt  }
0x40: {  	_ =	shalt  }
0x41: {  	_ =	shalt  }
0x42: {  	_ =	shalt  }
0x43: {  	_ =	shalt  }
0x44: {  	_ =	shalt  }
0x45: {  	_ =	shalt  }
0x46: {  	_ =	shalt  }
0x47: {  	_ =	shalt  }
0x48: {  	_ =	shalt  }
0x49: {  	_ =	shalt  }
0x4a: {  	_ =	shalt  }
0x4b: {  	_ =	shalt  }
0x4c: {  	_ =	shalt  }
0x4d: {  	_ =	shalt  }
0x4e: {  	_ =	shalt  }
0x4f: {  	_ =	shalt  }
0x50: {  	_ =	shalt  }
0x51: {  	_ =	shalt  }
0x52: {  	_ =	shalt  }
0x53: {  	_ =	shalt  }
0x54: {  	_ =	shalt  }
0x55: {  	_ =	shalt  }
0x56: {  	_ =	shalt  }
0x57: {  	_ =	shalt  }
0x58: {  	_ =	shalt  }
0x59: {  	_ =	shalt  }
0x5a: {  	_ =	shalt  }
0x5b: {  	_ =	shalt  }
0x5c: {  	_ =	shalt  }
0x5d: {  	_ =	shalt  }
0x5e: {  	_ =	shalt  }
0x5f: {  	_ =	shalt  }
0x60: {  	_ =	shalt  }
0x61: {  	_ =	shalt  }
0x62: {  	_ =	shalt  }
0x63: {  	_ =	shalt  }
0x64: {  	_ =	shalt  }
0x65: {  	_ =	shalt  }
0x66: {  	_ =	shalt  }
0x67: {  	_ =	shalt  }
0x68: {  	_ =	shalt  }
0x69: {  	_ =	shalt  }
0x6a: {  	_ =	shalt  }
0x6b: {  	_ =	shalt  }
0x6c: {  	_ =	shalt  }
0x6d: {  	_ =	shalt  }
0x6e: {  	_ =	shalt  }
0x6f: {  	_ =	shalt  }
0x70: {  	_ =	shalt  }
0x71: {  	_ =	shalt  }
0x72: {  	_ =	shalt  }
0x73: {  	_ =	shalt  }
0x74: {  	_ =	shalt  }
0x75: {  	_ =	shalt  }
0x76: {  	_ =	shalt  }
0x77: {  	_ =	shalt  }
0x78: {  	_ =	shalt  }
0x79: {  	_ =	shalt  }
0x7a: {  	_ =	shalt  }
0x7b: {  	_ =	shalt  }
0x7c: {  	_ =	shalt  }
0x7d: {  	_ =	shalt  }
0x7e: {  	_ =	shalt  }
0x7f: {  	_ =	shalt  }
0x80: {  	_ =	shalt  }
0x81: {  	_ =	shalt  }
0x82: {  	_ =	shalt  }
0x83: {  	_ =	shalt  }
0x84: {  	_ =	shalt  }
0x85: {  	_ =	shalt  }
0x86: {  	_ =	shalt  }
0x87: {  	_ =	shalt  }
.Lfunc_end0:
.L_simem_size_0:
called_computation_lowered:
.L_overlay_start_0:
0x88: {  	s2 =	sld [smem:$0x3FD9]  }
0x89: {  	s3 =	sld [smem:$0x3FFE];
	_ =	sdelay $0x1  }
0x8a: {  	s1 =	srdreg.scid  }
0x8b: {  	s0 =	sand.u32 $0x1, s1  }
0x8c: {  	s17 =	sshll.u32 s0, $0xA;
	s2 =	sadd.s32 s3, s2  }
0x8d: {  	s2 =	sadd.s32 s2, s17  }
0x8e: {  	[smem:$0x3FC2] =	sst s2  }
0x8f: {  	_ = 	snop  }
0x90: {  	s2 =	sld [smem:$0x3FC9]  }
0x91: {  	s18 =	sld [smem:$0x3FC8]  }
0x92: {  	s4 =	sld [smem:$0x3FC7]  }
0x93: {  	s5 =	sld [smem:$0x3FC6]  }
0x94: {  	s6 =	sld [smem:$0x3FC5]  }
0x95: {  	s7 =	sld [smem:$0x3FD0];
	(tm) =	ssettm $0x1  }
0x96: {  	s8 =	sld [smem:$0x3FFB];
	_ =	sdelay $0x3  }
0x97: {  	_ =	strace s8  }
0x98: {  	s8 =	sld [smem:$0x3FFC];
	_ =	sdelay $0x3  }
0x99: {  	_ =	strace s8  }
0x9a: {  	s8 =	sld [smem:$0x3FFD];
	_ =	sdelay $0x3  }
0x9b: {  	_ =	strace s8  }
0x9c: {  	_ =	strace $0x8FFFFFFF  }
0x9d: {  	s19 =	sld [smem:$0x3FDB];
	_ =	sdelay $0x1  }
0x9e: {  	s9 =	simm.s32 $_scs_section_size  }
0x9f: {  	s10 =	simm.s32 $_size__tile_overlayer_lowered;
	s11 =	simm.s32 $_tile_overlayer_lowered  }
0xa0: {  	s22 =	simm.s32 $0x1BFF;
	s21 =	sshll.u32 s11, $0x1;
	s8 =	sadd.s32 s9, s19  }
0xa1: {  	s12 =	simm.s32 $0x0;
	s20 =	sshll.u32 s10, $0x1;
	s10 =	sadd.s32 s21, s8  }
0xa2: {  	[timem:s12], [sflag:s22] =	dma.local [hbm:s10], s20  }
0xa3: {  	_ =	swait.ge [sflag:s22], s20  }
0xa4: {  	s9 =	ssub.s32 $0x0, s20;
	[sflag:s22] =	ssyncset.done $0x0  }
0xa5: {  	[sflag:s22] =	ssyncadd.s32 s9;
	_ =	sdelay $0x1  }
0xa6: {  	s23 =	simm.s32 $0x1B8B  }
0xa7: {  	_ =	swait.ge [sflag:s23], $0x1  }
0xa8: {  	[sflag:s23] =	ssyncset.done $0x0  }
0xa9: {  	s25 =	simm.s32 $0x1B8E;
	s24 =	sld [smem:$0x3FFE];
	[sflag:s23] =	ssyncadd.s32 $0xFFFFFFFF  }
0xaa: {  	s26 =	simm.s32 $execute0_lowered;
	[smem:$0x3FD2] =	sst s25  }
0xab: {  	s10 =	sshll.u32 s26, $0x1;
	_ =	strace $0x80000046;
	[dreg:$0x1] =	wrdreg $0xFFFFFFFF  }
0xac: {  	s28 =	simm.s32 $_size_execute0_lowered;
	s8 =	sadd.s32 s8, s10;
	[dreg:$0x0] =	wrdreg $0x0  }
0xad: {  	s10 =	sshll.u32 s28, $0x1;
	[dreg:$0x2] =	wrdreg s8  }
0xae: {  	[dreg:$0x3] =	wrdreg s10  }
0xaf: {  	[dreg:$0x4] =	wrdreg $0xC0  }
0xb0: {  	_ =	task [dreg:s12], $0x5FFFF  }
0xb1: {  	[dreg:$0x1] =	wrdreg $0xFFFFFFFF  }
0xb2: {  	[dreg:$0x0] =	wrdreg $0x60  }
0xb3: {  	[dreg:$0x2] =	wrdreg s2  }
0xb4: {  	[dreg:$0x3] =	wrdreg s18  }
0xb5: {  	[dreg:$0x4] =	wrdreg s4  }
0xb6: {  	[dreg:$0x5] =	wrdreg s5  }
0xb7: {  	[dreg:$0x6] =	wrdreg s6  }
0xb8: {  	[dreg:$0x7] =	wrdreg s24  }
0xb9: {  	[dreg:$0x8] =	wrdreg s7  }
0xba: {  	[dreg:$0x9] =	wrdreg $0x9  }
0xbb: {  	_ =	task.clear_ibuf [dreg:s12], $0xAFFFF;
	_ =	strace $0x90000046  }
0xbc: {  	s29 =	simm.s32 $0x9;
	_ =	strace $0x80000048  }
0xbd: {  	_ =	swait.ge [sflag:s29], $0x1  }
0xbe: {  	[sflag:s29] =	ssyncadd.s32 $0xFFFFFFFF  }
0xbf: {  	_ =	strace $0x90000048  }
0xc0: {  	_ =	sfence  }
0xc1: {  	s30 =	sld [smem:$0x0];
	_ =	sdelay $0x2  }
0xc2: {  	s31 =	sshll.u32 s1, $0xD;
	s1 =	sshrl.u32 s1, $0x2  }
0xc3: {  	s3 =	sand.u32 $0x4000, s31;
	s1 =	sadd.s32 s1, s30  }
0xc4: {  	s0 =	sor.u32 s3, s0;
	s1 =	sshll.u32 s1, $0x11  }
0xc5: {  	s0 =	sor.u32 s1, s0  }
0xc6: {  	s0 =	sadd.s32 $0x8F2B, s0  }
0xc7: {  	[sflag:s0] =	ssyncadd.remote.s32 $0x1  }
0xc8: {  	_ =	sfence.sel $0xFFFF  }
0xc9: {  	[dreg:$0x0] =	wrdreg $0xFFFFFFFF;
	(pc) =	sbr.abs _section_cstart, $3  }
0xca: {  	[dreg:$0x1] =	wrdreg $0xFFFFFFFF  }
0xcb: {  	_ =	task.clear_ibuf [dreg:s12], $0x2FFFF;
	_ =	strace $0x9FFFFFFF  }
0xcc: {  	(tm) =	ssettm $0x7FFFFFFF  }
0xcd: {  	_ =	shalt  }
tec
execute0_lowered:
.L_overlay_start_1:
0x0: {  	(tag) =	ssettag $0x1  }
0x1: {  	v0 =	vimm.s32 $0x1380  }
0x2: {  	vm14 =	vcmask $0x300;
	vm13 =	vcmask $0x704;
	vm12 =	vcmask $0xB08  }
0x3: {  	vm11 =	vcmask $0xF0C;
	vm10 =	vcmask $0x1310;
	vm9 =	vcmask $0x1714  }
0x4: {  	vm8 =	vcmask $0x1B18;
	vm7 =	vcmask $0x1F1C;
	vm6 =	vcmask $0x2320  }
0x5: {  	vm5 =	vcmask $0x2724;
	vm4 =	vcmask $0x2B28;
	vm3 =	vcmask $0x2F2C  }
0x6: {  	vm2 =	vcmask $0x3330;
	vm1 =	vcmask $0x3734;
	vm0 =	vcmask $0x3B38  }
0x7: {  	v7 =	vimm.s32 $0x1780;
	v8 =	vimm.s32 $0x1B80;
	v9 =	vimm.s32 $0x1F80  }
0x8: {  	v10 =	vimm.s32 $0x3380;
	v11 =	vimm.s32 $0x3780;
	v12 =	vimm.s32 $0x3B80  }
0x9: {  	v13 =	vimm.s32 $0x3F80;
	v14 =	vimm.s32 $0x5380;
	v15 =	vimm.s32 $0x5780  }
0xa: {  	v16 =	vimm.s32 $0x5B80;
	v17 =	vimm.s32 $0x5F80;
	v18 =	vimm.s32 $0x7380  }
0xb: {  	v19 =	vimm.s32 $0x7780;
	v20 =	vimm.s32 $0x7B80;
	v21 =	vimm.s32 $0x7F80  }
0xc: {  	v0 =	vsel vm14, $0x0, v0;
	v7 =	vsel vm14, $0x400, v7;
	v8 =	vsel vm14, $0x800, v8  }
0xd: {  	v9 =	vsel vm14, $0xC00, v9;
	v10 =	vsel vm14, $0x2000, v10;
	v11 =	vsel vm14, $0x2400, v11  }
0xe: {  	v12 =	vsel vm14, $0x2800, v12;
	v13 =	vsel vm14, $0x2C00, v13;
	v14 =	vsel vm14, $0x4000, v14  }
0xf: {  	v15 =	vsel vm14, $0x4400, v15;
	v16 =	vsel vm14, $0x4800, v16;
	v17 =	vsel vm14, $0x4C00, v17  }
0x10: {  	v18 =	vsel vm14, $0x6000, v18;
	v19 =	vsel vm14, $0x6400, v19;
	v20 =	vsel vm14, $0x6800, v20  }
0x11: {  	v21 =	vsel vm14, $0x6C00, v21;
	v0 =	vsel vm13, $0x80, v0;
	v7 =	vsel vm13, $0x480, v7  }
0x12: {  	v8 =	vsel vm13, $0x880, v8;
	v9 =	vsel vm13, $0xC80, v9;
	v10 =	vsel vm13, $0x2080, v10  }
0x13: {  	v11 =	vsel vm13, $0x2480, v11;
	v12 =	vsel vm13, $0x2880, v12;
	v13 =	vsel vm13, $0x2C80, v13  }
0x14: {  	v14 =	vsel vm13, $0x4080, v14;
	v15 =	vsel vm13, $0x4480, v15;
	v16 =	vsel vm13, $0x4880, v16  }
0x15: {  	v17 =	vsel vm13, $0x4C80, v17;
	v18 =	vsel vm13, $0x6080, v18;
	v19 =	vsel vm13, $0x6480, v19  }
0x16: {  	v20 =	vsel vm13, $0x6880, v20;
	v21 =	vsel vm13, $0x6C80, v21;
	v0 =	vsel vm12, $0x100, v0  }
0x17: {  	v7 =	vsel vm12, $0x500, v7;
	v8 =	vsel vm12, $0x900, v8;
	v9 =	vsel vm12, $0xD00, v9  }
0x18: {  	v10 =	vsel vm12, $0x2100, v10;
	v11 =	vsel vm12, $0x2500, v11;
	v12 =	vsel vm12, $0x2900, v12  }
0x19: {  	v13 =	vsel vm12, $0x2D00, v13;
	v14 =	vsel vm12, $0x4100, v14;
	v15 =	vsel vm12, $0x4500, v15  }
0x1a: {  	v16 =	vsel vm12, $0x4900, v16;
	v17 =	vsel vm12, $0x4D00, v17;
	v18 =	vsel vm12, $0x6100, v18  }
0x1b: {  	v19 =	vsel vm12, $0x6500, v19;
	v20 =	vsel vm12, $0x6900, v20;
	v21 =	vsel vm12, $0x6D00, v21  }
0x1c: {  	v0 =	vsel vm11, $0x180, v0;
	v7 =	vsel vm11, $0x580, v7;
	v8 =	vsel vm11, $0x980, v8  }
0x1d: {  	v9 =	vsel vm11, $0xD80, v9;
	v10 =	vsel vm11, $0x2180, v10;
	v11 =	vsel vm11, $0x2580, v11  }
0x1e: {  	v12 =	vsel vm11, $0x2980, v12;
	v13 =	vsel vm11, $0x2D80, v13;
	v14 =	vsel vm11, $0x4180, v14  }
0x1f: {  	v15 =	vsel vm11, $0x4580, v15;
	v16 =	vsel vm11, $0x4980, v16;
	v17 =	vsel vm11, $0x4D80, v17  }
0x20: {  	v18 =	vsel vm11, $0x6180, v18;
	v19 =	vsel vm11, $0x6580, v19;
	v20 =	vsel vm11, $0x6980, v20  }
0x21: {  	v21 =	vsel vm11, $0x6D80, v21;
	v0 =	vsel vm10, $0x200, v0;
	v7 =	vsel vm10, $0x600, v7  }
0x22: {  	v8 =	vsel vm10, $0xA00, v8;
	v9 =	vsel vm10, $0xE00, v9;
	v10 =	vsel vm10, $0x2200, v10  }
0x23: {  	v11 =	vsel vm10, $0x2600, v11;
	v12 =	vsel vm10, $0x2A00, v12;
	v13 =	vsel vm10, $0x2E00, v13  }
0x24: {  	v14 =	vsel vm10, $0x4200, v14;
	v15 =	vsel vm10, $0x4600, v15;
	v16 =	vsel vm10, $0x4A00, v16  }
0x25: {  	v17 =	vsel vm10, $0x4E00, v17;
	v18 =	vsel vm10, $0x6200, v18;
	v19 =	vsel vm10, $0x6600, v19  }
0x26: {  	v20 =	vsel vm10, $0x6A00, v20;
	v21 =	vsel vm10, $0x6E00, v21;
	v0 =	vsel vm9, $0x280, v0  }
0x27: {  	v7 =	vsel vm9, $0x680, v7;
	v8 =	vsel vm9, $0xA80, v8;
	v9 =	vsel vm9, $0xE80, v9  }
0x28: {  	v10 =	vsel vm9, $0x2280, v10;
	v11 =	vsel vm9, $0x2680, v11;
	v12 =	vsel vm9, $0x2A80, v12  }
0x29: {  	v13 =	vsel vm9, $0x2E80, v13;
	v14 =	vsel vm9, $0x4280, v14;
	v15 =	vsel vm9, $0x4680, v15  }
0x2a: {  	v16 =	vsel vm9, $0x4A80, v16;
	v17 =	vsel vm9, $0x4E80, v17;
	v18 =	vsel vm9, $0x6280, v18  }
0x2b: {  	v19 =	vsel vm9, $0x6680, v19;
	v20 =	vsel vm9, $0x6A80, v20;
	v21 =	vsel vm9, $0x6E80, v21  }
0x2c: {  	v0 =	vsel vm8, $0x300, v0;
	v7 =	vsel vm8, $0x700, v7;
	v8 =	vsel vm8, $0xB00, v8  }
0x2d: {  	v9 =	vsel vm8, $0xF00, v9;
	v10 =	vsel vm8, $0x2300, v10;
	v11 =	vsel vm8, $0x2700, v11  }
0x2e: {  	v12 =	vsel vm8, $0x2B00, v12;
	v13 =	vsel vm8, $0x2F00, v13;
	v14 =	vsel vm8, $0x4300, v14  }
0x2f: {  	v15 =	vsel vm8, $0x4700, v15;
	v16 =	vsel vm8, $0x4B00, v16;
	v17 =	vsel vm8, $0x4F00, v17  }
0x30: {  	v18 =	vsel vm8, $0x6300, v18;
	v19 =	vsel vm8, $0x6700, v19;
	v20 =	vsel vm8, $0x6B00, v20  }
0x31: {  	v21 =	vsel vm8, $0x6F00, v21;
	v0 =	vsel vm7, $0x380, v0;
	v7 =	vsel vm7, $0x780, v7  }
0x32: {  	v8 =	vsel vm7, $0xB80, v8;
	v9 =	vsel vm7, $0xF80, v9;
	v10 =	vsel vm7, $0x2380, v10  }
0x33: {  	v11 =	vsel vm7, $0x2780, v11;
	v12 =	vsel vm7, $0x2B80, v12;
	v13 =	vsel vm7, $0x2F80, v13  }
0x34: {  	v14 =	vsel vm7, $0x4380, v14;
	v15 =	vsel vm7, $0x4780, v15;
	v16 =	vsel vm7, $0x4B80, v16  }
0x35: {  	v17 =	vsel vm7, $0x4F80, v17;
	v18 =	vsel vm7, $0x6380, v18;
	v19 =	vsel vm7, $0x6780, v19  }
0x36: {  	v20 =	vsel vm7, $0x6B80, v20;
	v21 =	vsel vm7, $0x6F80, v21;
	v0 =	vsel vm6, $0x1000, v0  }
0x37: {  	v7 =	vsel vm6, $0x1400, v7;
	v8 =	vsel vm6, $0x1800, v8;
	v9 =	vsel vm6, $0x1C00, v9  }
0x38: {  	v10 =	vsel vm6, $0x3000, v10;
	v11 =	vsel vm6, $0x3400, v11;
	v12 =	vsel vm6, $0x3800, v12  }
0x39: {  	v13 =	vsel vm6, $0x3C00, v13;
	v14 =	vsel vm6, $0x5000, v14;
	v15 =	vsel vm6, $0x5400, v15  }
0x3a: {  	v16 =	vsel vm6, $0x5800, v16;
	v17 =	vsel vm6, $0x5C00, v17;
	v18 =	vsel vm6, $0x7000, v18  }
0x3b: {  	v19 =	vsel vm6, $0x7400, v19;
	v20 =	vsel vm6, $0x7800, v20;
	v21 =	vsel vm6, $0x7C00, v21  }
0x3c: {  	v1 =	vsel vm5, $0x1080, v0;
	v0 =	vlaneseq.u32;
	v7 =	vsel vm5, $0x1480, v7  }
0x3d: {  	v8 =	vsel vm5, $0x1880, v8;
	v9 =	vsel vm5, $0x1C80, v9;
	v10 =	vsel vm5, $0x3080, v10  }
0x3e: {  	v11 =	vsel vm5, $0x3480, v11;
	v12 =	vsel vm5, $0x3880, v12;
	v13 =	vsel vm5, $0x3C80, v13  }
0x3f: {  	v14 =	vsel vm5, $0x5080, v14;
	v15 =	vsel vm5, $0x5480, v15;
	v16 =	vsel vm5, $0x5880, v16  }
0x40: {  	v17 =	vsel vm5, $0x5C80, v17;
	v18 =	vsel vm5, $0x7080, v18;
	v19 =	vsel vm5, $0x7480, v19  }
0x41: {  	v20 =	vsel vm5, $0x7880, v20;
	v21 =	vsel vm5, $0x7C80, v21;
	v2 =	vsel vm4, $0x1100, v1  }
0x42: {  	v1 =	vand.u32 $0x7, v0;
	v5 =	vshrl.u32 v0, $0x3;
	v7 =	vsel vm4, $0x1500, v7  }
0x43: {  	v8 =	vsel vm4, $0x1900, v8;
	v9 =	vsel vm4, $0x1D00, v9;
	v10 =	vsel vm4, $0x3100, v10  }
0x44: {  	v11 =	vsel vm4, $0x3500, v11;
	v12 =	vsel vm4, $0x3900, v12;
	v13 =	vsel vm4, $0x3D00, v13  }
0x45: {  	v14 =	vsel vm4, $0x5100, v14;
	v15 =	vsel vm4, $0x5500, v15;
	v16 =	vsel vm4, $0x5900, v16  }
0x46: {  	v17 =	vsel vm4, $0x5D00, v17;
	v18 =	vsel vm4, $0x7100, v18;
	v19 =	vsel vm4, $0x7500, v19  }
0x47: {  	v20 =	vsel vm4, $0x7900, v20;
	v21 =	vsel vm4, $0x7D00, v21;
	v3 =	vsel vm3, $0x1180, v2  }
0x48: {  	s2 =	rddreg [dreg:$0x0];
	v2 =	vor.u32 $0x8, v1;
	v7 =	vsel vm3, $0x1580, v7;
	v8 =	vsel vm3, $0x1980, v8  }
0x49: {  	s3 =	rddreg [dreg:$0x1];
	v9 =	vsel vm3, $0x1D80, v9;
	v10 =	vsel vm3, $0x3180, v10;
	v11 =	vsel vm3, $0x3580, v11  }
0x4a: {  	s0 =	rddreg [dreg:$0x2];
	v12 =	vsel vm3, $0x3980, v12;
	v13 =	vsel vm3, $0x3D80, v13;
	v14 =	vsel vm3, $0x5180, v14  }
0x4b: {  	s1 =	rddreg [dreg:$0x3];
	v15 =	vsel vm3, $0x5580, v15;
	v16 =	vsel vm3, $0x5980, v16;
	v17 =	vsel vm3, $0x5D80, v17  }
0x4c: {  	s5 =	rddreg [dreg:$0x5];
	v18 =	vsel vm3, $0x7180, v18;
	v19 =	vsel vm3, $0x7580, v19;
	v20 =	vsel vm3, $0x7980, v20  }
0x4d: {  	s6 =	rddreg [dreg:$0x6];
	v21 =	vsel vm3, $0x7D80, v21;
	v4 =	vsel vm2, $0x1200, v3;
	v3 =	vor.u32 $0x10, v1  }
0x4e: {  	s4 =	simm.s32 $0x0;
	s7 =	srdreg.scid;
	s17 =	simm.s32 $0x9;
	v7 =	vsel vm2, $0x1600, v7;
	v8 =	vsel vm2, $0x1A00, v8;
	v9 =	vsel vm2, $0x1E00, v9  }
0x4f: {  	s10 =	stileid.u32;
	s14 =	simm.s32 $0x7A1400;
	s15 =	simm.s32 $0x400;
	v10 =	vsel vm2, $0x3200, v10;
	v11 =	vsel vm2, $0x3600, v11;
	v12 =	vsel vm2, $0x3A00, v12  }
0x50: {  	s16 =	simm.s32 $0x8400;
	s21 =	simm.s32 $0x1400;
	s22 =	simm.s32 $0x9400;
	v13 =	vsel vm2, $0x3E00, v13;
	v14 =	vsel vm2, $0x5200, v14;
	v15 =	vsel vm2, $0x5600, v15  }
0x51: {  	s20 =	simm.s32 $0xA400;
	s28 =	simm.s32 $0x6400;
	s29 =	simm.s32 $0xE400;
	v16 =	vsel vm2, $0x5A00, v16;
	v17 =	vsel vm2, $0x5E00, v17;
	v18 =	vsel vm2, $0x7200, v18  }
0x52: {  	s30 =	simm.s32 $0x7400;
	s31 =	simm.s32 $0xF400;
	s12 =	simm.s32 $0x2;
	v19 =	vsel vm2, $0x7600, v19;
	v20 =	vsel vm2, $0x7A00, v20;
	v21 =	vsel vm2, $0x7E00, v21  }
0x53: {  	s13 =	simm.s32 $0x8;
	s11 =	simm.s32 $0x10400;
	s18 =	simm.s32 $0x0;
	v6 =	vsel vm1, $0x1280, v4;
	v4 =	vor.u32 $0x18, v0;
	v7 =	vsel vm1, $0x1680, v7  }
0x54: {  	[smem:$0x7FF] =	sst s4;
	s7 =	sand.u32 $0x1, s7;
	s10 =	sshll.u32 s10, $0x7;
	v8 =	vsel vm1, $0x1A80, v8;
	v9 =	vsel vm1, $0x1E80, v9;
	v10 =	vsel vm1, $0x3280, v10  }
0x55: {  	s5 =	sadd.s32 $0x400, s5;
	_ =	strace $0x80000047;
	s8 =	ssub.s32 $0x2, s7;
	v11 =	vsel vm1, $0x3680, v11;
	v12 =	vsel vm1, $0x3A80, v12;
	v13 =	vsel vm1, $0x3E80, v13  }
0x56: {  	s7 =	sshll.u32 s7, $0x6;
	[dreg:$0x8] =	wrdreg s5;
	s9 =	sshrl.u32 s8, $0x1;
	v14 =	vsel vm1, $0x5280, v14;
	v15 =	vsel vm1, $0x5680, v15;
	v16 =	vsel vm1, $0x5A80, v16  }
0x57: {  	s5 =	simm.s32 $0x5;
	s7 =	sor.u32 s7, s10;
	s23 =	ssub.s32 s8, s9;
	v17 =	vsel vm1, $0x5E80, v17;
	v18 =	vsel vm1, $0x7280, v18;
	v19 =	vsel vm1, $0x7680, v19  }
0x58: {  	s2 =	sadd.s32 s2, s7;
	s24 =	sadd.s32 s3, s7;
	s25 =	sadd.s32 s6, s7;
	v20 =	vsel vm1, $0x7A80, v20;
	v21 =	vsel vm1, $0x7E80, v21;
	v6 =	vsel vm0, $0x1300, v6  }
0x59: {  	s3 =	simm.s32 $0x1;
	s6 =	simm.s32 $0x6;
	[dreg:$0x9] =	wrdreg s2;
	v7 =	vsel vm0, $0x1700, v7;
	v8 =	vsel vm0, $0x1B00, v8;
	v9 =	vsel vm0, $0x1F00, v9  }
0x5a: {  	s7 =	simm.s32 $0x3;
	s8 =	simm.s32 $0x7;
	[dreg:$0xa] =	wrdreg s24;
	v10 =	vsel vm0, $0x3300, v10;
	v11 =	vsel vm0, $0x3700, v11;
	v12 =	vsel vm0, $0x3B00, v12  }
0x5b: {  	s9 =	simm.s32 $0x4;
	[dreg:$0xb] =	wrdreg s25;
	s26 =	smax.u32 s23, $0x1;
	v13 =	vsel vm0, $0x3F00, v13;
	v14 =	vsel vm0, $0x5300, v14;
	v15 =	vsel vm0, $0x5700, v15  }
0x5c: {  	s23 =	simm.s32 $0x2400;
	s24 =	simm.s32 $0x3400;
	s25 =	simm.s32 $0xB400;
	v16 =	vsel vm0, $0x5B00, v16;
	v17 =	vsel vm0, $0x5F00, v17;
	v18 =	vsel vm0, $0x7300, v18  }
0x5d: {  	s2 =	simm.s32 $0x200;
	[dreg:$0xc] =	wrdreg s26;
	s26 =	simm.s32 $0x4400;
	v19 =	vsel vm0, $0x7700, v19;
	v20 =	vsel vm0, $0x7B00, v20;
	v21 =	vsel vm0, $0x7F00, v21  }
.LBB2_1:
0x5e: {  	[dreg:$0xd] =	wrdreg s18  }
0x5f: {  	s10 =	rddreg [dreg:$0x9]  }
0x60: {  	[tilespmem:s4], [sflag:$0x9] =	stream.linear.gather [hbm4b:s10+s4], $0x200, $0x38;
	[tilespmem:$0x11700] =	vst v63  }
0x61: {  	_ =	swait.ge [sflag:s17], $0x200  }
0x62: {  	[sflag:s17] =	ssyncset.done $0x0  }
0x63: {  	s18 =	rddreg [dreg:$0xa];
	[sflag:s17] =	ssyncadd.s32 $0xFFFFFE00  }
0x64: {  	[tilespmem:s2], [sflag:$0x9] =	stream.linear.gather [hbm4b:s18+s4], $0x200, $0x38;
	[tilespmem:$0x11700] =	vst v63  }
0x65: {  	_ =	swait.ge [sflag:s17], $0x200  }
0x66: {  	[sflag:s17] =	ssyncset.done $0x0  }
0x67: {  	[sflag:s17] =	ssyncadd.s32 $0xFFFFFE00  }
0x68: {  	s18 =	simm.s32 $0x11600;
	s19 =	rddreg [dreg:$0x4]  }
0x69: {  	[tilespmem:s18], [sflag:$0x9] =	stream.linear.gather [hbm4b:s19+s4], $0x80, $0x38;
	[tilespmem:$0x11700] =	vst v63  }
0x6a: {  	_ =	swait.ge [sflag:s17], $0x80  }
0x6b: {  	[sflag:s17] =	ssyncset.done $0x0  }
0x6c: {  	s19 =	simm.s32 $0x11680;
	s10 =	rddreg [dreg:$0x8];
	[sflag:s17] =	ssyncadd.s32 $0xFFFFFF80  }
0x6d: {  	[tilespmem:s19], [sflag:$0x9] =	stream.linear.gather [hbm4b:s10+s4], $0x80, $0x38;
	[tilespmem:$0x11700] =	vst v63  }
0x6e: {  	_ =	swait.ge [sflag:s17], $0x80  }
0x6f: {  	[sflag:s17] =	ssyncset.done $0x0  }
0x70: {  	[sflag:s17] =	ssyncadd.s32 $0xFFFFFF80  }
0x71: {  	v22 =	vld [tilespmem:$0x0];
	_ =	sdelay $0x1  }
0x72: {  	v23 =	vld [tilespmem:$0x200];
	_ =	sdelay $0x2  }
0x73: {  	v22 =	vand.u32 $0xFFFFFF80, v22  }
0x74: {  	v22 =	vadd.s32 s0, v22  }
0x75: {  	v23 =	vand.u32 $0xFFFFFF80, v23;
	(v2sf) =	vpush v22, $0x0  }
0x76: {  	v23 =	vadd.s32 s1, v23  }
0x77: {  	(v2sf) =	vpush v23, $0x0;
	_ =	sdelay $0x1  }
0x78: {  	(v2sf) =	vpush v22, $0x1;
	_ =	sdelay $0x1  }
0x79: {  	(v2sf) =	vpush v23, $0x1;
	_ =	sdelay $0x5  }
0x7a: {  	v24 =	vld.idx.msk [tilespmem:v2+s18+$0x0], $0xffff  }
0x7b: {  	v25 =	vld.idx.msk [tilespmem:v3+s18+$0x0], $0xffff  }
0x7c: {  	v26 =	vld.idx.msk [tilespmem:v4+s18+$0x0], $0xffff  }
0x7d: {  	v22 =	vld [tilespmem:$0x11680];
	s17 =	spop (v2sf)  }
0x7e: {  	v23 =	vld.idx.msk [tilespmem:v1+s18+$0x0], $0xffff;
	[tilespmem:s15], [sflag:$0x1] =	stream.strided.gather [hbm4b:s17+s15], $0x1000, s14, s15, $0x38  }
0x7f: {  	s18 =	spop (v2sf)  }
0x80: {  	[tilespmem:s16], [sflag:$0x5] =	stream.strided.gather [hbm4b:s18+s15], $0x1000, s14, s15, $0x38;
	[tilespmem:$0x11700] =	vst v63  }
0x81: {  	s19 =	spop (v2sf)  }
0x82: {  	[tilespmem:s21], [sflag:$0x1] =	stream.strided.gather [hbm4b:s19+s15], $0x1000, s14, s15, $0x38;
	[tilespmem:$0x11700] =	vst v63  }
0x83: {  	s17 =	spop (v2sf)  }
0x84: {  	[tilespmem:s22], [sflag:$0x5] =	stream.strided.gather [hbm4b:s17+s15], $0x1000, s14, s15, $0x38;
	[tilespmem:$0x11700] =	vst v63  }
0x85: {  	v27 =	vld [tilespmem:$0x0];
	_ =	sdelay $0x1  }
0x86: {  	v28 =	vld [tilespmem:$0x200];
	_ =	sdelay $0x2  }
0x87: {  	v27 =	vand.u32 $0xFFFFFF80, v27  }
0x88: {  	v27 =	vadd.s32 s0, v27  }
0x89: {  	v28 =	vand.u32 $0xFFFFFF80, v28;
	(v2sf) =	vpush v27, $0x2  }
0x8a: {  	v28 =	vadd.s32 s1, v28  }
0x8b: {  	(v2sf) =	vpush v28, $0x2;
	_ =	sdelay $0x1  }
0x8c: {  	(v2sf) =	vpush v27, $0x3;
	_ =	sdelay $0x1  }
0x8d: {  	(v2sf) =	vpush v28, $0x3;
	_ =	sdelay $0x8  }
0x8e: {  	s18 =	spop (v2sf)  }
0x8f: {  	[tilespmem:s23], [sflag:$0x2] =	stream.strided.gather [hbm4b:s18+s15], $0x1000, s14, s15, $0x38;
	[tilespmem:$0x11700] =	vst v63  }
0x90: {  	s19 =	spop (v2sf)  }
0x91: {  	[tilespmem:s20], [sflag:$0x6] =	stream.strided.gather [hbm4b:s19+s15], $0x1000, s14, s15, $0x38;
	[tilespmem:$0x11700] =	vst v63  }
0x92: {  	s20 =	spop (v2sf)  }
0x93: {  	[tilespmem:s24], [sflag:$0x2] =	stream.strided.gather [hbm4b:s20+s15], $0x1000, s14, s15, $0x38;
	[tilespmem:$0x11700] =	vst v63  }
0x94: {  	s24 =	spop (v2sf)  }
0x95: {  	[tilespmem:s25], [sflag:$0x6] =	stream.strided.gather [hbm4b:s24+s15], $0x1000, s14, s15, $0x38;
	[tilespmem:$0x11700] =	vst v63  }
0x96: {  	v27 =	vld [tilespmem:$0x0];
	_ =	sdelay $0x1  }
0x97: {  	v63 =	vld [tilespmem:$0x200];
	_ =	sdelay $0x2  }
0x98: {  	v27 =	vand.u32 $0xFFFFFF80, v27  }
0x99: {  	v27 =	vadd.s32 s0, v27  }
0x9a: {  	v28 =	vand.u32 $0xFFFFFF80, v63;
	(v2sf) =	vpush v27, $0x4  }
0x9b: {  	v28 =	vadd.s32 s1, v28  }
0x9c: {  	(v2sf) =	vpush v28, $0x4;
	_ =	sdelay $0x1  }
0x9d: {  	(v2sf) =	vpush v27, $0x5;
	_ =	sdelay $0x1  }
0x9e: {  	(v2sf) =	vpush v28, $0x5;
	_ =	sdelay $0x8  }
0x9f: {  	s10 =	simm.s32 $0xE;
	s17 =	spop (v2sf)  }
0xa0: {  	[tilespmem:s26], [sflag:$0x3] =	stream.strided.gather [hbm4b:s17+s15], $0x1000, s14, s15, $0x38;
	[tilespmem:$0x11700] =	vst v63  }
0xa1: {  	s25 =	simm.s32 $0xC400;
	s24 =	simm.s32 $0x5400;
	s18 =	spop (v2sf)  }
0xa2: {  	[tilespmem:s25], [sflag:$0x7] =	stream.strided.gather [hbm4b:s18+s15], $0x1000, s14, s15, $0x38;
	[tilespmem:$0x11700] =	vst v63  }
0xa3: {  	s26 =	simm.s32 $0xD400;
	s17 =	simm.s32 $0x10440;
	s19 =	spop (v2sf)  }
0xa4: {  	[tilespmem:s24], [sflag:$0x3] =	stream.strided.gather [hbm4b:s19+s15], $0x1000, s14, s15, $0x38;
	[tilespmem:$0x11700] =	vst v63  }
0xa5: {  	s20 =	spop (v2sf);
	s18 =	simm.s32 $0x200;
	s19 =	simm.s32 $0x0  }
0xa6: {  	[tilespmem:s26], [sflag:$0x7] =	stream.strided.gather [hbm4b:s20+s15], $0x1000, s14, s15, $0x38;
	[tilespmem:$0x11700] =	vst v63  }
.LBB2_2:
0xa7: {  	v27 =	vld [tilespmem:s19+$0x0];
	_ =	sdelay $0x1  }
0xa8: {  	v28 =	vld [tilespmem:s18+$0x0];
	_ =	sdelay $0x2  }
0xa9: {  	v27 =	vand.u32 $0xFFFFFF80, v27  }
0xaa: {  	v27 =	vadd.s32 s0, v27  }
0xab: {  	v28 =	vand.u32 $0xFFFFFF80, v28;
	(v2sf) =	vpush v27, $0x6  }
0xac: {  	v28 =	vadd.s32 s1, v28  }
0xad: {  	(v2sf) =	vpush v28, $0x6;
	_ =	sdelay $0x1  }
0xae: {  	(v2sf) =	vpush v27, $0x7;
	_ =	sdelay $0x1  }
0xaf: {  	(v2sf) =	vpush v28, $0x7;
	_ =	sdelay $0x8  }
0xb0: {  	s20 =	spop (v2sf)  }
0xb1: {  	[tilespmem:s28], [sflag:$0x4] =	stream.strided.gather [hbm4b:s20+s15], $0x1000, s14, s15, $0x38;
	[tilespmem:$0x11700] =	vst v63  }
0xb2: {  	s20 =	spop (v2sf)  }
0xb3: {  	[tilespmem:s29], [sflag:$0x8] =	stream.strided.gather [hbm4b:s20+s15], $0x1000, s14, s15, $0x38;
	[tilespmem:$0x11700] =	vst v63  }
0xb4: {  	s20 =	spop (v2sf)  }
0xb5: {  	[tilespmem:s30], [sflag:$0x4] =	stream.strided.gather [hbm4b:s20+s15], $0x1000, s14, s15, $0x38;
	[tilespmem:$0x11700] =	vst v63  }
0xb6: {  	s20 =	spop (v2sf)  }
0xb7: {  	[tilespmem:s31], [sflag:$0x8] =	stream.strided.gather [hbm4b:s20+s15], $0x1000, s14, s15, $0x38;
	[tilespmem:$0x11700] =	vst v63  }
0xb8: {  	_ =	swait.ge [sflag:s3], $0x1000  }
0xb9: {  	[sflag:s3] =	ssyncset.done $0x0  }
0xba: {  	[sflag:s3] =	ssyncadd.s32 $0xFFFFF000  }
0xbb: {  	_ =	swait.ge [sflag:s5], $0x1000  }
0xbc: {  	[sflag:s5] =	ssyncset.done $0x0  }
0xbd: {  	[sflag:s5] =	ssyncadd.s32 $0xFFFFF000  }
0xbe: {  	s20 =	sadd.s32 $0xFFFFFFF2, s10;
	_ =	swait.ge [sflag:s3], $0x1000  }
0xbf: {  	v27 =	vor.u32 s20, v5;
	[sflag:s3] =	ssyncset.done $0x0  }
0xc0: {  	[sflag:s3] =	ssyncadd.s32 $0xFFFFF000  }
0xc1: {  	_ =	swait.ge [sflag:s5], $0x1000  }
0xc2: {  	[sflag:s5] =	ssyncset.done $0x0  }
0xc3: {  	[sflag:s5] =	ssyncadd.s32 $0xFFFFF000  }
0xc4: {  	v37 =	vld.idx.msk [tilespmem:v27+s4+$0x0], $0xffff  }
0xc5: {  	v27 =	vld.idx.msk [tilespmem:v27+s2+$0x0], $0xffff;
	_ =	sdelay $0x3  }
0xc6: {  	v28 =	vand.u32 $0x7F, v37  }
0xc7: {  	v27 =	vand.u32 $0x7F, v27;
	v29 =	vor.u32 v6, v28  }
0xc8: {  	v30 =	vor.u32 v6, v27  }
0xc9: {  	v31 =	vor.u32 v7, v28  }
0xca: {  	v32 =	vor.u32 v7, v27  }
0xcb: {  	v33 =	vor.u32 v8, v28  }
0xcc: {  	v34 =	vor.u32 v8, v27;
	v29 =	vld.idx.msk [tilespmem:v29+s15+$0x0], $0xffff  }
0xcd: {  	v28 =	vor.u32 v9, v28;
	v30 =	vld.idx.msk [tilespmem:v30+s16+$0x0], $0xffff  }
0xce: {  	v27 =	vor.u32 v9, v27;
	v31 =	vld.idx.msk [tilespmem:v31+s15+$0x0], $0xffff  }
0xcf: {  	v32 =	vld.idx.msk [tilespmem:v32+s16+$0x0], $0xffff  }
0xd0: {  	v33 =	vld.idx.msk [tilespmem:v33+s15+$0x0], $0xffff  }
0xd1: {  	v34 =	vld.idx.msk [tilespmem:v34+s16+$0x0], $0xffff  }
0xd2: {  	v28 =	vld.idx.msk [tilespmem:v28+s15+$0x0], $0xffff;
	v29 =	vmul.f32 v30, v29  }
0xd3: {  	v27 =	vld.idx.msk [tilespmem:v27+s16+$0x0], $0xffff  }
0xd4: {  	v38 =	vmul.f32 v32, v31;
	v29 =	vmul.f32 v29, v23;
	_ =	sdelay $0x1  }
0xd5: {  	v39 =	vmul.f32 v34, v33;
	v30 =	vmul.f32 v38, v24;
	v29 =	vadd.f32 $0.0e+00, v29;
	_ =	sdelay $0x1  }
0xd6: {  	v27 =	vmul.f32 v27, v28;
	v40 =	vmul.f32 v39, v25;
	v29 =	vadd.f32 v30, v29;
	_ =	sdelay $0x1  }
0xd7: {  	v27 =	vmul.f32 v27, v26;
	v41 =	vadd.f32 v40, v29;
	_ =	sdelay $0x1  }
0xd8: {  	v27 =	vadd.f32 v27, v41;
	_ =	sdelay $0x1  }
0xd9: {  	[tilespmem:s17+$0xFFFFFFC0] =	vst v27  }
0xda: {  	v27 =	vld [tilespmem:s19+$0x0];
	_ =	sdelay $0x1  }
0xdb: {  	v42 =	vld [tilespmem:s18+$0x0];
	_ =	sdelay $0x2  }
0xdc: {  	v27 =	vand.u32 $0xFFFFFF80, v27  }
0xdd: {  	v27 =	vadd.s32 s0, v27  }
0xde: {  	v28 =	vand.u32 $0xFFFFFF80, v42;
	(v2sf) =	vpush v27, $0x8  }
0xdf: {  	v28 =	vadd.s32 s1, v28  }
0xe0: {  	(v2sf) =	vpush v28, $0x8;
	_ =	sdelay $0x1  }
0xe1: {  	(v2sf) =	vpush v27, $0x9;
	_ =	sdelay $0x1  }
0xe2: {  	(v2sf) =	vpush v28, $0x9;
	_ =	sdelay $0x8  }
0xe3: {  	s20 =	spop (v2sf)  }
0xe4: {  	[tilespmem:s15], [sflag:$0x1] =	stream.strided.gather [hbm4b:s20+s15], $0x1000, s14, s15, $0x38;
	[tilespmem:$0x11700] =	vst v63  }
0xe5: {  	s20 =	spop (v2sf)  }
0xe6: {  	[tilespmem:s16], [sflag:$0x5] =	stream.strided.gather [hbm4b:s20+s15], $0x1000, s14, s15, $0x38;
	[tilespmem:$0x11700] =	vst v63  }
0xe7: {  	s20 =	spop (v2sf)  }
0xe8: {  	[tilespmem:s21], [sflag:$0x1] =	stream.strided.gather [hbm4b:s20+s15], $0x1000, s14, s15, $0x38;
	[tilespmem:$0x11700] =	vst v63  }
0xe9: {  	s21 =	spop (v2sf)  }
0xea: {  	[tilespmem:s22], [sflag:$0x5] =	stream.strided.gather [hbm4b:s21+s15], $0x1000, s14, s15, $0x38;
	[tilespmem:$0x11700] =	vst v63  }
0xeb: {  	_ =	swait.ge [sflag:s12], $0x1000  }
0xec: {  	[sflag:s12] =	ssyncset.done $0x0  }
0xed: {  	[sflag:s12] =	ssyncadd.s32 $0xFFFFF000  }
0xee: {  	_ =	swait.ge [sflag:s6], $0x1000  }
0xef: {  	[sflag:s6] =	ssyncset.done $0x0  }
0xf0: {  	[sflag:s6] =	ssyncadd.s32 $0xFFFFF000  }
0xf1: {  	s22 =	sadd.s32 $0xFFFFFFF4, s10;
	_ =	swait.ge [sflag:s12], $0x1000  }
0xf2: {  	v27 =	vor.u32 s22, v5;
	[sflag:s12] =	ssyncset.done $0x0  }
0xf3: {  	[sflag:s12] =	ssyncadd.s32 $0xFFFFF000  }
0xf4: {  	_ =	swait.ge [sflag:s6], $0x1000  }
0xf5: {  	[sflag:s6] =	ssyncset.done $0x0  }
0xf6: {  	[sflag:s6] =	ssyncadd.s32 $0xFFFFF000  }
0xf7: {  	v43 =	vld.idx.msk [tilespmem:v27+s4+$0x0], $0xffff  }
0xf8: {  	v27 =	vld.idx.msk [tilespmem:v27+s2+$0x0], $0xffff;
	_ =	sdelay $0x3  }
0xf9: {  	v28 =	vand.u32 $0x7F, v43  }
0xfa: {  	v27 =	vand.u32 $0x7F, v27;
	v44 =	vor.u32 v10, v28  }
0xfb: {  	v45 =	vor.u32 v10, v27  }
0xfc: {  	v46 =	vor.u32 v11, v28  }
0xfd: {  	v47 =	vor.u32 v11, v27  }
0xfe: {  	v48 =	vor.u32 v12, v28  }
0xff: {  	v49 =	vor.u32 v12, v27;
	v29 =	vld.idx.msk [tilespmem:v44+s15+$0x0], $0xffff  }
0x100: {  	v28 =	vor.u32 v13, v28;
	v30 =	vld.idx.msk [tilespmem:v45+s16+$0x0], $0xffff  }
0x101: {  	v27 =	vor.u32 v13, v27;
	v31 =	vld.idx.msk [tilespmem:v46+s15+$0x0], $0xffff  }
0x102: {  	v32 =	vld.idx.msk [tilespmem:v47+s16+$0x0], $0xffff  }
0x103: {  	v33 =	vld.idx.msk [tilespmem:v48+s15+$0x0], $0xffff  }
0x104: {  	v34 =	vld.idx.msk [tilespmem:v49+s16+$0x0], $0xffff  }
0x105: {  	v28 =	vld.idx.msk [tilespmem:v28+s15+$0x0], $0xffff;
	v29 =	vmul.f32 v30, v29  }
0x106: {  	v27 =	vld.idx.msk [tilespmem:v27+s16+$0x0], $0xffff  }
0x107: {  	v50 =	vmul.f32 v32, v31;
	v29 =	vmul.f32 v29, v23;
	_ =	sdelay $0x1  }
0x108: {  	v51 =	vmul.f32 v34, v33;
	v30 =	vmul.f32 v50, v24;
	v29 =	vadd.f32 $0.0e+00, v29;
	_ =	sdelay $0x1  }
0x109: {  	v27 =	vmul.f32 v27, v28;
	v52 =	vmul.f32 v51, v25;
	v29 =	vadd.f32 v30, v29;
	_ =	sdelay $0x1  }
0x10a: {  	v27 =	vmul.f32 v27, v26;
	v53 =	vadd.f32 v52, v29;
	_ =	sdelay $0x1  }
0x10b: {  	v27 =	vadd.f32 v27, v53;
	_ =	sdelay $0x1  }
0x10c: {  	[tilespmem:s17+$0xFFFFFFD0] =	vst v27  }
0x10d: {  	v27 =	vld [tilespmem:s19+$0x0];
	_ =	sdelay $0x1  }
0x10e: {  	v54 =	vld [tilespmem:s18+$0x0];
	_ =	sdelay $0x2  }
0x10f: {  	v27 =	vand.u32 $0xFFFFFF80, v27  }
0x110: {  	v27 =	vadd.s32 s0, v27  }
0x111: {  	v28 =	vand.u32 $0xFFFFFF80, v54;
	(v2sf) =	vpush v27, $0xA  }
0x112: {  	v28 =	vadd.s32 s1, v28  }
0x113: {  	(v2sf) =	vpush v28, $0xA;
	_ =	sdelay $0x1  }
0x114: {  	(v2sf) =	vpush v27, $0xB;
	_ =	sdelay $0x1  }
0x115: {  	(v2sf) =	vpush v28, $0xB;
	_ =	sdelay $0x8  }
0x116: {  	s21 =	spop (v2sf)  }
0x117: {  	[tilespmem:s23], [sflag:$0x2] =	stream.strided.gather [hbm4b:s21+s15], $0x1000, s14, s15, $0x38;
	[tilespmem:$0x11700] =	vst v63  }
0x118: {  	s22 =	spop (v2sf);
	s23 =	simm.s32 $0xA400  }
0x119: {  	[tilespmem:s23], [sflag:$0x6] =	stream.strided.gather [hbm4b:s22+s15], $0x1000, s14, s15, $0x38;
	[tilespmem:$0x11700] =	vst v63  }
0x11a: {  	s22 =	spop (v2sf);
	s23 =	simm.s32 $0x3400  }
0x11b: {  	[tilespmem:s23], [sflag:$0x2] =	stream.strided.gather [hbm4b:s22+s15], $0x1000, s14, s15, $0x38;
	[tilespmem:$0x11700] =	vst v63  }
0x11c: {  	s21 =	spop (v2sf);
	s22 =	simm.s32 $0xB400  }
0x11d: {  	[tilespmem:s22], [sflag:$0x6] =	stream.strided.gather [hbm4b:s21+s15], $0x1000, s14, s15, $0x38;
	[tilespmem:$0x11700] =	vst v63  }
0x11e: {  	_ =	swait.ge [sflag:s7], $0x1000  }
0x11f: {  	[sflag:s7] =	ssyncset.done $0x0  }
0x120: {  	[sflag:s7] =	ssyncadd.s32 $0xFFFFF000  }
0x121: {  	_ =	swait.ge [sflag:s8], $0x1000  }
0x122: {  	[sflag:s8] =	ssyncset.done $0x0  }
0x123: {  	[sflag:s8] =	ssyncadd.s32 $0xFFFFF000  }
0x124: {  	s23 =	sadd.s32 $0xFFFFFFF6, s10;
	_ =	swait.ge [sflag:s7], $0x1000  }
0x125: {  	v27 =	vor.u32 s23, v5;
	[sflag:s7] =	ssyncset.done $0x0  }
0x126: {  	[sflag:s7] =	ssyncadd.s32 $0xFFFFF000  }
0x127: {  	_ =	swait.ge [sflag:s8], $0x1000  }
0x128: {  	[sflag:s8] =	ssyncset.done $0x0  }
0x129: {  	[sflag:s8] =	ssyncadd.s32 $0xFFFFF000  }
0x12a: {  	v55 =	vld.idx.msk [tilespmem:v27+s4+$0x0], $0xffff  }
0x12b: {  	v27 =	vld.idx.msk [tilespmem:v27+s2+$0x0], $0xffff;
	_ =	sdelay $0x3  }
0x12c: {  	v28 =	vand.u32 $0x7F, v55  }
0x12d: {  	v27 =	vand.u32 $0x7F, v27;
	v56 =	vor.u32 v14, v28  }
0x12e: {  	v57 =	vor.u32 v14, v27  }
0x12f: {  	v58 =	vor.u32 v15, v28  }
0x130: {  	v59 =	vor.u32 v15, v27  }
0x131: {  	v60 =	vor.u32 v16, v28  }
0x132: {  	v61 =	vor.u32 v16, v27;
	v29 =	vld.idx.msk [tilespmem:v56+s15+$0x0], $0xffff  }
0x133: {  	v28 =	vor.u32 v17, v28;
	v30 =	vld.idx.msk [tilespmem:v57+s16+$0x0], $0xffff  }
0x134: {  	v27 =	vor.u32 v17, v27;
	v31 =	vld.idx.msk [tilespmem:v58+s15+$0x0], $0xffff  }
0x135: {  	v32 =	vld.idx.msk [tilespmem:v59+s16+$0x0], $0xffff  }
0x136: {  	v33 =	vld.idx.msk [tilespmem:v60+s15+$0x0], $0xffff  }
0x137: {  	v34 =	vld.idx.msk [tilespmem:v61+s16+$0x0], $0xffff  }
0x138: {  	v28 =	vld.idx.msk [tilespmem:v28+s15+$0x0], $0xffff;
	v29 =	vmul.f32 v30, v29  }
0x139: {  	v27 =	vld.idx.msk [tilespmem:v27+s16+$0x0], $0xffff  }
0x13a: {  	v62 =	vmul.f32 v32, v31;
	v29 =	vmul.f32 v29, v23;
	_ =	sdelay $0x1  }
0x13b: {  	v63 =	vmul.f32 v34, v33;
	v30 =	vmul.f32 v62, v24;
	v29 =	vadd.f32 $0.0e+00, v29;
	_ =	sdelay $0x1  }
0x13c: {  	v27 =	vmul.f32 v27, v28;
	v33 =	vmul.f32 v63, v25;
	v29 =	vadd.f32 v30, v29;
	_ =	sdelay $0x1  }
0x13d: {  	v27 =	vmul.f32 v27, v26;
	v34 =	vadd.f32 v33, v29;
	_ =	sdelay $0x1  }
0x13e: {  	v27 =	vadd.f32 v27, v34;
	_ =	sdelay $0x1  }
0x13f: {  	[tilespmem:s17+$0xFFFFFFE0] =	vst v27  }
0x140: {  	v27 =	vld [tilespmem:s19+$0x0];
	_ =	sdelay $0x1  }
0x141: {  	v35 =	vld [tilespmem:s18+$0x0];
	_ =	sdelay $0x2  }
0x142: {  	v27 =	vand.u32 $0xFFFFFF80, v27  }
0x143: {  	v27 =	vadd.s32 s0, v27  }
0x144: {  	v28 =	vand.u32 $0xFFFFFF80, v35;
	(v2sf) =	vpush v27, $0xC  }
0x145: {  	v28 =	vadd.s32 s1, v28  }
0x146: {  	(v2sf) =	vpush v28, $0xC;
	_ =	sdelay $0x1  }
0x147: {  	(v2sf) =	vpush v27, $0xD;
	_ =	sdelay $0x1  }
0x148: {  	(v2sf) =	vpush v28, $0xD;
	_ =	sdelay $0x8  }
0x149: {  	s22 =	simm.s32 $0x4400;
	s21 =	spop (v2sf)  }
0x14a: {  	[tilespmem:s22], [sflag:$0x3] =	stream.strided.gather [hbm4b:s21+s15], $0x1000, s14, s15, $0x38;
	[tilespmem:$0x11700] =	vst v63  }
0x14b: {  	s23 =	spop (v2sf)  }
0x14c: {  	[tilespmem:s25], [sflag:$0x7] =	stream.strided.gather [hbm4b:s23+s15], $0x1000, s14, s15, $0x38;
	[tilespmem:$0x11700] =	vst v63  }
0x14d: {  	s21 =	spop (v2sf)  }
0x14e: {  	[tilespmem:s24], [sflag:$0x3] =	stream.strided.gather [hbm4b:s21+s15], $0x1000, s14, s15, $0x38;
	[tilespmem:$0x11700] =	vst v63  }
0x14f: {  	s22 =	spop (v2sf)  }
0x150: {  	[tilespmem:s26], [sflag:$0x7] =	stream.strided.gather [hbm4b:s22+s15], $0x1000, s14, s15, $0x38;
	[tilespmem:$0x11700] =	vst v63  }
0x151: {  	_ =	swait.ge [sflag:s9], $0x1000  }
0x152: {  	[sflag:s9] =	ssyncset.done $0x0  }
0x153: {  	[sflag:s9] =	ssyncadd.s32 $0xFFFFF000  }
0x154: {  	_ =	swait.ge [sflag:s13], $0x1000  }
0x155: {  	[sflag:s13] =	ssyncset.done $0x0  }
0x156: {  	[sflag:s13] =	ssyncadd.s32 $0xFFFFF000  }
0x157: {  	s23 =	sadd.s32 $0xFFFFFFF8, s10;
	_ =	swait.ge [sflag:s9], $0x1000  }
0x158: {  	v27 =	vor.u32 s23, v5;
	[sflag:s9] =	ssyncset.done $0x0  }
0x159: {  	[sflag:s9] =	ssyncadd.s32 $0xFFFFF000  }
0x15a: {  	_ =	swait.ge [sflag:s13], $0x1000  }
0x15b: {  	[sflag:s13] =	ssyncset.done $0x0  }
0x15c: {  	[sflag:s13] =	ssyncadd.s32 $0xFFFFF000  }
0x15d: {  	v36 =	vld.idx.msk [tilespmem:v27+s4+$0x0], $0xffff  }
0x15e: {  	v27 =	vld.idx.msk [tilespmem:v27+s2+$0x0], $0xffff;
	_ =	sdelay $0x3  }
0x15f: {  	v28 =	vand.u32 $0x7F, v36  }
0x160: {  	v27 =	vand.u32 $0x7F, v27;
	v37 =	vor.u32 v18, v28  }
0x161: {  	v38 =	vor.u32 v18, v27  }
0x162: {  	v39 =	vor.u32 v19, v28  }
0x163: {  	v40 =	vor.u32 v19, v27  }
0x164: {  	v41 =	vor.u32 v20, v28  }
0x165: {  	v42 =	vor.u32 v20, v27;
	v29 =	vld.idx.msk [tilespmem:v37+s15+$0x0], $0xffff  }
0x166: {  	v28 =	vor.u32 v21, v28;
	v30 =	vld.idx.msk [tilespmem:v38+s16+$0x0], $0xffff  }
0x167: {  	v27 =	vor.u32 v21, v27;
	v31 =	vld.idx.msk [tilespmem:v39+s15+$0x0], $0xffff  }
0x168: {  	v32 =	vld.idx.msk [tilespmem:v40+s16+$0x0], $0xffff  }
0x169: {  	v33 =	vld.idx.msk [tilespmem:v41+s15+$0x0], $0xffff  }
0x16a: {  	v34 =	vld.idx.msk [tilespmem:v42+s16+$0x0], $0xffff  }
0x16b: {  	v28 =	vld.idx.msk [tilespmem:v28+s15+$0x0], $0xffff;
	v29 =	vmul.f32 v30, v29  }
0x16c: {  	v27 =	vld.idx.msk [tilespmem:v27+s16+$0x0], $0xffff  }
0x16d: {  	v43 =	vmul.f32 v32, v31;
	v29 =	vmul.f32 v29, v23;
	_ =	sdelay $0x1  }
0x16e: {  	v44 =	vmul.f32 v34, v33;
	v30 =	vmul.f32 v43, v24;
	v29 =	vadd.f32 $0.0e+00, v29;
	_ =	sdelay $0x1  }
0x16f: {  	v27 =	vmul.f32 v27, v28;
	v45 =	vmul.f32 v44, v25;
	v29 =	vadd.f32 v30, v29;
	_ =	sdelay $0x1  }
0x170: {  	v27 =	vmul.f32 v27, v26;
	v46 =	vadd.f32 v45, v29;
	_ =	sdelay $0x1  }
0x171: {  	v27 =	vadd.f32 v27, v46;
	_ =	sdelay $0x1  }
0x172: {  	[tilespmem:s17+$0xFFFFFFF0] =	vst v27  }
0x173: {  	v27 =	vld [tilespmem:s19+$0x0];
	_ =	sdelay $0x1  }
0x174: {  	v47 =	vld [tilespmem:s18+$0x0];
	_ =	sdelay $0x2  }
0x175: {  	v27 =	vand.u32 $0xFFFFFF80, v27  }
0x176: {  	v27 =	vadd.s32 s0, v27  }
0x177: {  	v28 =	vand.u32 $0xFFFFFF80, v47;
	(v2sf) =	vpush v27, $0xE  }
0x178: {  	v28 =	vadd.s32 s1, v28  }
0x179: {  	(v2sf) =	vpush v28, $0xE;
	_ =	sdelay $0x1  }
0x17a: {  	(v2sf) =	vpush v27, $0xF;
	_ =	sdelay $0x1  }
0x17b: {  	(v2sf) =	vpush v28, $0xF;
	_ =	sdelay $0x8  }
0x17c: {  	s21 =	spop (v2sf)  }
0x17d: {  	[tilespmem:s28], [sflag:$0x4] =	stream.strided.gather [hbm4b:s21+s15], $0x1000, s14, s15, $0x38;
	[tilespmem:$0x11700] =	vst v63  }
0x17e: {  	s22 =	spop (v2sf)  }
0x17f: {  	[tilespmem:s29], [sflag:$0x8] =	stream.strided.gather [hbm4b:s22+s15], $0x1000, s14, s15, $0x38;
	[tilespmem:$0x11700] =	vst v63  }
0x180: {  	s23 =	spop (v2sf)  }
0x181: {  	[tilespmem:s30], [sflag:$0x4] =	stream.strided.gather [hbm4b:s23+s15], $0x1000, s14, s15, $0x38;
	[tilespmem:$0x11700] =	vst v63  }
0x182: {  	s21 =	spop (v2sf)  }
0x183: {  	[tilespmem:s31], [sflag:$0x8] =	stream.strided.gather [hbm4b:s21+s15], $0x1000, s14, s15, $0x38;
	[tilespmem:$0x11700] =	vst v63  }
0x184: {  	_ =	swait.ge [sflag:s3], $0x1000  }
0x185: {  	[sflag:s3] =	ssyncset.done $0x0  }
0x186: {  	[sflag:s3] =	ssyncadd.s32 $0xFFFFF000  }
0x187: {  	_ =	swait.ge [sflag:s5], $0x1000  }
0x188: {  	[sflag:s5] =	ssyncset.done $0x0  }
0x189: {  	[sflag:s5] =	ssyncadd.s32 $0xFFFFF000  }
0x18a: {  	s22 =	sadd.s32 $0xFFFFFFFA, s10;
	_ =	swait.ge [sflag:s3], $0x1000  }
0x18b: {  	v27 =	vor.u32 s22, v5;
	[sflag:s3] =	ssyncset.done $0x0  }
0x18c: {  	[sflag:s3] =	ssyncadd.s32 $0xFFFFF000  }
0x18d: {  	_ =	swait.ge [sflag:s5], $0x1000  }
0x18e: {  	[sflag:s5] =	ssyncset.done $0x0  }
0x18f: {  	[sflag:s5] =	ssyncadd.s32 $0xFFFFF000  }
0x190: {  	v48 =	vld.idx.msk [tilespmem:v27+s4+$0x0], $0xffff  }
0x191: {  	v27 =	vld.idx.msk [tilespmem:v27+s2+$0x0], $0xffff;
	_ =	sdelay $0x3  }
0x192: {  	v28 =	vand.u32 $0x7F, v48  }
0x193: {  	v27 =	vand.u32 $0x7F, v27;
	v49 =	vor.u32 v6, v28  }
0x194: {  	v50 =	vor.u32 v6, v27  }
0x195: {  	v51 =	vor.u32 v7, v28  }
0x196: {  	v52 =	vor.u32 v7, v27  }
0x197: {  	v53 =	vor.u32 v8, v28  }
0x198: {  	v54 =	vor.u32 v8, v27;
	v29 =	vld.idx.msk [tilespmem:v49+s15+$0x0], $0xffff  }
0x199: {  	v28 =	vor.u32 v9, v28;
	v30 =	vld.idx.msk [tilespmem:v50+s16+$0x0], $0xffff  }
0x19a: {  	v27 =	vor.u32 v9, v27;
	v31 =	vld.idx.msk [tilespmem:v51+s15+$0x0], $0xffff  }
0x19b: {  	v32 =	vld.idx.msk [tilespmem:v52+s16+$0x0], $0xffff  }
0x19c: {  	v33 =	vld.idx.msk [tilespmem:v53+s15+$0x0], $0xffff  }
0x19d: {  	v34 =	vld.idx.msk [tilespmem:v54+s16+$0x0], $0xffff  }
0x19e: {  	v28 =	vld.idx.msk [tilespmem:v28+s15+$0x0], $0xffff;
	v29 =	vmul.f32 v30, v29  }
0x19f: {  	v27 =	vld.idx.msk [tilespmem:v27+s16+$0x0], $0xffff  }
0x1a0: {  	v55 =	vmul.f32 v32, v31;
	v29 =	vmul.f32 v29, v23;
	_ =	sdelay $0x1  }
0x1a1: {  	v56 =	vmul.f32 v34, v33;
	v30 =	vmul.f32 v55, v24;
	v29 =	vadd.f32 $0.0e+00, v29;
	_ =	sdelay $0x1  }
0x1a2: {  	v27 =	vmul.f32 v27, v28;
	v57 =	vmul.f32 v56, v25;
	v29 =	vadd.f32 v30, v29;
	_ =	sdelay $0x1  }
0x1a3: {  	v27 =	vmul.f32 v27, v26;
	v58 =	vadd.f32 v57, v29;
	_ =	sdelay $0x1  }
0x1a4: {  	v27 =	vadd.f32 v27, v58;
	_ =	sdelay $0x1  }
0x1a5: {  	p0 =	seq.s32 s10, $0x1FE;
	[tilespmem:s17+$0x0] =	vst v27  }
0x1a6: {  	v27 =	vld @!p0 [tilespmem:s19+$0x10];
	_ =	sdelay $0x1  }
0x1a7: {  	v28 =	vld @!p0 [tilespmem:s18+$0x10];
	_ =	sdelay $0x2  }
0x1a8: {  	v27 =	vand.u32 @!p0 $0xFFFFFF80, v27  }
0x1a9: {  	v27 =	vadd.s32 @!p0 s0, v27  }
0x1aa: {  	v28 =	vand.u32 @!p0 $0xFFFFFF80, v28;
	(v2sf) =	vpush @!p0 v27, $0x0  }
0x1ab: {  	v28 =	vadd.s32 @!p0 s1, v28  }
0x1ac: {  	(v2sf) =	vpush @!p0 v28, $0x0;
	_ =	sdelay $0x1  }
0x1ad: {  	(v2sf) =	vpush @!p0 v27, $0x1;
	_ =	sdelay $0x1  }
0x1ae: {  	(v2sf) =	vpush @!p0 v28, $0x1;
	_ =	sdelay $0x8  }
0x1af: {  	s20 =	simm.s32 @!p0 $0x7A1400;
	s21 =	simm.s32 @!p0 $0x400;
	s22 =	spop @!p0 (v2sf)  }
0x1b0: {  	[tilespmem:s21], [sflag:$0x1] =	stream.strided.gather @!p0 [hbm4b:s22+s21], $0x1000, s20, s21, $0x38;
	[tilespmem:$0x11700] =	vst v63  }
0x1b1: {  	s23 =	simm.s32 @!p0 $0x8400;
	s22 =	spop @!p0 (v2sf)  }
0x1b2: {  	[tilespmem:s23], [sflag:$0x5] =	stream.strided.gather @!p0 [hbm4b:s22+s21], $0x1000, s20, s21, $0x38;
	[tilespmem:$0x11700] =	vst v63  }
0x1b3: {  	s22 =	spop @!p0 (v2sf);
	s23 =	simm.s32 @!p0 $0x1400  }
0x1b4: {  	[tilespmem:s23], [sflag:$0x1] =	stream.strided.gather @!p0 [hbm4b:s22+s21], $0x1000, s20, s21, $0x38;
	[tilespmem:$0x11700] =	vst v63  }
0x1b5: {  	s22 =	spop @!p0 (v2sf);
	s23 =	simm.s32 @!p0 $0x9400  }
0x1b6: {  	[tilespmem:s23], [sflag:$0x5] =	stream.strided.gather @!p0 [hbm4b:s22+s21], $0x1000, s20, s21, $0x38;
	[tilespmem:$0x11700] =	vst v63  }
0x1b7: {  	_ =	swait.ge [sflag:s12], $0x1000  }
0x1b8: {  	[sflag:s12] =	ssyncset.done $0x0  }
0x1b9: {  	[sflag:s12] =	ssyncadd.s32 $0xFFFFF000  }
0x1ba: {  	_ =	swait.ge [sflag:s6], $0x1000  }
0x1bb: {  	[sflag:s6] =	ssyncset.done $0x0  }
0x1bc: {  	[sflag:s6] =	ssyncadd.s32 $0xFFFFF000  }
0x1bd: {  	s23 =	sadd.s32 $0xFFFFFFFC, s10;
	_ =	swait.ge [sflag:s12], $0x1000  }
0x1be: {  	v27 =	vor.u32 s23, v5;
	[sflag:s12] =	ssyncset.done $0x0  }
0x1bf: {  	[sflag:s12] =	ssyncadd.s32 $0xFFFFF000  }
0x1c0: {  	_ =	swait.ge [sflag:s6], $0x1000  }
0x1c1: {  	[sflag:s6] =	ssyncset.done $0x0  }
0x1c2: {  	[sflag:s6] =	ssyncadd.s32 $0xFFFFF000  }
0x1c3: {  	v59 =	vld.idx.msk [tilespmem:v27+s4+$0x0], $0xffff  }
0x1c4: {  	v27 =	vld.idx.msk [tilespmem:v27+s2+$0x0], $0xffff;
	_ =	sdelay $0x3  }
0x1c5: {  	v28 =	vand.u32 $0x7F, v59  }
0x1c6: {  	v27 =	vand.u32 $0x7F, v27;
	v60 =	vor.u32 v10, v28  }
0x1c7: {  	v61 =	vor.u32 v10, v27  }
0x1c8: {  	v62 =	vor.u32 v11, v28  }
0x1c9: {  	v63 =	vor.u32 v11, v27  }
0x1ca: {  	v36 =	vor.u32 v12, v28  }
0x1cb: {  	v37 =	vor.u32 v12, v27;
	v29 =	vld.idx.msk [tilespmem:v60+s15+$0x0], $0xffff  }
0x1cc: {  	v28 =	vor.u32 v13, v28;
	v30 =	vld.idx.msk [tilespmem:v61+s16+$0x0], $0xffff  }
0x1cd: {  	v27 =	vor.u32 v13, v27;
	v31 =	vld.idx.msk [tilespmem:v62+s15+$0x0], $0xffff  }
0x1ce: {  	v32 =	vld.idx.msk [tilespmem:v63+s16+$0x0], $0xffff  }
0x1cf: {  	v33 =	vld.idx.msk [tilespmem:v36+s15+$0x0], $0xffff  }
0x1d0: {  	v34 =	vld.idx.msk [tilespmem:v37+s16+$0x0], $0xffff  }
0x1d1: {  	v28 =	vld.idx.msk [tilespmem:v28+s15+$0x0], $0xffff;
	v29 =	vmul.f32 v30, v29  }
0x1d2: {  	v27 =	vld.idx.msk [tilespmem:v27+s16+$0x0], $0xffff  }
0x1d3: {  	v38 =	vmul.f32 v32, v31;
	v29 =	vmul.f32 v29, v23;
	_ =	sdelay $0x1  }
0x1d4: {  	v39 =	vmul.f32 v34, v33;
	v30 =	vmul.f32 v38, v24;
	v29 =	vadd.f32 $0.0e+00, v29;
	_ =	sdelay $0x1  }
0x1d5: {  	v27 =	vmul.f32 v27, v28;
	v40 =	vmul.f32 v39, v25;
	v29 =	vadd.f32 v30, v29;
	_ =	sdelay $0x1  }
0x1d6: {  	v27 =	vmul.f32 v27, v26;
	v41 =	vadd.f32 v40, v29;
	_ =	sdelay $0x1  }
0x1d7: {  	v27 =	vadd.f32 v27, v41;
	_ =	sdelay $0x1  }
0x1d8: {  	[tilespmem:s17+$0x10] =	vst v27  }
0x1d9: {  	v27 =	vld @!p0 [tilespmem:s19+$0x10];
	_ =	sdelay $0x1  }
0x1da: {  	v28 =	vld @!p0 [tilespmem:s18+$0x10];
	_ =	sdelay $0x2  }
0x1db: {  	v27 =	vand.u32 @!p0 $0xFFFFFF80, v27  }
0x1dc: {  	v27 =	vadd.s32 @!p0 s0, v27  }
0x1dd: {  	v28 =	vand.u32 @!p0 $0xFFFFFF80, v28;
	(v2sf) =	vpush @!p0 v27, $0x2  }
0x1de: {  	v28 =	vadd.s32 @!p0 s1, v28  }
0x1df: {  	(v2sf) =	vpush @!p0 v28, $0x2;
	_ =	sdelay $0x1  }
0x1e0: {  	(v2sf) =	vpush @!p0 v27, $0x3;
	_ =	sdelay $0x1  }
0x1e1: {  	(v2sf) =	vpush @!p0 v28, $0x3;
	_ =	sdelay $0x8  }
0x1e2: {  	s23 =	simm.s32 @!p0 $0x2400;
	s22 =	spop @!p0 (v2sf)  }
0x1e3: {  	[tilespmem:s23], [sflag:$0x2] =	stream.strided.gather @!p0 [hbm4b:s22+s21], $0x1000, s20, s21, $0x38;
	[tilespmem:$0x11700] =	vst v63  }
0x1e4: {  	s22 =	spop @!p0 (v2sf);
	s23 =	simm.s32 @!p0 $0xA400  }
0x1e5: {  	[tilespmem:s23], [sflag:$0x6] =	stream.strided.gather @!p0 [hbm4b:s22+s21], $0x1000, s20, s21, $0x38;
	[tilespmem:$0x11700] =	vst v63  }
0x1e6: {  	s22 =	spop @!p0 (v2sf);
	s23 =	simm.s32 @!p0 $0x3400  }
0x1e7: {  	[tilespmem:s23], [sflag:$0x2] =	stream.strided.gather @!p0 [hbm4b:s22+s21], $0x1000, s20, s21, $0x38;
	[tilespmem:$0x11700] =	vst v63  }
0x1e8: {  	s22 =	spop @!p0 (v2sf);
	s23 =	simm.s32 @!p0 $0xB400  }
0x1e9: {  	[tilespmem:s23], [sflag:$0x6] =	stream.strided.gather @!p0 [hbm4b:s22+s21], $0x1000, s20, s21, $0x38;
	[tilespmem:$0x11700] =	vst v63  }
0x1ea: {  	_ =	swait.ge [sflag:s7], $0x1000  }
0x1eb: {  	[sflag:s7] =	ssyncset.done $0x0  }
0x1ec: {  	[sflag:s7] =	ssyncadd.s32 $0xFFFFF000  }
0x1ed: {  	_ =	swait.ge [sflag:s8], $0x1000  }
0x1ee: {  	[sflag:s8] =	ssyncset.done $0x0  }
0x1ef: {  	[sflag:s8] =	ssyncadd.s32 $0xFFFFF000  }
0x1f0: {  	s23 =	sadd.s32 $0xFFFFFFFE, s10;
	_ =	swait.ge [sflag:s7], $0x1000  }
0x1f1: {  	v27 =	vor.u32 s23, v5;
	[sflag:s7] =	ssyncset.done $0x0  }
0x1f2: {  	[sflag:s7] =	ssyncadd.s32 $0xFFFFF000  }
0x1f3: {  	_ =	swait.ge [sflag:s8], $0x1000  }
0x1f4: {  	[sflag:s8] =	ssyncset.done $0x0  }
0x1f5: {  	[sflag:s8] =	ssyncadd.s32 $0xFFFFF000  }
0x1f6: {  	v42 =	vld.idx.msk [tilespmem:v27+s4+$0x0], $0xffff  }
0x1f7: {  	v27 =	vld.idx.msk [tilespmem:v27+s2+$0x0], $0xffff;
	_ =	sdelay $0x3  }
0x1f8: {  	v28 =	vand.u32 $0x7F, v42  }
0x1f9: {  	v27 =	vand.u32 $0x7F, v27;
	v43 =	vor.u32 v14, v28  }
0x1fa: {  	v44 =	vor.u32 v14, v27  }
0x1fb: {  	v45 =	vor.u32 v15, v28  }
0x1fc: {  	v46 =	vor.u32 v15, v27  }
0x1fd: {  	v47 =	vor.u32 v16, v28  }
0x1fe: {  	v48 =	vor.u32 v16, v27;
	v29 =	vld.idx.msk [tilespmem:v43+s15+$0x0], $0xffff  }
0x1ff: {  	v28 =	vor.u32 v17, v28;
	v30 =	vld.idx.msk [tilespmem:v44+s16+$0x0], $0xffff  }
0x200: {  	v27 =	vor.u32 v17, v27;
	v31 =	vld.idx.msk [tilespmem:v45+s15+$0x0], $0xffff  }
0x201: {  	v32 =	vld.idx.msk [tilespmem:v46+s16+$0x0], $0xffff  }
0x202: {  	v33 =	vld.idx.msk [tilespmem:v47+s15+$0x0], $0xffff  }
0x203: {  	v34 =	vld.idx.msk [tilespmem:v48+s16+$0x0], $0xffff  }
0x204: {  	v28 =	vld.idx.msk [tilespmem:v28+s15+$0x0], $0xffff;
	v29 =	vmul.f32 v30, v29  }
0x205: {  	v27 =	vld.idx.msk [tilespmem:v27+s16+$0x0], $0xffff  }
0x206: {  	v49 =	vmul.f32 v32, v31;
	v29 =	vmul.f32 v29, v23;
	_ =	sdelay $0x1  }
0x207: {  	v50 =	vmul.f32 v34, v33;
	v30 =	vmul.f32 v49, v24;
	v29 =	vadd.f32 $0.0e+00, v29;
	_ =	sdelay $0x1  }
0x208: {  	v27 =	vmul.f32 v27, v28;
	v51 =	vmul.f32 v50, v25;
	v29 =	vadd.f32 v30, v29;
	_ =	sdelay $0x1  }
0x209: {  	v27 =	vmul.f32 v27, v26;
	v52 =	vadd.f32 v51, v29;
	_ =	sdelay $0x1  }
0x20a: {  	v27 =	vadd.f32 v27, v52;
	_ =	sdelay $0x1  }
0x20b: {  	[tilespmem:s17+$0x20] =	vst v27  }
0x20c: {  	v27 =	vld @!p0 [tilespmem:s19+$0x10];
	_ =	sdelay $0x1  }
0x20d: {  	v28 =	vld @!p0 [tilespmem:s18+$0x10];
	_ =	sdelay $0x2  }
0x20e: {  	v27 =	vand.u32 @!p0 $0xFFFFFF80, v27  }
0x20f: {  	v27 =	vadd.s32 @!p0 s0, v27  }
0x210: {  	v28 =	vand.u32 @!p0 $0xFFFFFF80, v28;
	(v2sf) =	vpush @!p0 v27, $0x4  }
0x211: {  	v28 =	vadd.s32 @!p0 s1, v28  }
0x212: {  	(v2sf) =	vpush @!p0 v28, $0x4;
	_ =	sdelay $0x1  }
0x213: {  	(v2sf) =	vpush @!p0 v27, $0x5;
	_ =	sdelay $0x1  }
0x214: {  	(v2sf) =	vpush @!p0 v28, $0x5;
	_ =	sdelay $0x8  }
0x215: {  	s23 =	simm.s32 @!p0 $0x4400;
	s22 =	spop @!p0 (v2sf)  }
0x216: {  	[tilespmem:s23], [sflag:$0x3] =	stream.strided.gather @!p0 [hbm4b:s22+s21], $0x1000, s20, s21, $0x38;
	[tilespmem:$0x11700] =	vst v63  }
0x217: {  	s22 =	spop @!p0 (v2sf);
	s23 =	simm.s32 @!p0 $0xC400  }
0x218: {  	[tilespmem:s23], [sflag:$0x7] =	stream.strided.gather @!p0 [hbm4b:s22+s21], $0x1000, s20, s21, $0x38;
	[tilespmem:$0x11700] =	vst v63  }
0x219: {  	s22 =	spop @!p0 (v2sf);
	s23 =	simm.s32 @!p0 $0x5400  }
0x21a: {  	[tilespmem:s23], [sflag:$0x3] =	stream.strided.gather @!p0 [hbm4b:s22+s21], $0x1000, s20, s21, $0x38;
	[tilespmem:$0x11700] =	vst v63  }
0x21b: {  	s22 =	spop @!p0 (v2sf);
	s23 =	simm.s32 @!p0 $0xD400  }
0x21c: {  	[tilespmem:s23], [sflag:$0x7] =	stream.strided.gather @!p0 [hbm4b:s22+s21], $0x1000, s20, s21, $0x38;
	[tilespmem:$0x11700] =	vst v63  }
0x21d: {  	_ =	swait.ge [sflag:s9], $0x1000  }
0x21e: {  	[sflag:s9] =	ssyncset.done $0x0  }
0x21f: {  	[sflag:s9] =	ssyncadd.s32 $0xFFFFF000  }
0x220: {  	_ =	swait.ge [sflag:s13], $0x1000  }
0x221: {  	[sflag:s13] =	ssyncset.done $0x0  }
0x222: {  	[sflag:s13] =	ssyncadd.s32 $0xFFFFF000  }
0x223: {  	_ =	swait.ge [sflag:s9], $0x1000  }
0x224: {  	v27 =	vor.u32 s10, v5;
	[sflag:s9] =	ssyncset.done $0x0  }
0x225: {  	[sflag:s9] =	ssyncadd.s32 $0xFFFFF000  }
0x226: {  	_ =	swait.ge [sflag:s13], $0x1000  }
0x227: {  	[sflag:s13] =	ssyncset.done $0x0  }
0x228: {  	s20 =	simm.s32 $0x0;
	[sflag:s13] =	ssyncadd.s32 $0xFFFFF000  }
0x229: {  	v53 =	vld.idx.msk [tilespmem:v27+s20+$0x0], $0xffff  }
0x22a: {  	v27 =	vld.idx.msk [tilespmem:v27+s2+$0x0], $0xffff;
	_ =	sdelay $0x3  }
0x22b: {  	v28 =	vand.u32 $0x7F, v53  }
0x22c: {  	v27 =	vand.u32 $0x7F, v27;
	v54 =	vor.u32 v18, v28  }
0x22d: {  	v55 =	vor.u32 v18, v27  }
0x22e: {  	v56 =	vor.u32 v19, v28  }
0x22f: {  	v57 =	vor.u32 v19, v27  }
0x230: {  	v58 =	vor.u32 v20, v28  }
0x231: {  	v59 =	vor.u32 v20, v27;
	v29 =	vld.idx.msk [tilespmem:v54+s15+$0x0], $0xffff  }
0x232: {  	v28 =	vor.u32 v21, v28;
	v30 =	vld.idx.msk [tilespmem:v55+s16+$0x0], $0xffff  }
0x233: {  	v27 =	vor.u32 v21, v27;
	v31 =	vld.idx.msk [tilespmem:v56+s15+$0x0], $0xffff  }
0x234: {  	v32 =	vld.idx.msk [tilespmem:v57+s16+$0x0], $0xffff  }
0x235: {  	v33 =	vld.idx.msk [tilespmem:v58+s15+$0x0], $0xffff  }
0x236: {  	v34 =	vld.idx.msk [tilespmem:v59+s16+$0x0], $0xffff  }
0x237: {  	v28 =	vld.idx.msk [tilespmem:v28+s15+$0x0], $0xffff;
	v29 =	vmul.f32 v30, v29  }
0x238: {  	v27 =	vld.idx.msk [tilespmem:v27+s16+$0x0], $0xffff  }
0x239: {  	v60 =	vmul.f32 v32, v31;
	v29 =	vmul.f32 v29, v23;
	_ =	sdelay $0x1  }
0x23a: {  	v61 =	vmul.f32 v34, v33;
	v30 =	vmul.f32 v60, v24;
	v29 =	vadd.f32 $0.0e+00, v29;
	_ =	sdelay $0x1  }
0x23b: {  	s10 =	sadd.s32 $0x10, s10;
	v27 =	vmul.f32 v27, v28;
	v62 =	vmul.f32 v61, v25;
	v29 =	vadd.f32 v30, v29  }
0x23c: {  	p0 =	sne.s32 s10, $0x20E  }
.Ltmp0:
0x23d: {  	v27 =	vmul.f32 v27, v26;
	v63 =	vadd.f32 v62, v29;
	(pc) =	sbr.rel @p0 .LBB2_2-.Ltmp0, $4  }
0x23e: {  	_ = 	snop  }
0x23f: {  	v27 =	vadd.f32 v27, v63  }
0x240: {  	s19 =	sadd.s32 $0x10, s19;
	s18 =	sadd.s32 $0x10, s18;
	s23 =	simm.s32 $0x2400  }
0x241: {  	s22 =	simm.s32 $0x9400;
	s21 =	simm.s32 $0x1400;
	[tilespmem:s17+$0x30] =	vst v27;
	s17 =	sadd.s32 $0x80, s17  }
0x242: {  	v27 =	vmul.u32 $0x8, v0;
	_ =	sdelay $0x1  }
0x243: {  	v24 =	vor.u32 s20, v27  }
0x244: {  	v25 =	vor.u32 $0x1, v27  }
0x245: {  	v26 =	vor.u32 s20, v25  }
0x246: {  	v23 =	vor.u32 $0x2, v27  }
0x247: {  	v28 =	vor.u32 s20, v23  }
0x248: {  	v29 =	vld.idx.msk [tilespmem:v24+s11+$0x0], $0xffff;
	v24 =	vor.u32 $0x3, v27  }
0x249: {  	v30 =	vor.u32 s20, v24  }
0x24a: {  	v31 =	vld.idx.msk [tilespmem:v26+s11+$0x0], $0xffff;
	v26 =	vor.u32 $0x4, v27  }
0x24b: {  	v32 =	vor.u32 s20, v26  }
0x24c: {  	v33 =	vld.idx.msk [tilespmem:v28+s11+$0x0], $0xffff;
	v28 =	vor.u32 $0x5, v27  }
0x24d: {  	v34 =	vor.u32 s20, v28;
	v35 =	vadd.f32 v29, v22  }
0x24e: {  	v29 =	vor.u32 $0x6, v27;
	v36 =	vld.idx.msk [tilespmem:v30+s11+$0x0], $0xffff  }
0x24f: {  	v37 =	vor.u32 s20, v29;
	v31 =	vadd.f32 v31, v35  }
0x250: {  	v30 =	vor.u32 $0x7, v27;
	v32 =	vld.idx.msk [tilespmem:v32+s11+$0x0], $0xffff  }
0x251: {  	v51 =	vor.u32 s20, v30;
	v31 =	vadd.f32 v33, v31  }
0x252: {  	v52 =	vld.idx.msk [tilespmem:v34+s11+$0x0], $0xffff  }
0x253: {  	v31 =	vadd.f32 v36, v31  }
0x254: {  	v53 =	vld.idx.msk [tilespmem:v37+s11+$0x0], $0xffff  }
0x255: {  	v31 =	vadd.f32 v32, v31  }
0x256: {  	v54 =	vld.idx.msk [tilespmem:v51+s11+$0x0], $0xffff  }
0x257: {  	v31 =	vadd.f32 v52, v31  }
0x258: {  	s17 =	simm.s32 $0x80  }
0x259: {  	v55 =	vor.u32 s17, v27;
	v31 =	vadd.f32 v53, v31;
	_ =	sdelay $0x1  }
0x25a: {  	v56 =	vor.u32 s17, v25;
	v31 =	vadd.f32 v54, v31  }
0x25b: {  	s10 =	simm.s32 $0x11400  }
0x25c: {  	v57 =	vor.u32 s17, v23;
	[tilespmem:s10+$0x0] =	vst v31  }
0x25d: {  	v31 =	vld.idx.msk [tilespmem:v55+s11+$0x0], $0xffff  }
0x25e: {  	v58 =	vor.u32 s17, v24  }
0x25f: {  	v34 =	vld.idx.msk [tilespmem:v56+s11+$0x0], $0xffff  }
0x260: {  	v59 =	vor.u32 s17, v26  }
0x261: {  	v32 =	vld.idx.msk [tilespmem:v57+s11+$0x0], $0xffff  }
0x262: {  	v60 =	vor.u32 s17, v28;
	v31 =	vadd.f32 v31, v22  }
0x263: {  	v33 =	vld.idx.msk [tilespmem:v58+s11+$0x0], $0xffff  }
0x264: {  	v62 =	vor.u32 s17, v29;
	v31 =	vadd.f32 v34, v31  }
0x265: {  	v61 =	vld.idx.msk [tilespmem:v59+s11+$0x0], $0xffff  }
0x266: {  	v63 =	vor.u32 s17, v30;
	v31 =	vadd.f32 v32, v31  }
0x267: {  	v36 =	vld.idx.msk [tilespmem:v60+s11+$0x0], $0xffff  }
0x268: {  	v31 =	vadd.f32 v33, v31  }
0x269: {  	v32 =	vld.idx.msk [tilespmem:v62+s11+$0x0], $0xffff  }
0x26a: {  	v33 =	vadd.f32 v61, v31  }
0x26b: {  	v31 =	vld.idx.msk [tilespmem:v63+s11+$0x0], $0xffff  }
0x26c: {  	s18 =	simm.s32 $0x180;
	s17 =	simm.s32 $0x100;
	v33 =	vadd.f32 v36, v33  }
.LBB2_4:
0x26d: {  	p0 =	sne.s32 s18, $0xF80  }
0x26e: {  	v34 =	vor.u32 s17, v27;
	v32 =	vadd.f32 v32, v33  }
0x26f: {  	v33 =	vor.u32 $0x1, v27  }
0x270: {  	v33 =	vor.u32 s17, v33;
	v31 =	vadd.f32 v31, v32  }
0x271: {  	s10 =	sadd.s32 $0x10, s10;
	v32 =	vor.u32 $0x2, v27  }
0x272: {  	v32 =	vor.u32 s17, v32;
	[tilespmem:s10+$0x0] =	vst v31  }
0x273: {  	v31 =	vld.idx.msk [tilespmem:v34+s11+$0x0], $0xffff;
	v34 =	vor.u32 $0x3, v27  }
0x274: {  	v34 =	vor.u32 s17, v34  }
0x275: {  	v35 =	vor.u32 $0x4, v27;
	v33 =	vld.idx.msk [tilespmem:v33+s11+$0x0], $0xffff  }
0x276: {  	v35 =	vor.u32 s17, v35  }
0x277: {  	v36 =	vor.u32 $0x5, v27;
	v32 =	vld.idx.msk [tilespmem:v32+s11+$0x0], $0xffff  }
0x278: {  	v36 =	vor.u32 s17, v36  }
0x279: {  	v37 =	vor.u32 $0x6, v27;
	v31 =	vadd.f32 v31, v22;
	v34 =	vld.idx.msk [tilespmem:v34+s11+$0x0], $0xffff  }
0x27a: {  	v37 =	vor.u32 s17, v37  }
0x27b: {  	v31 =	vadd.f32 v33, v31;
	v33 =	vld.idx.msk [tilespmem:v35+s11+$0x0], $0xffff;
	v35 =	vor.u32 $0x7, v27  }
0x27c: {  	v35 =	vor.u32 s17, v35;
	s17 =	smov.u32 s18  }
0x27d: {  	v31 =	vadd.f32 v32, v31;
	v36 =	vld.idx.msk [tilespmem:v36+s11+$0x0], $0xffff;
	_ =	sdelay $0x1  }
.Ltmp1:
0x27e: {  	v31 =	vadd.f32 v34, v31;
	v32 =	vld.idx.msk [tilespmem:v37+s11+$0x0], $0xffff;
	(pc) =	sbr.rel @p0 .LBB2_4-.Ltmp1, $3  }
0x27f: {  	_ = 	snop  }
0x280: {  	v33 =	vadd.f32 v33, v31;
	v31 =	vld.idx.msk [tilespmem:v35+s11+$0x0], $0xffff;
	_ =	sdelay $0x1  }
0x281: {  	s18 =	sadd.s32 $0x80, s18;
	v33 =	vadd.f32 v36, v33  }
0x282: {  	_ = 	snop  }
0x283: {  	v27 =	vor.u32 s17, v27;
	v32 =	vadd.f32 v32, v33;
	_ =	sdelay $0x1  }
0x284: {  	v25 =	vor.u32 s17, v25;
	v31 =	vadd.f32 v31, v32  }
0x285: {  	s10 =	sadd.s32 $0x10, s10  }
0x286: {  	v23 =	vor.u32 s17, v23;
	[tilespmem:s10+$0x0] =	vst v31  }
0x287: {  	v27 =	vld.idx.msk [tilespmem:v27+s11+$0x0], $0xffff  }
0x288: {  	v24 =	vor.u32 s17, v24  }
0x289: {  	v25 =	vld.idx.msk [tilespmem:v25+s11+$0x0], $0xffff  }
0x28a: {  	v26 =	vor.u32 s17, v26  }
0x28b: {  	v23 =	vld.idx.msk [tilespmem:v23+s11+$0x0], $0xffff  }
0x28c: {  	v28 =	vor.u32 s17, v28;
	v22 =	vadd.f32 v27, v22  }
0x28d: {  	v24 =	vld.idx.msk [tilespmem:v24+s11+$0x0], $0xffff  }
0x28e: {  	v59 =	vor.u32 s17, v29;
	v22 =	vadd.f32 v25, v22  }
0x28f: {  	v60 =	vld.idx.msk [tilespmem:v26+s11+$0x0], $0xffff  }
0x290: {  	v61 =	vor.u32 s17, v30;
	v22 =	vadd.f32 v23, v22  }
0x291: {  	v23 =	vld.idx.msk [tilespmem:v28+s11+$0x0], $0xffff  }
0x292: {  	v22 =	vadd.f32 v24, v22  }
0x293: {  	v62 =	vld.idx.msk [tilespmem:v59+s11+$0x0], $0xffff  }
0x294: {  	v22 =	vadd.f32 v60, v22  }
0x295: {  	v63 =	vld.idx.msk [tilespmem:v61+s11+$0x0], $0xffff  }
0x296: {  	v22 =	vadd.f32 v23, v22;
	_ =	sdelay $0x1  }
0x297: {  	v22 =	vadd.f32 v62, v22;
	_ =	sdelay $0x1  }
0x298: {  	v22 =	vadd.f32 v63, v22  }
0x299: {  	s10 =	sadd.s32 $0x10, s10  }
0x29a: {  	s24 =	rddreg [dreg:$0xb];
	s25 =	simm.s32 $0x11400;
	s17 =	simm.s32 $0x9;
	[tilespmem:s10+$0x0] =	vst v22  }
0x29b: {  	[hbm4b:s24+s4] =	stream.linear.scatter [tilespmem:s25], [sflag:$0x9], $0x200, $0x38;
	[tilespmem:$0x11700] =	vst v63  }
0x29c: {  	_ =	swait.ge [sflag:s17], $0x200  }
0x29d: {  	s18 =	rddreg [dreg:$0xd]  }
0x29e: {  	s26 =	rddreg [dreg:$0xc];
	s18 =	sadd.s32 $0x1, s18  }
0x29f: {  	p0 =	sne.s32 s18, s26  }
.Ltmp2:
0x2a0: {  	_ = 	snop;
	(pc) =	sbr.rel @p0 .LBB2_1-.Ltmp2, $3  }
0x2a1: {  	_ =	sdelay $0x1  }
0x2a2: {  	s20 =	simm.s32 $0xA400;
	s24 =	simm.s32 $0x3400;
	[sflag:s17] =	ssyncset.done $0x0  }
0x2a3: {  	s25 =	simm.s32 $0xB400;
	[sflag:s17] =	ssyncadd.s32 $0xFFFFFE00;
	s26 =	simm.s32 $0x4400  }
0x2a4: {  	_ =	sfence.sel $0x180000  }
0x2a5: {  	[bflag:$0x0] =	sbarrier.arrive $0xFFFF  }
0x2a6: {  	_ =	strace $0x90000047  }
0x2a7: {  	s0 =	stileid.u32;
	[bflag:$0x2] =	sbarrier.arrive $0xFFFF  }
0x2a8: {  	p0 =	sne.s32 s0, $0x0;
	s0 =	rddreg [dreg:$0x7]  }
0x2a9: {  	s0 =	sadd.s32 @!p0 $0x100000, s0  }
0x2aa: {  	[sflag:s0] =	ssyncadd.tile.s32 @!p0 $0x1;
	_ =	shalt  }
.Lfunc_end2:
_tile_overlayer_lowered:
.L_overlay_start_2:
0x2ab: {  	(tag) =	ssettag $0x2  }
0x2ac: {  	s0 =	rddreg [dreg:$0x0];
	s2 =	stileid.u32  }
0x2ad: {  	s1 =	rddreg [dreg:$0x1];
	p0 =	sne.s32 s2, $0x0  }
0x2ae: {  	s3 =	rddreg [dreg:$0x2];
	[bflag:$0x3] =	sbarrier.arrive $0xFFFF;
	s2 =	simm.s32 @!p0 $0x1C09  }
0x2af: {  	[timem:s3], [sflag:s2] =	dma.local @!p0 [hbm:s0], s1  }
0x2b0: {  	s0 =	simm.s32 @!p0 $0x9  }
0x2b1: {  	_ =	swait.ge @!p0 [sflag:s0], s1  }
0x2b2: {  	s1 =	ssub.s32 @!p0 $0x0, s1;
	[sflag:s0] =	ssyncset.done @!p0 $0x0  }
0x2b3: {  	[sflag:s0] =	ssyncadd.s32 @!p0 s1  }
0x2b4: {  	[bflag:$0x3] =	sbarrier.arrive $0xFFFF  }
0x2b5: {  	_ =	shalt  }

</sc_bundles>
